<compile_context>
chip_gen: v7x
topology: tpu7x:2x2x1
jax: 0.10.2.dev20260603
libtpu: 0.0.44.dev20260713+nightly
codegen_flags: <defaults>
</compile_context>

<pallas_src>
import functools

import jax
import jax.numpy as jnp
from jax import lax
from jax.experimental import pallas as pl
from jax.experimental.pallas import tpu as pltpu
from jax.experimental.pallas import tpu_sc as plsc

_EPS = 1e-8
_L = 16
_NT = 16
_UNROLL = 16

def _sqrt16(v):
    i = plsc.bitcast(v, jnp.int32)
    y = plsc.bitcast(jnp.int32(0x5F3759DF) - (i >> 1), jnp.float32)
    y = y * (1.5 - 0.5 * v * y * y)
    y = y * (1.5 - 0.5 * v * y * y)
    r = v * y
    return jnp.where(v > 0.0, r, 0.0)


@functools.partial(jax.jit, static_argnames=("n", "num_segments"))
def _run(fv_r, seg_r, w_b, *, n, num_segments):
    nt = _NT
    per = fv_r.shape[2]
    groups = per // _L
    b_pad = ((num_segments + 1 + 127) // 128) * 128
    nblk = b_pad // 128

    mesh = plsc.VectorSubcoreMesh(
        core_axis_name="c", subcore_axis_name="s", num_cores=1)

    @functools.partial(
        pl.kernel,
        out_type=jax.ShapeDtypeStruct((nt, 3, per), jnp.float32),
        mesh=mesh,
        compiler_params=pltpu.CompilerParams(needs_layout_passes=False),
        scratch_types=[
            pltpu.VMEM((3, per), jnp.float32),
            pltpu.VMEM((per,), jnp.int32),
            pltpu.VMEM((b_pad,), jnp.float32),
            pltpu.VMEM((b_pad,), jnp.float32),
            pltpu.VMEM((b_pad,), jnp.float32),
            pltpu.VMEM((128,), jnp.float32),
            pltpu.VMEM((_L,), jnp.float32),
            pltpu.VMEM((nt, 2, 128), jnp.float32),
            pltpu.VMEM_SHARED((nt, 2, b_pad), jnp.float32),
            pltpu.VMEM_SHARED((b_pad,), jnp.float32),
        ],
    )
    def sc_kernel(fv_hbm, seg_hbm, w_hbm, out_hbm,
                  fv_v, seg_v, sums_v, cnts_v, inv_v, invblk_v, w_v,
                  slab_v, shared, inv_sh):
        sid = lax.axis_index("s")
        with jax.named_scope("dma_in"):
            pltpu.sync_copy(fv_hbm.at[sid], fv_v)
            pltpu.sync_copy(seg_hbm.at[sid], seg_v)
            pltpu.sync_copy(w_hbm, w_v)

        zeros = jnp.zeros((_L,), jnp.float32)
        ones = jnp.ones((_L,), jnp.float32)

        with jax.named_scope("zero"):
            def zero_body(j, _):
                sums_v[pl.ds(j * _L, _L)] = zeros
                cnts_v[pl.ds(j * _L, _L)] = zeros
                return 0
            lax.fori_loop(0, b_pad // _L, zero_body, 0)

        with jax.named_scope("acc"):
            def acc_body(gg, _):
                base = gg * (_UNROLL * _L)
                nrms = []
                segs = []
                for u in range(_UNROLL):
                    o = base + u * _L
                    x = fv_v[0, pl.ds(o, _L)]
                    y = fv_v[1, pl.ds(o, _L)]
                    z = fv_v[2, pl.ds(o, _L)]
                    nrms.append(_sqrt16(x * x + y * y + z * z))
                    segs.append(seg_v[pl.ds(o, _L)])
                for u in range(_UNROLL):
                    plsc.addupdate_scatter(sums_v, [segs[u]], nrms[u])
                    plsc.addupdate_scatter(cnts_v, [segs[u]], ones)
                return 0
            lax.fori_loop(0, groups // _UNROLL, acc_body, 0)

        with jax.named_scope("reduce"):
            pltpu.sync_copy(sums_v, shared.at[sid, 0])
            pltpu.sync_copy(cnts_v, shared.at[sid, 1])
            plsc.subcore_barrier()

            @pl.when(sid < nblk)
            def _():
                pltpu.sync_copy(shared.at[:, :, pl.ds(sid * 128, 128)],
                                slab_v)

                def red_body(j, _):
                    o = j * _L
                    s = zeros
                    c = zeros
                    for t in range(nt):
                        s = s + slab_v[t, 0, pl.ds(o, _L)]
                        c = c + slab_v[t, 1, pl.ds(o, _L)]
                    mean = jnp.maximum(s / jnp.maximum(c, 1.0), _EPS)
                    invblk_v[pl.ds(o, _L)] = w_v[...] / mean
                    return 0
                lax.fori_loop(0, 128 // _L, red_body, 0)
                pltpu.sync_copy(invblk_v, inv_sh.at[pl.ds(sid * 128, 128)])

            plsc.subcore_barrier()
            pltpu.sync_copy(inv_sh, inv_v)

        with jax.named_scope("scale"):
            def scale_body(gg, _):
                base = gg * (_UNROLL * _L)
                ivs = []
                for u in range(_UNROLL):
                    o = base + u * _L
                    seg = seg_v[pl.ds(o, _L)]
                    ivs.append(plsc.load_gather(inv_v, [seg]))
                for u in range(_UNROLL):
                    o = base + u * _L
                    iv = ivs[u]
                    fv_v[0, pl.ds(o, _L)] = fv_v[0, pl.ds(o, _L)] * iv
                    fv_v[1, pl.ds(o, _L)] = fv_v[1, pl.ds(o, _L)] * iv
                    fv_v[2, pl.ds(o, _L)] = fv_v[2, pl.ds(o, _L)] * iv
                return 0
            lax.fori_loop(0, groups // _UNROLL, scale_body, 0)

        with jax.named_scope("dma_out"):
            pltpu.sync_copy(fv_v, out_hbm.at[sid])

    return sc_kernel(fv_r, seg_r, w_b)


def kernel(fv_pos, segment_ids, weight):
    n = fv_pos.shape[0]
    num_segments = 1024
    chunk = _L * _UNROLL
    per = ((n + _NT * chunk - 1) // (_NT * chunk)) * chunk
    n_pad = _NT * per

    seg32 = segment_ids.astype(jnp.int32)
    fv_pad = jnp.concatenate(
        [fv_pos.astype(jnp.float32),
         jnp.zeros((n_pad - n, 3), jnp.float32)], axis=0)
    seg_pad = jnp.concatenate(
        [seg32, jnp.full((n_pad - n,), num_segments, jnp.int32)], axis=0)
    fv_r = fv_pad.reshape(_NT, per, 3).transpose(0, 2, 1)
    seg_r = seg_pad.reshape(_NT, per)
    w_b = jnp.broadcast_to(weight.astype(jnp.float32), (_L,))

    out = _run(fv_r, seg_r, w_b, n=n, num_segments=num_segments)
    return out.transpose(0, 2, 1).reshape(n_pad, 3)[:n]

# --- scband reference (transcript-rebuilt; emitter-appended) ---
"""Pipeline reference for scband-pos-scale-norm-layer-60301340836013 (READ-ONLY COPY).

The authoritative reference and input builder live on the scoring server;
editing this copy changes nothing except your own understanding.
"""

import jax, jax.numpy as jnp
import numpy as np

N = 100000   # total nodes across the batched graph
B = 1024     # number of graphs in the batch (num segments)
EPS = 1e-08


def setup_inputs(seed: int = 0) -> dict:
    key = jax.random.key(seed)
    k1, k2 = jax.random.split(key)
    fv_pos = jax.random.normal(k1, (N, 3), dtype=jnp.float32)
    segment_ids = jnp.sort(jax.random.randint(k2, (N,), 0, B, dtype=jnp.int64))
    weight = jnp.ones((1,), dtype=jnp.float32)  # nn.Parameter init ones_
    return {"fv_pos": fv_pos, "segment_ids": segment_ids, "weight": weight}


def _readout_node_norm(fv_pos, segment_ids):
    # norm_type='node': per-node L2 norm, then per-graph (segment) mean
    norm = jnp.linalg.norm(fv_pos, ord=2, axis=-1, keepdims=True)  # [N, 1]
    seg_sum = jax.ops.segment_sum(norm, segment_ids, num_segments=B)  # [B, 1]
    ones = jnp.ones((norm.shape[0], 1), dtype=norm.dtype)
    counts = jax.ops.segment_sum(ones, segment_ids, num_segments=B)   # [B, 1]
    mean_norm = seg_sum / jnp.maximum(counts, 1.0)  # mean reduce (guard empty segs)
    return mean_norm


def reference(fv_pos, segment_ids, weight):
    mean_norm = _readout_node_norm(fv_pos, segment_ids)
    mean_norm = jnp.maximum(mean_norm, EPS)  # .clamp(min=eps)
    # dgl.broadcast_nodes: gather per-graph scalar back to every node
    mean_b = jnp.take(mean_norm, segment_ids, axis=0)  # [N, 1]
    new_fv = weight * fv_pos / mean_b
    return new_fv

if __name__ == "__main__":
    import jax
    _d = setup_inputs()
    print(jax.jit(kernel)(*tuple(_d.values())))

</pallas_src>

<mosaic_0001>
#map = affine_map<(d0, d1) -> (0, 0, 0)>
#map1 = affine_map<(d0, d1) -> (0, 0)>
#map2 = affine_map<(d0, d1) -> (0)>
module attributes {stable_mosaic.version = 14 : i64} {
  func.func @sc_kernel(%arg0: i32, %arg1: i32, %arg2: memref<16x3x6400xf32, #tpu.memory_space<hbm>>, %arg3: memref<16x6400xi32, #tpu.memory_space<hbm>>, %arg4: memref<16xf32, #tpu.memory_space<hbm>>, %arg5: memref<16x3x6400xf32, #tpu.memory_space<hbm>>, %arg6: memref<3x6400xf32, #tpu.memory_space<vmem>>, %arg7: memref<6400xi32, #tpu.memory_space<vmem>>, %arg8: memref<1152xf32, #tpu.memory_space<vmem>>, %arg9: memref<1152xf32, #tpu.memory_space<vmem>>, %arg10: memref<1152xf32, #tpu.memory_space<vmem>>, %arg11: memref<128xf32, #tpu.memory_space<vmem>>, %arg12: memref<16xf32, #tpu.memory_space<vmem>>, %arg13: memref<16x2x128xf32, #tpu.memory_space<vmem>>, %arg14: memref<16x2x1152xf32, #tpu.memory_space<vmem_shared>>, %arg15: memref<1152xf32, #tpu.memory_space<vmem_shared>>) attributes {dimension_semantics = [#tpu.dimension_semantics<core_parallel>, #tpu.dimension_semantics<subcore_parallel>], iteration_bounds = array<i64: 1, 16>, scalar_prefetch = 0 : i64, scratch_operands = 10 : i64, tpu.core_type = #tpu.core_type<sc_vector_subcore>, window_params = [{transform_indices = #map}, {transform_indices = #map1}, {transform_indices = #map2}, {transform_indices = #map}]} {
    "tpu.trace_start"() <{level = 10 : i32, message = "dma_in"}> : () -> ()
    "tpu.region"() ({
      %run_scoped3A_27 = tpu.sem_alloc : memref<!tpu.dma_semaphore, #tpu.memory_space<semaphore_mem>>
      %dma_start3A = arith.constant 0 : i32
      %dma_start3A_28 = arith.constant 0 : i32
      %dma_start3A_29 = tpu.memref_slice %arg2[%arg1, %dma_start3A, %dma_start3A_28] : memref<16x3x6400xf32, #tpu.memory_space<hbm>> -> memref<1x3x6400xf32, #tpu.memory_space<hbm>>
      %dma_start3A_30 = tpu.memref_squeeze %dma_start3A_29 : memref<1x3x6400xf32, #tpu.memory_space<hbm>> -> memref<3x6400xf32, #tpu.memory_space<hbm>>
      %dma_start3A_31 = arith.constant 0 : i32
      %dma_start3A_32 = arith.constant 0 : i32
      %dma_start3A_33 = tpu.memref_slice %arg2[%arg1, %dma_start3A_31, %dma_start3A_32] : memref<16x3x6400xf32, #tpu.memory_space<hbm>> -> memref<1x3x6400xf32, #tpu.memory_space<hbm>>
      %dma_start3A_34 = tpu.memref_squeeze %dma_start3A_33 : memref<1x3x6400xf32, #tpu.memory_space<hbm>> -> memref<3x6400xf32, #tpu.memory_space<hbm>>
      tpu.enqueue_dma source(%dma_start3A_34 : memref<3x6400xf32, #tpu.memory_space<hbm>>) target(%arg6 : memref<3x6400xf32, #tpu.memory_space<vmem>>) target_semaphore(%run_scoped3A_27 : memref<!tpu.dma_semaphore, #tpu.memory_space<semaphore_mem>>)
      %dma_wait3A = arith.constant 0 : i32
      %dma_wait3A_35 = arith.constant 0 : i32
      %dma_wait3A_36 = tpu.memref_slice %arg2[%arg1, %dma_wait3A, %dma_wait3A_35] : memref<16x3x6400xf32, #tpu.memory_space<hbm>> -> memref<1x3x6400xf32, #tpu.memory_space<hbm>>
      %dma_wait3A_37 = tpu.memref_squeeze %dma_wait3A_36 : memref<1x3x6400xf32, #tpu.memory_space<hbm>> -> memref<3x6400xf32, #tpu.memory_space<hbm>>
      %dma_wait3A_38 = arith.constant 0 : i32
      %dma_wait3A_39 = arith.constant 0 : i32
      %dma_wait3A_40 = tpu.memref_slice %arg2[%arg1, %dma_wait3A_38, %dma_wait3A_39] : memref<16x3x6400xf32, #tpu.memory_space<hbm>> -> memref<1x3x6400xf32, #tpu.memory_space<hbm>>
      %dma_wait3A_41 = tpu.memref_squeeze %dma_wait3A_40 : memref<1x3x6400xf32, #tpu.memory_space<hbm>> -> memref<3x6400xf32, #tpu.memory_space<hbm>>
      tpu.wait_dma2 semaphore(%run_scoped3A_27 : memref<!tpu.dma_semaphore, #tpu.memory_space<semaphore_mem>>) src(%dma_wait3A_41 : memref<3x6400xf32, #tpu.memory_space<hbm>>) dst(%arg6 : memref<3x6400xf32, #tpu.memory_space<vmem>>)
      tpu.yield
    }) : () -> ()
    "tpu.region"() ({
      %run_scoped3A_27 = tpu.sem_alloc : memref<!tpu.dma_semaphore, #tpu.memory_space<semaphore_mem>>
      %dma_start3A = arith.constant 0 : i32
      %dma_start3A_28 = tpu.memref_slice %arg3[%arg1, %dma_start3A] : memref<16x6400xi32, #tpu.memory_space<hbm>> -> memref<1x6400xi32, #tpu.memory_space<hbm>>
      %dma_start3A_29 = tpu.memref_squeeze %dma_start3A_28 : memref<1x6400xi32, #tpu.memory_space<hbm>> -> memref<6400xi32, #tpu.memory_space<hbm>>
      %dma_start3A_30 = arith.constant 0 : i32
      %dma_start3A_31 = tpu.memref_slice %arg3[%arg1, %dma_start3A_30] : memref<16x6400xi32, #tpu.memory_space<hbm>> -> memref<1x6400xi32, #tpu.memory_space<hbm>>
      %dma_start3A_32 = tpu.memref_squeeze %dma_start3A_31 : memref<1x6400xi32, #tpu.memory_space<hbm>> -> memref<6400xi32, #tpu.memory_space<hbm>>
      tpu.enqueue_dma source(%dma_start3A_32 : memref<6400xi32, #tpu.memory_space<hbm>>) target(%arg7 : memref<6400xi32, #tpu.memory_space<vmem>>) target_semaphore(%run_scoped3A_27 : memref<!tpu.dma_semaphore, #tpu.memory_space<semaphore_mem>>)
      %dma_wait3A = arith.constant 0 : i32
      %dma_wait3A_33 = tpu.memref_slice %arg3[%arg1, %dma_wait3A] : memref<16x6400xi32, #tpu.memory_space<hbm>> -> memref<1x6400xi32, #tpu.memory_space<hbm>>
      %dma_wait3A_34 = tpu.memref_squeeze %dma_wait3A_33 : memref<1x6400xi32, #tpu.memory_space<hbm>> -> memref<6400xi32, #tpu.memory_space<hbm>>
      %dma_wait3A_35 = arith.constant 0 : i32
      %dma_wait3A_36 = tpu.memref_slice %arg3[%arg1, %dma_wait3A_35] : memref<16x6400xi32, #tpu.memory_space<hbm>> -> memref<1x6400xi32, #tpu.memory_space<hbm>>
      %dma_wait3A_37 = tpu.memref_squeeze %dma_wait3A_36 : memref<1x6400xi32, #tpu.memory_space<hbm>> -> memref<6400xi32, #tpu.memory_space<hbm>>
      tpu.wait_dma2 semaphore(%run_scoped3A_27 : memref<!tpu.dma_semaphore, #tpu.memory_space<semaphore_mem>>) src(%dma_wait3A_37 : memref<6400xi32, #tpu.memory_space<hbm>>) dst(%arg7 : memref<6400xi32, #tpu.memory_space<vmem>>)
      tpu.yield
    }) : () -> ()
    "tpu.region"() ({
      %run_scoped3A_27 = tpu.sem_alloc : memref<!tpu.dma_semaphore, #tpu.memory_space<semaphore_mem>>
      tpu.enqueue_dma source(%arg4 : memref<16xf32, #tpu.memory_space<hbm>>) target(%arg12 : memref<16xf32, #tpu.memory_space<vmem>>) target_semaphore(%run_scoped3A_27 : memref<!tpu.dma_semaphore, #tpu.memory_space<semaphore_mem>>)
      tpu.wait_dma2 semaphore(%run_scoped3A_27 : memref<!tpu.dma_semaphore, #tpu.memory_space<semaphore_mem>>) src(%arg4 : memref<16xf32, #tpu.memory_space<hbm>>) dst(%arg12 : memref<16xf32, #tpu.memory_space<vmem>>)
      tpu.yield
    }) : () -> ()
    %broadcast_in_dim3A = arith.constant 0.000000e+00 : f32
    "tpu.trace_stop"() : () -> ()
    %broadcast_in_dim3A_0 = vector.broadcast %broadcast_in_dim3A : f32 to vector<16xf32>
    %broadcast_in_dim3A_1 = arith.constant 1.000000e+00 : f32
    %broadcast_in_dim3A_2 = vector.broadcast %broadcast_in_dim3A_1 : f32 to vector<16xf32>
    "tpu.trace_start"() <{level = 10 : i32, message = "zero"}> : () -> ()
    %scan3A = arith.constant 0 : i32
    %scan3A_3 = arith.constant 0 : i32
    %scan3A_4 = arith.constant 72 : i32
    %scan3A_5 = arith.addi %scan3A_3, %scan3A_4 : i32
    %scan3A_6 = arith.constant 1 : i32
    %scan3A_7 = scf.for %scan3A_27 = %scan3A_3 to %scan3A_5 step %scan3A_6 iter_args(%scan3A_28 = %scan3A) -> (i32)  : i32 {
      %mul3A = arith.constant 16 : i32
      %mul3A_29 = arith.muli %scan3A_27, %mul3A : i32
      %swap3A = arith.index_cast %mul3A_29 : i32 to index
      %swap3A_30 = tpu.vector_load %arg8[%swap3A] {strides = array<i32>} : memref<1152xf32, #tpu.memory_space<vmem>>, vector<16xf32>,
      tpu.vector_store %arg8[%swap3A], %broadcast_in_dim3A_0 {strides = array<i32>} : memref<1152xf32, #tpu.memory_space<vmem>>, vector<16xf32>,
      %mul3A_31 = arith.constant 16 : i32
      %mul3A_32 = arith.muli %scan3A_27, %mul3A_31 : i32
      %swap3A_33 = arith.index_cast %mul3A_32 : i32 to index
      %swap3A_34 = tpu.vector_load %arg9[%swap3A_33] {strides = array<i32>} : memref<1152xf32, #tpu.memory_space<vmem>>, vector<16xf32>,
      tpu.vector_store %arg9[%swap3A_33], %broadcast_in_dim3A_0 {strides = array<i32>} : memref<1152xf32, #tpu.memory_space<vmem>>, vector<16xf32>,
      %scan3A_35 = arith.constant 0 : i32
      scf.yield %scan3A_35 : i32
    }
    %scan3A_8 = arith.constant 72 : i32
    "tpu.trace_stop"() : () -> ()
    "tpu.trace_start"() <{level = 10 : i32, message = "acc"}> : () -> ()
    %scan3A_9 = arith.constant 0 : i32
    %scan3A_10 = arith.constant 0 : i32
    %scan3A_11 = arith.constant 25 : i32
    %scan3A_12 = arith.addi %scan3A_10, %scan3A_11 : i32
    %scan3A_13 = arith.constant 1 : i32
    %scan3A_14 = scf.for %scan3A_27 = %scan3A_10 to %scan3A_12 step %scan3A_13 iter_args(%scan3A_28 = %scan3A_9) -> (i32)  : i32 {
      %mul3A = arith.constant 256 : i32
      %mul3A_29 = arith.muli %scan3A_27, %mul3A : i32
      %add3A = arith.constant 0 : i32
      %add3A_30 = arith.addi %mul3A_29, %add3A : i32
      %get3A = arith.constant 0 : i32
      %get3A_31 = arith.index_cast %get3A : i32 to index
      %get3A_32 = arith.index_cast %add3A_30 : i32 to index
      %get3A_33 = tpu.vector_load %arg6[%get3A_31, %get3A_32] {strides = array<i32>} : memref<3x6400xf32, #tpu.memory_space<vmem>>, vector<16xf32>,
      %get3A_34 = arith.constant 1 : i32
      %get3A_35 = arith.index_cast %get3A_34 : i32 to index
      %get3A_36 = arith.index_cast %add3A_30 : i32 to index
      %get3A_37 = tpu.vector_load %arg6[%get3A_35, %get3A_36] {strides = array<i32>} : memref<3x6400xf32, #tpu.memory_space<vmem>>, vector<16xf32>,
      %get3A_38 = arith.constant 2 : i32
      %get3A_39 = arith.index_cast %get3A_38 : i32 to index
      %get3A_40 = arith.index_cast %add3A_30 : i32 to index
      %get3A_41 = tpu.vector_load %arg6[%get3A_39, %get3A_40] {strides = array<i32>} : memref<3x6400xf32, #tpu.memory_space<vmem>>, vector<16xf32>,
      %mul3A_42 = arith.mulf %get3A_33, %get3A_33 : vector<16xf32>
      %mul3A_43 = arith.mulf %get3A_37, %get3A_37 : vector<16xf32>
      %add3A_44 = arith.addf %mul3A_42, %mul3A_43 : vector<16xf32>
      %mul3A_45 = arith.mulf %get3A_41, %get3A_41 : vector<16xf32>
      %add3A_46 = arith.addf %add3A_44, %mul3A_45 : vector<16xf32>
      %bitcast3A = vector.bitcast %add3A_46 : vector<16xf32> to vector<16xi32>
      %shift_right_arithmetic3A = arith.constant 1 : i32
      %shift_right_arithmetic3A_47 = vector.broadcast %shift_right_arithmetic3A : i32 to vector<16xi32>
      %shift_right_arithmetic3A_48 = arith.shrsi %bitcast3A, %shift_right_arithmetic3A_47 : vector<16xi32>
      %sub3A = arith.constant 1597463007 : i32
      %sub3A_49 = vector.broadcast %sub3A : i32 to vector<16xi32>
      %sub3A_50 = arith.subi %sub3A_49, %shift_right_arithmetic3A_48 : vector<16xi32>
      %bitcast3A_51 = vector.bitcast %sub3A_50 : vector<16xi32> to vector<16xf32>
      %mul3A_52 = arith.constant 5.000000e-01 : f32
      %mul3A_53 = vector.broadcast %mul3A_52 : f32 to vector<16xf32>
      %mul3A_54 = arith.mulf %mul3A_53, %add3A_46 : vector<16xf32>
      %mul3A_55 = arith.mulf %mul3A_54, %bitcast3A_51 : vector<16xf32>
      %mul3A_56 = arith.mulf %mul3A_55, %bitcast3A_51 : vector<16xf32>
      %sub3A_57 = arith.constant 1.500000e+00 : f32
      %sub3A_58 = vector.broadcast %sub3A_57 : f32 to vector<16xf32>
      %sub3A_59 = arith.subf %sub3A_58, %mul3A_56 : vector<16xf32>
      %mul3A_60 = arith.mulf %bitcast3A_51, %sub3A_59 : vector<16xf32>
      %mul3A_61 = arith.constant 5.000000e-01 : f32
      %mul3A_62 = vector.broadcast %mul3A_61 : f32 to vector<16xf32>
      %mul3A_63 = arith.mulf %mul3A_62, %add3A_46 : vector<16xf32>
      %mul3A_64 = arith.mulf %mul3A_63, %mul3A_60 : vector<16xf32>
      %mul3A_65 = arith.mulf %mul3A_64, %mul3A_60 : vector<16xf32>
      %sub3A_66 = arith.constant 1.500000e+00 : f32
      %sub3A_67 = vector.broadcast %sub3A_66 : f32 to vector<16xf32>
      %sub3A_68 = arith.subf %sub3A_67, %mul3A_65 : vector<16xf32>
      %mul3A_69 = arith.mulf %mul3A_60, %sub3A_68 : vector<16xf32>
      %mul3A_70 = arith.mulf %add3A_46, %mul3A_69 : vector<16xf32>
      %gt3A = arith.constant 0.000000e+00 : f32
      %gt3A_71 = vector.broadcast %gt3A : f32 to vector<16xf32>
      %gt3A_72 = arith.cmpf ogt, %add3A_46, %gt3A_71 : vector<16xf32>
      %jit3A = arith.constant 0.000000e+00 : f32
      %broadcast_in_dim3A_73 = vector.broadcast %jit3A : f32 to vector<16xf32>
      %select_n3A = arith.select %gt3A_72, %mul3A_70, %broadcast_in_dim3A_73 : vector<16xi1>, vector<16xf32>
      %get3A_74 = arith.index_cast %add3A_30 : i32 to index
      %get3A_75 = tpu.vector_load %arg7[%get3A_74] {strides = array<i32>} : memref<6400xi32, #tpu.memory_space<vmem>>, vector<16xi32>,
      %add3A_76 = arith.constant 16 : i32
      %add3A_77 = arith.addi %mul3A_29, %add3A_76 : i32
      %get3A_78 = arith.constant 0 : i32
      %get3A_79 = arith.index_cast %get3A_78 : i32 to index
      %get3A_80 = arith.index_cast %add3A_77 : i32 to index
      %get3A_81 = tpu.vector_load %arg6[%get3A_79, %get3A_80] {strides = array<i32>} : memref<3x6400xf32, #tpu.memory_space<vmem>>, vector<16xf32>,
      %get3A_82 = arith.constant 1 : i32
      %get3A_83 = arith.index_cast %get3A_82 : i32 to index
      %get3A_84 = arith.index_cast %add3A_77 : i32 to index
      %get3A_85 = tpu.vector_load %arg6[%get3A_83, %get3A_84] {strides = array<i32>} : memref<3x6400xf32, #tpu.memory_space<vmem>>, vector<16xf32>,
      %get3A_86 = arith.constant 2 : i32
      %get3A_87 = arith.index_cast %get3A_86 : i32 to index
      %get3A_88 = arith.index_cast %add3A_77 : i32 to index
      %get3A_89 = tpu.vector_load %arg6[%get3A_87, %get3A_88] {strides = array<i32>} : memref<3x6400xf32, #tpu.memory_space<vmem>>, vector<16xf32>,
      %mul3A_90 = arith.mulf %get3A_81, %get3A_81 : vector<16xf32>
      %mul3A_91 = arith.mulf %get3A_85, %get3A_85 : vector<16xf32>
      %add3A_92 = arith.addf %mul3A_90, %mul3A_91 : vector<16xf32>
      %mul3A_93 = arith.mulf %get3A_89, %get3A_89 : vector<16xf32>
      %add3A_94 = arith.addf %add3A_92, %mul3A_93 : vector<16xf32>
      %bitcast3A_95 = vector.bitcast %add3A_94 : vector<16xf32> to vector<16xi32>
      %shift_right_arithmetic3A_96 = arith.constant 1 : i32
      %shift_right_arithmetic3A_97 = vector.broadcast %shift_right_arithmetic3A_96 : i32 to vector<16xi32>
      %shift_right_arithmetic3A_98 = arith.shrsi %bitcast3A_95, %shift_right_arithmetic3A_97 : vector<16xi32>
      %sub3A_99 = arith.constant 1597463007 : i32
      %sub3A_100 = vector.broadcast %sub3A_99 : i32 to vector<16xi32>
      %sub3A_101 = arith.subi %sub3A_100, %shift_right_arithmetic3A_98 : vector<16xi32>
      %bitcast3A_102 = vector.bitcast %sub3A_101 : vector<16xi32> to vector<16xf32>
      %mul3A_103 = arith.constant 5.000000e-01 : f32
      %mul3A_104 = vector.broadcast %mul3A_103 : f32 to vector<16xf32>
      %mul3A_105 = arith.mulf %mul3A_104, %add3A_94 : vector<16xf32>
      %mul3A_106 = arith.mulf %mul3A_105, %bitcast3A_102 : vector<16xf32>
      %mul3A_107 = arith.mulf %mul3A_106, %bitcast3A_102 : vector<16xf32>
      %sub3A_108 = arith.constant 1.500000e+00 : f32
      %sub3A_109 = vector.broadcast %sub3A_108 : f32 to vector<16xf32>
      %sub3A_110 = arith.subf %sub3A_109, %mul3A_107 : vector<16xf32>
      %mul3A_111 = arith.mulf %bitcast3A_102, %sub3A_110 : vector<16xf32>
      %mul3A_112 = arith.constant 5.000000e-01 : f32
      %mul3A_113 = vector.broadcast %mul3A_112 : f32 to vector<16xf32>
      %mul3A_114 = arith.mulf %mul3A_113, %add3A_94 : vector<16xf32>
      %mul3A_115 = arith.mulf %mul3A_114, %mul3A_111 : vector<16xf32>
      %mul3A_116 = arith.mulf %mul3A_115, %mul3A_111 : vector<16xf32>
      %sub3A_117 = arith.constant 1.500000e+00 : f32
      %sub3A_118 = vector.broadcast %sub3A_117 : f32 to vector<16xf32>
      %sub3A_119 = arith.subf %sub3A_118, %mul3A_116 : vector<16xf32>
      %mul3A_120 = arith.mulf %mul3A_111, %sub3A_119 : vector<16xf32>
      %mul3A_121 = arith.mulf %add3A_94, %mul3A_120 : vector<16xf32>
      %gt3A_122 = arith.constant 0.000000e+00 : f32
      %gt3A_123 = vector.broadcast %gt3A_122 : f32 to vector<16xf32>
      %gt3A_124 = arith.cmpf ogt, %add3A_94, %gt3A_123 : vector<16xf32>
      %jit3A_125 = arith.constant 0.000000e+00 : f32
      %broadcast_in_dim3A_126 = vector.broadcast %jit3A_125 : f32 to vector<16xf32>
      %select_n3A_127 = arith.select %gt3A_124, %mul3A_121, %broadcast_in_dim3A_126 : vector<16xi1>, vector<16xf32>
      %get3A_128 = arith.index_cast %add3A_77 : i32 to index
      %get3A_129 = tpu.vector_load %arg7[%get3A_128] {strides = array<i32>} : memref<6400xi32, #tpu.memory_space<vmem>>, vector<16xi32>,
      %add3A_130 = arith.constant 32 : i32
      %add3A_131 = arith.addi %mul3A_29, %add3A_130 : i32
      %get3A_132 = arith.constant 0 : i32
      %get3A_133 = arith.index_cast %get3A_132 : i32 to index
      %get3A_134 = arith.index_cast %add3A_131 : i32 to index
      %get3A_135 = tpu.vector_load %arg6[%get3A_133, %get3A_134] {strides = array<i32>} : memref<3x6400xf32, #tpu.memory_space<vmem>>, vector<16xf32>,
      %get3A_136 = arith.constant 1 : i32
      %get3A_137 = arith.index_cast %get3A_136 : i32 to index
      %get3A_138 = arith.index_cast %add3A_131 : i32 to index
      %get3A_139 = tpu.vector_load %arg6[%get3A_137, %get3A_138] {strides = array<i32>} : memref<3x6400xf32, #tpu.memory_space<vmem>>, vector<16xf32>,
      %get3A_140 = arith.constant 2 : i32
      %get3A_141 = arith.index_cast %get3A_140 : i32 to index
      %get3A_142 = arith.index_cast %add3A_131 : i32 to index
      %get3A_143 = tpu.vector_load %arg6[%get3A_141, %get3A_142] {strides = array<i32>} : memref<3x6400xf32, #tpu.memory_space<vmem>>, vector<16xf32>,
      %mul3A_144 = arith.mulf %get3A_135, %get3A_135 : vector<16xf32>
      %mul3A_145 = arith.mulf %get3A_139, %get3A_139 : vector<16xf32>
      %add3A_146 = arith.addf %mul3A_144, %mul3A_145 : vector<16xf32>
      %mul3A_147 = arith.mulf %get3A_143, %get3A_143 : vector<16xf32>
      %add3A_148 = arith.addf %add3A_146, %mul3A_147 : vector<16xf32>
      %bitcast3A_149 = vector.bitcast %add3A_148 : vector<16xf32> to vector<16xi32>
      %shift_right_arithmetic3A_150 = arith.constant 1 : i32
      %shift_right_arithmetic3A_151 = vector.broadcast %shift_right_arithmetic3A_150 : i32 to vector<16xi32>
      %shift_right_arithmetic3A_152 = arith.shrsi %bitcast3A_149, %shift_right_arithmetic3A_151 : vector<16xi32>
      %sub3A_153 = arith.constant 1597463007 : i32
      %sub3A_154 = vector.broadcast %sub3A_153 : i32 to vector<16xi32>
      %sub3A_155 = arith.subi %sub3A_154, %shift_right_arithmetic3A_152 : vector<16xi32>
      %bitcast3A_156 = vector.bitcast %sub3A_155 : vector<16xi32> to vector<16xf32>
      %mul3A_157 = arith.constant 5.000000e-01 : f32
      %mul3A_158 = vector.broadcast %mul3A_157 : f32 to vector<16xf32>
      %mul3A_159 = arith.mulf %mul3A_158, %add3A_148 : vector<16xf32>
      %mul3A_160 = arith.mulf %mul3A_159, %bitcast3A_156 : vector<16xf32>
      %mul3A_161 = arith.mulf %mul3A_160, %bitcast3A_156 : vector<16xf32>
      %sub3A_162 = arith.constant 1.500000e+00 : f32
      %sub3A_163 = vector.broadcast %sub3A_162 : f32 to vector<16xf32>
      %sub3A_164 = arith.subf %sub3A_163, %mul3A_161 : vector<16xf32>
      %mul3A_165 = arith.mulf %bitcast3A_156, %sub3A_164 : vector<16xf32>
      %mul3A_166 = arith.constant 5.000000e-01 : f32
      %mul3A_167 = vector.broadcast %mul3A_166 : f32 to vector<16xf32>
      %mul3A_168 = arith.mulf %mul3A_167, %add3A_148 : vector<16xf32>
      %mul3A_169 = arith.mulf %mul3A_168, %mul3A_165 : vector<16xf32>
      %mul3A_170 = arith.mulf %mul3A_169, %mul3A_165 : vector<16xf32>
      %sub3A_171 = arith.constant 1.500000e+00 : f32
      %sub3A_172 = vector.broadcast %sub3A_171 : f32 to vector<16xf32>
      %sub3A_173 = arith.subf %sub3A_172, %mul3A_170 : vector<16xf32>
      %mul3A_174 = arith.mulf %mul3A_165, %sub3A_173 : vector<16xf32>
      %mul3A_175 = arith.mulf %add3A_148, %mul3A_174 : vector<16xf32>
      %gt3A_176 = arith.constant 0.000000e+00 : f32
      %gt3A_177 = vector.broadcast %gt3A_176 : f32 to vector<16xf32>
      %gt3A_178 = arith.cmpf ogt, %add3A_148, %gt3A_177 : vector<16xf32>
      %jit3A_179 = arith.constant 0.000000e+00 : f32
      %broadcast_in_dim3A_180 = vector.broadcast %jit3A_179 : f32 to vector<16xf32>
      %select_n3A_181 = arith.select %gt3A_178, %mul3A_175, %broadcast_in_dim3A_180 : vector<16xi1>, vector<16xf32>
      %get3A_182 = arith.index_cast %add3A_131 : i32 to index
      %get3A_183 = tpu.vector_load %arg7[%get3A_182] {strides = array<i32>} : memref<6400xi32, #tpu.memory_space<vmem>>, vector<16xi32>,
      %add3A_184 = arith.constant 48 : i32
      %add3A_185 = arith.addi %mul3A_29, %add3A_184 : i32
      %get3A_186 = arith.constant 0 : i32
      %get3A_187 = arith.index_cast %get3A_186 : i32 to index
      %get3A_188 = arith.index_cast %add3A_185 : i32 to index
      %get3A_189 = tpu.vector_load %arg6[%get3A_187, %get3A_188] {strides = array<i32>} : memref<3x6400xf32, #tpu.memory_space<vmem>>, vector<16xf32>,
      %get3A_190 = arith.constant 1 : i32
      %get3A_191 = arith.index_cast %get3A_190 : i32 to index
      %get3A_192 = arith.index_cast %add3A_185 : i32 to index
      %get3A_193 = tpu.vector_load %arg6[%get3A_191, %get3A_192] {strides = array<i32>} : memref<3x6400xf32, #tpu.memory_space<vmem>>, vector<16xf32>,
      %get3A_194 = arith.constant 2 : i32
      %get3A_195 = arith.index_cast %get3A_194 : i32 to index
      %get3A_196 = arith.index_cast %add3A_185 : i32 to index
      %get3A_197 = tpu.vector_load %arg6[%get3A_195, %get3A_196] {strides = array<i32>} : memref<3x6400xf32, #tpu.memory_space<vmem>>, vector<16xf32>,
      %mul3A_198 = arith.mulf %get3A_189, %get3A_189 : vector<16xf32>
      %mul3A_199 = arith.mulf %get3A_193, %get3A_193 : vector<16xf32>
      %add3A_200 = arith.addf %mul3A_198, %mul3A_199 : vector<16xf32>
      %mul3A_201 = arith.mulf %get3A_197, %get3A_197 : vector<16xf32>
      %add3A_202 = arith.addf %add3A_200, %mul3A_201 : vector<16xf32>
      %bitcast3A_203 = vector.bitcast %add3A_202 : vector<16xf32> to vector<16xi32>
      %shift_right_arithmetic3A_204 = arith.constant 1 : i32
      %shift_right_arithmetic3A_205 = vector.broadcast %shift_right_arithmetic3A_204 : i32 to vector<16xi32>
      %shift_right_arithmetic3A_206 = arith.shrsi %bitcast3A_203, %shift_right_arithmetic3A_205 : vector<16xi32>
      %sub3A_207 = arith.constant 1597463007 : i32
      %sub3A_208 = vector.broadcast %sub3A_207 : i32 to vector<16xi32>
      %sub3A_209 = arith.subi %sub3A_208, %shift_right_arithmetic3A_206 : vector<16xi32>
      %bitcast3A_210 = vector.bitcast %sub3A_209 : vector<16xi32> to vector<16xf32>
      %mul3A_211 = arith.constant 5.000000e-01 : f32
      %mul3A_212 = vector.broadcast %mul3A_211 : f32 to vector<16xf32>
      %mul3A_213 = arith.mulf %mul3A_212, %add3A_202 : vector<16xf32>
      %mul3A_214 = arith.mulf %mul3A_213, %bitcast3A_210 : vector<16xf32>
      %mul3A_215 = arith.mulf %mul3A_214, %bitcast3A_210 : vector<16xf32>
      %sub3A_216 = arith.constant 1.500000e+00 : f32
      %sub3A_217 = vector.broadcast %sub3A_216 : f32 to vector<16xf32>
      %sub3A_218 = arith.subf %sub3A_217, %mul3A_215 : vector<16xf32>
      %mul3A_219 = arith.mulf %bitcast3A_210, %sub3A_218 : vector<16xf32>
      %mul3A_220 = arith.constant 5.000000e-01 : f32
      %mul3A_221 = vector.broadcast %mul3A_220 : f32 to vector<16xf32>
      %mul3A_222 = arith.mulf %mul3A_221, %add3A_202 : vector<16xf32>
      %mul3A_223 = arith.mulf %mul3A_222, %mul3A_219 : vector<16xf32>
      %mul3A_224 = arith.mulf %mul3A_223, %mul3A_219 : vector<16xf32>
      %sub3A_225 = arith.constant 1.500000e+00 : f32
      %sub3A_226 = vector.broadcast %sub3A_225 : f32 to vector<16xf32>
      %sub3A_227 = arith.subf %sub3A_226, %mul3A_224 : vector<16xf32>
      %mul3A_228 = arith.mulf %mul3A_219, %sub3A_227 : vector<16xf32>
      %mul3A_229 = arith.mulf %add3A_202, %mul3A_228 : vector<16xf32>
      %gt3A_230 = arith.constant 0.000000e+00 : f32
      %gt3A_231 = vector.broadcast %gt3A_230 : f32 to vector<16xf32>
      %gt3A_232 = arith.cmpf ogt, %add3A_202, %gt3A_231 : vector<16xf32>
      %jit3A_233 = arith.constant 0.000000e+00 : f32
      %broadcast_in_dim3A_234 = vector.broadcast %jit3A_233 : f32 to vector<16xf32>
      %select_n3A_235 = arith.select %gt3A_232, %mul3A_229, %broadcast_in_dim3A_234 : vector<16xi1>, vector<16xf32>
      %get3A_236 = arith.index_cast %add3A_185 : i32 to index
      %get3A_237 = tpu.vector_load %arg7[%get3A_236] {strides = array<i32>} : memref<6400xi32, #tpu.memory_space<vmem>>, vector<16xi32>,
      %add3A_238 = arith.constant 64 : i32
      %add3A_239 = arith.addi %mul3A_29, %add3A_238 : i32
      %get3A_240 = arith.constant 0 : i32
      %get3A_241 = arith.index_cast %get3A_240 : i32 to index
      %get3A_242 = arith.index_cast %add3A_239 : i32 to index
      %get3A_243 = tpu.vector_load %arg6[%get3A_241, %get3A_242] {strides = array<i32>} : memref<3x6400xf32, #tpu.memory_space<vmem>>, vector<16xf32>,
      %get3A_244 = arith.constant 1 : i32
      %get3A_245 = arith.index_cast %get3A_244 : i32 to index
      %get3A_246 = arith.index_cast %add3A_239 : i32 to index
      %get3A_247 = tpu.vector_load %arg6[%get3A_245, %get3A_246] {strides = array<i32>} : memref<3x6400xf32, #tpu.memory_space<vmem>>, vector<16xf32>,
      %get3A_248 = arith.constant 2 : i32
      %get3A_249 = arith.index_cast %get3A_248 : i32 to index
      %get3A_250 = arith.index_cast %add3A_239 : i32 to index
      %get3A_251 = tpu.vector_load %arg6[%get3A_249, %get3A_250] {strides = array<i32>} : memref<3x6400xf32, #tpu.memory_space<vmem>>, vector<16xf32>,
      %mul3A_252 = arith.mulf %get3A_243, %get3A_243 : vector<16xf32>
      %mul3A_253 = arith.mulf %get3A_247, %get3A_247 : vector<16xf32>
      %add3A_254 = arith.addf %mul3A_252, %mul3A_253 : vector<16xf32>
      %mul3A_255 = arith.mulf %get3A_251, %get3A_251 : vector<16xf32>
      %add3A_256 = arith.addf %add3A_254, %mul3A_255 : vector<16xf32>
      %bitcast3A_257 = vector.bitcast %add3A_256 : vector<16xf32> to vector<16xi32>
      %shift_right_arithmetic3A_258 = arith.constant 1 : i32
      %shift_right_arithmetic3A_259 = vector.broadcast %shift_right_arithmetic3A_258 : i32 to vector<16xi32>
      %shift_right_arithmetic3A_260 = arith.shrsi %bitcast3A_257, %shift_right_arithmetic3A_259 : vector<16xi32>
      %sub3A_261 = arith.constant 1597463007 : i32
      %sub3A_262 = vector.broadcast %sub3A_261 : i32 to vector<16xi32>
      %sub3A_263 = arith.subi %sub3A_262, %shift_right_arithmetic3A_260 : vector<16xi32>
      %bitcast3A_264 = vector.bitcast %sub3A_263 : vector<16xi32> to vector<16xf32>
      %mul3A_265 = arith.constant 5.000000e-01 : f32
      %mul3A_266 = vector.broadcast %mul3A_265 : f32 to vector<16xf32>
      %mul3A_267 = arith.mulf %mul3A_266, %add3A_256 : vector<16xf32>
      %mul3A_268 = arith.mulf %mul3A_267, %bitcast3A_264 : vector<16xf32>
      %mul3A_269 = arith.mulf %mul3A_268, %bitcast3A_264 : vector<16xf32>
      %sub3A_270 = arith.constant 1.500000e+00 : f32
      %sub3A_271 = vector.broadcast %sub3A_270 : f32 to vector<16xf32>
      %sub3A_272 = arith.subf %sub3A_271, %mul3A_269 : vector<16xf32>
      %mul3A_273 = arith.mulf %bitcast3A_264, %sub3A_272 : vector<16xf32>
      %mul3A_274 = arith.constant 5.000000e-01 : f32
      %mul3A_275 = vector.broadcast %mul3A_274 : f32 to vector<16xf32>
      %mul3A_276 = arith.mulf %mul3A_275, %add3A_256 : vector<16xf32>
      %mul3A_277 = arith.mulf %mul3A_276, %mul3A_273 : vector<16xf32>
      %mul3A_278 = arith.mulf %mul3A_277, %mul3A_273 : vector<16xf32>
      %sub3A_279 = arith.constant 1.500000e+00 : f32
      %sub3A_280 = vector.broadcast %sub3A_279 : f32 to vector<16xf32>
      %sub3A_281 = arith.subf %sub3A_280, %mul3A_278 : vector<16xf32>
      %mul3A_282 = arith.mulf %mul3A_273, %sub3A_281 : vector<16xf32>
      %mul3A_283 = arith.mulf %add3A_256, %mul3A_282 : vector<16xf32>
      %gt3A_284 = arith.constant 0.000000e+00 : f32
      %gt3A_285 = vector.broadcast %gt3A_284 : f32 to vector<16xf32>
      %gt3A_286 = arith.cmpf ogt, %add3A_256, %gt3A_285 : vector<16xf32>
      %jit3A_287 = arith.constant 0.000000e+00 : f32
      %broadcast_in_dim3A_288 = vector.broadcast %jit3A_287 : f32 to vector<16xf32>
      %select_n3A_289 = arith.select %gt3A_286, %mul3A_283, %broadcast_in_dim3A_288 : vector<16xi1>, vector<16xf32>
      %get3A_290 = arith.index_cast %add3A_239 : i32 to index
      %get3A_291 = tpu.vector_load %arg7[%get3A_290] {strides = array<i32>} : memref<6400xi32, #tpu.memory_space<vmem>>, vector<16xi32>,
      %add3A_292 = arith.constant 80 : i32
      %add3A_293 = arith.addi %mul3A_29, %add3A_292 : i32
      %get3A_294 = arith.constant 0 : i32
      %get3A_295 = arith.index_cast %get3A_294 : i32 to index
      %get3A_296 = arith.index_cast %add3A_293 : i32 to index
      %get3A_297 = tpu.vector_load %arg6[%get3A_295, %get3A_296] {strides = array<i32>} : memref<3x6400xf32, #tpu.memory_space<vmem>>, vector<16xf32>,
      %get3A_298 = arith.constant 1 : i32
      %get3A_299 = arith.index_cast %get3A_298 : i32 to index
      %get3A_300 = arith.index_cast %add3A_293 : i32 to index
      %get3A_301 = tpu.vector_load %arg6[%get3A_299, %get3A_300] {strides = array<i32>} : memref<3x6400xf32, #tpu.memory_space<vmem>>, vector<16xf32>,
      %get3A_302 = arith.constant 2 : i32
      %get3A_303 = arith.index_cast %get3A_302 : i32 to index
      %get3A_304 = arith.index_cast %add3A_293 : i32 to index
      %get3A_305 = tpu.vector_load %arg6[%get3A_303, %get3A_304] {strides = array<i32>} : memref<3x6400xf32, #tpu.memory_space<vmem>>, vector<16xf32>,
      %mul3A_306 = arith.mulf %get3A_297, %get3A_297 : vector<16xf32>
      %mul3A_307 = arith.mulf %get3A_301, %get3A_301 : vector<16xf32>
      %add3A_308 = arith.addf %mul3A_306, %mul3A_307 : vector<16xf32>
      %mul3A_309 = arith.mulf %get3A_305, %get3A_305 : vector<16xf32>
      %add3A_310 = arith.addf %add3A_308, %mul3A_309 : vector<16xf32>
      %bitcast3A_311 = vector.bitcast %add3A_310 : vector<16xf32> to vector<16xi32>
      %shift_right_arithmetic3A_312 = arith.constant 1 : i32
      %shift_right_arithmetic3A_313 = vector.broadcast %shift_right_arithmetic3A_312 : i32 to vector<16xi32>
      %shift_right_arithmetic3A_314 = arith.shrsi %bitcast3A_311, %shift_right_arithmetic3A_313 : vector<16xi32>
      %sub3A_315 = arith.constant 1597463007 : i32
      %sub3A_316 = vector.broadcast %sub3A_315 : i32 to vector<16xi32>
      %sub3A_317 = arith.subi %sub3A_316, %shift_right_arithmetic3A_314 : vector<16xi32>
      %bitcast3A_318 = vector.bitcast %sub3A_317 : vector<16xi32> to vector<16xf32>
      %mul3A_319 = arith.constant 5.000000e-01 : f32
      %mul3A_320 = vector.broadcast %mul3A_319 : f32 to vector<16xf32>
      %mul3A_321 = arith.mulf %mul3A_320, %add3A_310 : vector<16xf32>
      %mul3A_322 = arith.mulf %mul3A_321, %bitcast3A_318 : vector<16xf32>
      %mul3A_323 = arith.mulf %mul3A_322, %bitcast3A_318 : vector<16xf32>
      %sub3A_324 = arith.constant 1.500000e+00 : f32
      %sub3A_325 = vector.broadcast %sub3A_324 : f32 to vector<16xf32>
      %sub3A_326 = arith.subf %sub3A_325, %mul3A_323 : vector<16xf32>
      %mul3A_327 = arith.mulf %bitcast3A_318, %sub3A_326 : vector<16xf32>
      %mul3A_328 = arith.constant 5.000000e-01 : f32
      %mul3A_329 = vector.broadcast %mul3A_328 : f32 to vector<16xf32>
      %mul3A_330 = arith.mulf %mul3A_329, %add3A_310 : vector<16xf32>
      %mul3A_331 = arith.mulf %mul3A_330, %mul3A_327 : vector<16xf32>
      %mul3A_332 = arith.mulf %mul3A_331, %mul3A_327 : vector<16xf32>
      %sub3A_333 = arith.constant 1.500000e+00 : f32
      %sub3A_334 = vector.broadcast %sub3A_333 : f32 to vector<16xf32>
      %sub3A_335 = arith.subf %sub3A_334, %mul3A_332 : vector<16xf32>
      %mul3A_336 = arith.mulf %mul3A_327, %sub3A_335 : vector<16xf32>
      %mul3A_337 = arith.mulf %add3A_310, %mul3A_336 : vector<16xf32>
      %gt3A_338 = arith.constant 0.000000e+00 : f32
      %gt3A_339 = vector.broadcast %gt3A_338 : f32 to vector<16xf32>
      %gt3A_340 = arith.cmpf ogt, %add3A_310, %gt3A_339 : vector<16xf32>
      %jit3A_341 = arith.constant 0.000000e+00 : f32
      %broadcast_in_dim3A_342 = vector.broadcast %jit3A_341 : f32 to vector<16xf32>
      %select_n3A_343 = arith.select %gt3A_340, %mul3A_337, %broadcast_in_dim3A_342 : vector<16xi1>, vector<16xf32>
      %get3A_344 = arith.index_cast %add3A_293 : i32 to index
      %get3A_345 = tpu.vector_load %arg7[%get3A_344] {strides = array<i32>} : memref<6400xi32, #tpu.memory_space<vmem>>, vector<16xi32>,
      %add3A_346 = arith.constant 96 : i32
      %add3A_347 = arith.addi %mul3A_29, %add3A_346 : i32
      %get3A_348 = arith.constant 0 : i32
      %get3A_349 = arith.index_cast %get3A_348 : i32 to index
      %get3A_350 = arith.index_cast %add3A_347 : i32 to index
      %get3A_351 = tpu.vector_load %arg6[%get3A_349, %get3A_350] {strides = array<i32>} : memref<3x6400xf32, #tpu.memory_space<vmem>>, vector<16xf32>,
      %get3A_352 = arith.constant 1 : i32
      %get3A_353 = arith.index_cast %get3A_352 : i32 to index
      %get3A_354 = arith.index_cast %add3A_347 : i32 to index
      %get3A_355 = tpu.vector_load %arg6[%get3A_353, %get3A_354] {strides = array<i32>} : memref<3x6400xf32, #tpu.memory_space<vmem>>, vector<16xf32>,
      %get3A_356 = arith.constant 2 : i32
      %get3A_357 = arith.index_cast %get3A_356 : i32 to index
      %get3A_358 = arith.index_cast %add3A_347 : i32 to index
      %get3A_359 = tpu.vector_load %arg6[%get3A_357, %get3A_358] {strides = array<i32>} : memref<3x6400xf32, #tpu.memory_space<vmem>>, vector<16xf32>,
      %mul3A_360 = arith.mulf %get3A_351, %get3A_351 : vector<16xf32>
      %mul3A_361 = arith.mulf %get3A_355, %get3A_355 : vector<16xf32>
      %add3A_362 = arith.addf %mul3A_360, %mul3A_361 : vector<16xf32>
      %mul3A_363 = arith.mulf %get3A_359, %get3A_359 : vector<16xf32>
      %add3A_364 = arith.addf %add3A_362, %mul3A_363 : vector<16xf32>
      %bitcast3A_365 = vector.bitcast %add3A_364 : vector<16xf32> to vector<16xi32>
      %shift_right_arithmetic3A_366 = arith.constant 1 : i32
      %shift_right_arithmetic3A_367 = vector.broadcast %shift_right_arithmetic3A_366 : i32 to vector<16xi32>
      %shift_right_arithmetic3A_368 = arith.shrsi %bitcast3A_365, %shift_right_arithmetic3A_367 : vector<16xi32>
      %sub3A_369 = arith.constant 1597463007 : i32
      %sub3A_370 = vector.broadcast %sub3A_369 : i32 to vector<16xi32>
      %sub3A_371 = arith.subi %sub3A_370, %shift_right_arithmetic3A_368 : vector<16xi32>
      %bitcast3A_372 = vector.bitcast %sub3A_371 : vector<16xi32> to vector<16xf32>
      %mul3A_373 = arith.constant 5.000000e-01 : f32
      %mul3A_374 = vector.broadcast %mul3A_373 : f32 to vector<16xf32>
      %mul3A_375 = arith.mulf %mul3A_374, %add3A_364 : vector<16xf32>
      %mul3A_376 = arith.mulf %mul3A_375, %bitcast3A_372 : vector<16xf32>
      %mul3A_377 = arith.mulf %mul3A_376, %bitcast3A_372 : vector<16xf32>
      %sub3A_378 = arith.constant 1.500000e+00 : f32
      %sub3A_379 = vector.broadcast %sub3A_378 : f32 to vector<16xf32>
      %sub3A_380 = arith.subf %sub3A_379, %mul3A_377 : vector<16xf32>
      %mul3A_381 = arith.mulf %bitcast3A_372, %sub3A_380 : vector<16xf32>
      %mul3A_382 = arith.constant 5.000000e-01 : f32
      %mul3A_383 = vector.broadcast %mul3A_382 : f32 to vector<16xf32>
      %mul3A_384 = arith.mulf %mul3A_383, %add3A_364 : vector<16xf32>
      %mul3A_385 = arith.mulf %mul3A_384, %mul3A_381 : vector<16xf32>
      %mul3A_386 = arith.mulf %mul3A_385, %mul3A_381 : vector<16xf32>
      %sub3A_387 = arith.constant 1.500000e+00 : f32
      %sub3A_388 = vector.broadcast %sub3A_387 : f32 to vector<16xf32>
      %sub3A_389 = arith.subf %sub3A_388, %mul3A_386 : vector<16xf32>
      %mul3A_390 = arith.mulf %mul3A_381, %sub3A_389 : vector<16xf32>
      %mul3A_391 = arith.mulf %add3A_364, %mul3A_390 : vector<16xf32>
      %gt3A_392 = arith.constant 0.000000e+00 : f32
      %gt3A_393 = vector.broadcast %gt3A_392 : f32 to vector<16xf32>
      %gt3A_394 = arith.cmpf ogt, %add3A_364, %gt3A_393 : vector<16xf32>
      %jit3A_395 = arith.constant 0.000000e+00 : f32
      %broadcast_in_dim3A_396 = vector.broadcast %jit3A_395 : f32 to vector<16xf32>
      %select_n3A_397 = arith.select %gt3A_394, %mul3A_391, %broadcast_in_dim3A_396 : vector<16xi1>, vector<16xf32>
      %get3A_398 = arith.index_cast %add3A_347 : i32 to index
      %get3A_399 = tpu.vector_load %arg7[%get3A_398] {strides = array<i32>} : memref<6400xi32, #tpu.memory_space<vmem>>, vector<16xi32>,
      %add3A_400 = arith.constant 112 : i32
      %add3A_401 = arith.addi %mul3A_29, %add3A_400 : i32
      %get3A_402 = arith.constant 0 : i32
      %get3A_403 = arith.index_cast %get3A_402 : i32 to index
      %get3A_404 = arith.index_cast %add3A_401 : i32 to index
      %get3A_405 = tpu.vector_load %arg6[%get3A_403, %get3A_404] {strides = array<i32>} : memref<3x6400xf32, #tpu.memory_space<vmem>>, vector<16xf32>,
      %get3A_406 = arith.constant 1 : i32
      %get3A_407 = arith.index_cast %get3A_406 : i32 to index
      %get3A_408 = arith.index_cast %add3A_401 : i32 to index
      %get3A_409 = tpu.vector_load %arg6[%get3A_407, %get3A_408] {strides = array<i32>} : memref<3x6400xf32, #tpu.memory_space<vmem>>, vector<16xf32>,
      %get3A_410 = arith.constant 2 : i32
      %get3A_411 = arith.index_cast %get3A_410 : i32 to index
      %get3A_412 = arith.index_cast %add3A_401 : i32 to index
      %get3A_413 = tpu.vector_load %arg6[%get3A_411, %get3A_412] {strides = array<i32>} : memref<3x6400xf32, #tpu.memory_space<vmem>>, vector<16xf32>,
      %mul3A_414 = arith.mulf %get3A_405, %get3A_405 : vector<16xf32>
      %mul3A_415 = arith.mulf %get3A_409, %get3A_409 : vector<16xf32>
      %add3A_416 = arith.addf %mul3A_414, %mul3A_415 : vector<16xf32>
      %mul3A_417 = arith.mulf %get3A_413, %get3A_413 : vector<16xf32>
      %add3A_418 = arith.addf %add3A_416, %mul3A_417 : vector<16xf32>
      %bitcast3A_419 = vector.bitcast %add3A_418 : vector<16xf32> to vector<16xi32>
      %shift_right_arithmetic3A_420 = arith.constant 1 : i32
      %shift_right_arithmetic3A_421 = vector.broadcast %shift_right_arithmetic3A_420 : i32 to vector<16xi32>
      %shift_right_arithmetic3A_422 = arith.shrsi %bitcast3A_419, %shift_right_arithmetic3A_421 : vector<16xi32>
      %sub3A_423 = arith.constant 1597463007 : i32
      %sub3A_424 = vector.broadcast %sub3A_423 : i32 to vector<16xi32>
      %sub3A_425 = arith.subi %sub3A_424, %shift_right_arithmetic3A_422 : vector<16xi32>
      %bitcast3A_426 = vector.bitcast %sub3A_425 : vector<16xi32> to vector<16xf32>
      %mul3A_427 = arith.constant 5.000000e-01 : f32
      %mul3A_428 = vector.broadcast %mul3A_427 : f32 to vector<16xf32>
      %mul3A_429 = arith.mulf %mul3A_428, %add3A_418 : vector<16xf32>
      %mul3A_430 = arith.mulf %mul3A_429, %bitcast3A_426 : vector<16xf32>
      %mul3A_431 = arith.mulf %mul3A_430, %bitcast3A_426 : vector<16xf32>
      %sub3A_432 = arith.constant 1.500000e+00 : f32
      %sub3A_433 = vector.broadcast %sub3A_432 : f32 to vector<16xf32>
      %sub3A_434 = arith.subf %sub3A_433, %mul3A_431 : vector<16xf32>
      %mul3A_435 = arith.mulf %bitcast3A_426, %sub3A_434 : vector<16xf32>
      %mul3A_436 = arith.constant 5.000000e-01 : f32
      %mul3A_437 = vector.broadcast %mul3A_436 : f32 to vector<16xf32>
      %mul3A_438 = arith.mulf %mul3A_437, %add3A_418 : vector<16xf32>
      %mul3A_439 = arith.mulf %mul3A_438, %mul3A_435 : vector<16xf32>
      %mul3A_440 = arith.mulf %mul3A_439, %mul3A_435 : vector<16xf32>
      %sub3A_441 = arith.constant 1.500000e+00 : f32
      %sub3A_442 = vector.broadcast %sub3A_441 : f32 to vector<16xf32>
      %sub3A_443 = arith.subf %sub3A_442, %mul3A_440 : vector<16xf32>
      %mul3A_444 = arith.mulf %mul3A_435, %sub3A_443 : vector<16xf32>
      %mul3A_445 = arith.mulf %add3A_418, %mul3A_444 : vector<16xf32>
      %gt3A_446 = arith.constant 0.000000e+00 : f32
      %gt3A_447 = vector.broadcast %gt3A_446 : f32 to vector<16xf32>
      %gt3A_448 = arith.cmpf ogt, %add3A_418, %gt3A_447 : vector<16xf32>
      %jit3A_449 = arith.constant 0.000000e+00 : f32
      %broadcast_in_dim3A_450 = vector.broadcast %jit3A_449 : f32 to vector<16xf32>
      %select_n3A_451 = arith.select %gt3A_448, %mul3A_445, %broadcast_in_dim3A_450 : vector<16xi1>, vector<16xf32>
      %get3A_452 = arith.index_cast %add3A_401 : i32 to index
      %get3A_453 = tpu.vector_load %arg7[%get3A_452] {strides = array<i32>} : memref<6400xi32, #tpu.memory_space<vmem>>, vector<16xi32>,
      %add3A_454 = arith.constant 128 : i32
      %add3A_455 = arith.addi %mul3A_29, %add3A_454 : i32
      %get3A_456 = arith.constant 0 : i32
      %get3A_457 = arith.index_cast %get3A_456 : i32 to index
      %get3A_458 = arith.index_cast %add3A_455 : i32 to index
      %get3A_459 = tpu.vector_load %arg6[%get3A_457, %get3A_458] {strides = array<i32>} : memref<3x6400xf32, #tpu.memory_space<vmem>>, vector<16xf32>,
      %get3A_460 = arith.constant 1 : i32
      %get3A_461 = arith.index_cast %get3A_460 : i32 to index
      %get3A_462 = arith.index_cast %add3A_455 : i32 to index
      %get3A_463 = tpu.vector_load %arg6[%get3A_461, %get3A_462] {strides = array<i32>} : memref<3x6400xf32, #tpu.memory_space<vmem>>, vector<16xf32>,
      %get3A_464 = arith.constant 2 : i32
      %get3A_465 = arith.index_cast %get3A_464 : i32 to index
      %get3A_466 = arith.index_cast %add3A_455 : i32 to index
      %get3A_467 = tpu.vector_load %arg6[%get3A_465, %get3A_466] {strides = array<i32>} : memref<3x6400xf32, #tpu.memory_space<vmem>>, vector<16xf32>,
      %mul3A_468 = arith.mulf %get3A_459, %get3A_459 : vector<16xf32>
      %mul3A_469 = arith.mulf %get3A_463, %get3A_463 : vector<16xf32>
      %add3A_470 = arith.addf %mul3A_468, %mul3A_469 : vector<16xf32>
      %mul3A_471 = arith.mulf %get3A_467, %get3A_467 : vector<16xf32>
      %add3A_472 = arith.addf %add3A_470, %mul3A_471 : vector<16xf32>
      %bitcast3A_473 = vector.bitcast %add3A_472 : vector<16xf32> to vector<16xi32>
      %shift_right_arithmetic3A_474 = arith.constant 1 : i32
      %shift_right_arithmetic3A_475 = vector.broadcast %shift_right_arithmetic3A_474 : i32 to vector<16xi32>
      %shift_right_arithmetic3A_476 = arith.shrsi %bitcast3A_473, %shift_right_arithmetic3A_475 : vector<16xi32>
      %sub3A_477 = arith.constant 1597463007 : i32
      %sub3A_478 = vector.broadcast %sub3A_477 : i32 to vector<16xi32>
      %sub3A_479 = arith.subi %sub3A_478, %shift_right_arithmetic3A_476 : vector<16xi32>
      %bitcast3A_480 = vector.bitcast %sub3A_479 : vector<16xi32> to vector<16xf32>
      %mul3A_481 = arith.constant 5.000000e-01 : f32
      %mul3A_482 = vector.broadcast %mul3A_481 : f32 to vector<16xf32>
      %mul3A_483 = arith.mulf %mul3A_482, %add3A_472 : vector<16xf32>
      %mul3A_484 = arith.mulf %mul3A_483, %bitcast3A_480 : vector<16xf32>
      %mul3A_485 = arith.mulf %mul3A_484, %bitcast3A_480 : vector<16xf32>
      %sub3A_486 = arith.constant 1.500000e+00 : f32
      %sub3A_487 = vector.broadcast %sub3A_486 : f32 to vector<16xf32>
      %sub3A_488 = arith.subf %sub3A_487, %mul3A_485 : vector<16xf32>
      %mul3A_489 = arith.mulf %bitcast3A_480, %sub3A_488 : vector<16xf32>
      %mul3A_490 = arith.constant 5.000000e-01 : f32
      %mul3A_491 = vector.broadcast %mul3A_490 : f32 to vector<16xf32>
      %mul3A_492 = arith.mulf %mul3A_491, %add3A_472 : vector<16xf32>
      %mul3A_493 = arith.mulf %mul3A_492, %mul3A_489 : vector<16xf32>
      %mul3A_494 = arith.mulf %mul3A_493, %mul3A_489 : vector<16xf32>
      %sub3A_495 = arith.constant 1.500000e+00 : f32
      %sub3A_496 = vector.broadcast %sub3A_495 : f32 to vector<16xf32>
      %sub3A_497 = arith.subf %sub3A_496, %mul3A_494 : vector<16xf32>
      %mul3A_498 = arith.mulf %mul3A_489, %sub3A_497 : vector<16xf32>
      %mul3A_499 = arith.mulf %add3A_472, %mul3A_498 : vector<16xf32>
      %gt3A_500 = arith.constant 0.000000e+00 : f32
      %gt3A_501 = vector.broadcast %gt3A_500 : f32 to vector<16xf32>
      %gt3A_502 = arith.cmpf ogt, %add3A_472, %gt3A_501 : vector<16xf32>
      %jit3A_503 = arith.constant 0.000000e+00 : f32
      %broadcast_in_dim3A_504 = vector.broadcast %jit3A_503 : f32 to vector<16xf32>
      %select_n3A_505 = arith.select %gt3A_502, %mul3A_499, %broadcast_in_dim3A_504 : vector<16xi1>, vector<16xf32>
      %get3A_506 = arith.index_cast %add3A_455 : i32 to index
      %get3A_507 = tpu.vector_load %arg7[%get3A_506] {strides = array<i32>} : memref<6400xi32, #tpu.memory_space<vmem>>, vector<16xi32>,
      %add3A_508 = arith.constant 144 : i32
      %add3A_509 = arith.addi %mul3A_29, %add3A_508 : i32
      %get3A_510 = arith.constant 0 : i32
      %get3A_511 = arith.index_cast %get3A_510 : i32 to index
      %get3A_512 = arith.index_cast %add3A_509 : i32 to index
      %get3A_513 = tpu.vector_load %arg6[%get3A_511, %get3A_512] {strides = array<i32>} : memref<3x6400xf32, #tpu.memory_space<vmem>>, vector<16xf32>,
      %get3A_514 = arith.constant 1 : i32
      %get3A_515 = arith.index_cast %get3A_514 : i32 to index
      %get3A_516 = arith.index_cast %add3A_509 : i32 to index
      %get3A_517 = tpu.vector_load %arg6[%get3A_515, %get3A_516] {strides = array<i32>} : memref<3x6400xf32, #tpu.memory_space<vmem>>, vector<16xf32>,
      %get3A_518 = arith.constant 2 : i32
      %get3A_519 = arith.index_cast %get3A_518 : i32 to index
      %get3A_520 = arith.index_cast %add3A_509 : i32 to index
      %get3A_521 = tpu.vector_load %arg6[%get3A_519, %get3A_520] {strides = array<i32>} : memref<3x6400xf32, #tpu.memory_space<vmem>>, vector<16xf32>,
      %mul3A_522 = arith.mulf %get3A_513, %get3A_513 : vector<16xf32>
      %mul3A_523 = arith.mulf %get3A_517, %get3A_517 : vector<16xf32>
      %add3A_524 = arith.addf %mul3A_522, %mul3A_523 : vector<16xf32>
      %mul3A_525 = arith.mulf %get3A_521, %get3A_521 : vector<16xf32>
      %add3A_526 = arith.addf %add3A_524, %mul3A_525 : vector<16xf32>
      %bitcast3A_527 = vector.bitcast %add3A_526 : vector<16xf32> to vector<16xi32>
      %shift_right_arithmetic3A_528 = arith.constant 1 : i32
      %shift_right_arithmetic3A_529 = vector.broadcast %shift_right_arithmetic3A_528 : i32 to vector<16xi32>
      %shift_right_arithmetic3A_530 = arith.shrsi %bitcast3A_527, %shift_right_arithmetic3A_529 : vector<16xi32>
      %sub3A_531 = arith.constant 1597463007 : i32
      %sub3A_532 = vector.broadcast %sub3A_531 : i32 to vector<16xi32>
      %sub3A_533 = arith.subi %sub3A_532, %shift_right_arithmetic3A_530 : vector<16xi32>
      %bitcast3A_534 = vector.bitcast %sub3A_533 : vector<16xi32> to vector<16xf32>
      %mul3A_535 = arith.constant 5.000000e-01 : f32
      %mul3A_536 = vector.broadcast %mul3A_535 : f32 to vector<16xf32>
      %mul3A_537 = arith.mulf %mul3A_536, %add3A_526 : vector<16xf32>
      %mul3A_538 = arith.mulf %mul3A_537, %bitcast3A_534 : vector<16xf32>
      %mul3A_539 = arith.mulf %mul3A_538, %bitcast3A_534 : vector<16xf32>
      %sub3A_540 = arith.constant 1.500000e+00 : f32
      %sub3A_541 = vector.broadcast %sub3A_540 : f32 to vector<16xf32>
      %sub3A_542 = arith.subf %sub3A_541, %mul3A_539 : vector<16xf32>
      %mul3A_543 = arith.mulf %bitcast3A_534, %sub3A_542 : vector<16xf32>
      %mul3A_544 = arith.constant 5.000000e-01 : f32
      %mul3A_545 = vector.broadcast %mul3A_544 : f32 to vector<16xf32>
      %mul3A_546 = arith.mulf %mul3A_545, %add3A_526 : vector<16xf32>
      %mul3A_547 = arith.mulf %mul3A_546, %mul3A_543 : vector<16xf32>
      %mul3A_548 = arith.mulf %mul3A_547, %mul3A_543 : vector<16xf32>
      %sub3A_549 = arith.constant 1.500000e+00 : f32
      %sub3A_550 = vector.broadcast %sub3A_549 : f32 to vector<16xf32>
      %sub3A_551 = arith.subf %sub3A_550, %mul3A_548 : vector<16xf32>
      %mul3A_552 = arith.mulf %mul3A_543, %sub3A_551 : vector<16xf32>
      %mul3A_553 = arith.mulf %add3A_526, %mul3A_552 : vector<16xf32>
      %gt3A_554 = arith.constant 0.000000e+00 : f32
      %gt3A_555 = vector.broadcast %gt3A_554 : f32 to vector<16xf32>
      %gt3A_556 = arith.cmpf ogt, %add3A_526, %gt3A_555 : vector<16xf32>
      %jit3A_557 = arith.constant 0.000000e+00 : f32
      %broadcast_in_dim3A_558 = vector.broadcast %jit3A_557 : f32 to vector<16xf32>
      %select_n3A_559 = arith.select %gt3A_556, %mul3A_553, %broadcast_in_dim3A_558 : vector<16xi1>, vector<16xf32>
      %get3A_560 = arith.index_cast %add3A_509 : i32 to index
      %get3A_561 = tpu.vector_load %arg7[%get3A_560] {strides = array<i32>} : memref<6400xi32, #tpu.memory_space<vmem>>, vector<16xi32>,
      %add3A_562 = arith.constant 160 : i32
      %add3A_563 = arith.addi %mul3A_29, %add3A_562 : i32
      %get3A_564 = arith.constant 0 : i32
      %get3A_565 = arith.index_cast %get3A_564 : i32 to index
      %get3A_566 = arith.index_cast %add3A_563 : i32 to index
      %get3A_567 = tpu.vector_load %arg6[%get3A_565, %get3A_566] {strides = array<i32>} : memref<3x6400xf32, #tpu.memory_space<vmem>>, vector<16xf32>,
      %get3A_568 = arith.constant 1 : i32
      %get3A_569 = arith.index_cast %get3A_568 : i32 to index
      %get3A_570 = arith.index_cast %add3A_563 : i32 to index
      %get3A_571 = tpu.vector_load %arg6[%get3A_569, %get3A_570] {strides = array<i32>} : memref<3x6400xf32, #tpu.memory_space<vmem>>, vector<16xf32>,
      %get3A_572 = arith.constant 2 : i32
      %get3A_573 = arith.index_cast %get3A_572 : i32 to index
      %get3A_574 = arith.index_cast %add3A_563 : i32 to index
      %get3A_575 = tpu.vector_load %arg6[%get3A_573, %get3A_574] {strides = array<i32>} : memref<3x6400xf32, #tpu.memory_space<vmem>>, vector<16xf32>,
      %mul3A_576 = arith.mulf %get3A_567, %get3A_567 : vector<16xf32>
      %mul3A_577 = arith.mulf %get3A_571, %get3A_571 : vector<16xf32>
      %add3A_578 = arith.addf %mul3A_576, %mul3A_577 : vector<16xf32>
      %mul3A_579 = arith.mulf %get3A_575, %get3A_575 : vector<16xf32>
      %add3A_580 = arith.addf %add3A_578, %mul3A_579 : vector<16xf32>
      %bitcast3A_581 = vector.bitcast %add3A_580 : vector<16xf32> to vector<16xi32>
      %shift_right_arithmetic3A_582 = arith.constant 1 : i32
      %shift_right_arithmetic3A_583 = vector.broadcast %shift_right_arithmetic3A_582 : i32 to vector<16xi32>
      %shift_right_arithmetic3A_584 = arith.shrsi %bitcast3A_581, %shift_right_arithmetic3A_583 : vector<16xi32>
      %sub3A_585 = arith.constant 1597463007 : i32
      %sub3A_586 = vector.broadcast %sub3A_585 : i32 to vector<16xi32>
      %sub3A_587 = arith.subi %sub3A_586, %shift_right_arithmetic3A_584 : vector<16xi32>
      %bitcast3A_588 = vector.bitcast %sub3A_587 : vector<16xi32> to vector<16xf32>
      %mul3A_589 = arith.constant 5.000000e-01 : f32
      %mul3A_590 = vector.broadcast %mul3A_589 : f32 to vector<16xf32>
      %mul3A_591 = arith.mulf %mul3A_590, %add3A_580 : vector<16xf32>
      %mul3A_592 = arith.mulf %mul3A_591, %bitcast3A_588 : vector<16xf32>
      %mul3A_593 = arith.mulf %mul3A_592, %bitcast3A_588 : vector<16xf32>
      %sub3A_594 = arith.constant 1.500000e+00 : f32
      %sub3A_595 = vector.broadcast %sub3A_594 : f32 to vector<16xf32>
      %sub3A_596 = arith.subf %sub3A_595, %mul3A_593 : vector<16xf32>
      %mul3A_597 = arith.mulf %bitcast3A_588, %sub3A_596 : vector<16xf32>
      %mul3A_598 = arith.constant 5.000000e-01 : f32
      %mul3A_599 = vector.broadcast %mul3A_598 : f32 to vector<16xf32>
      %mul3A_600 = arith.mulf %mul3A_599, %add3A_580 : vector<16xf32>
      %mul3A_601 = arith.mulf %mul3A_600, %mul3A_597 : vector<16xf32>
      %mul3A_602 = arith.mulf %mul3A_601, %mul3A_597 : vector<16xf32>
      %sub3A_603 = arith.constant 1.500000e+00 : f32
      %sub3A_604 = vector.broadcast %sub3A_603 : f32 to vector<16xf32>
      %sub3A_605 = arith.subf %sub3A_604, %mul3A_602 : vector<16xf32>
      %mul3A_606 = arith.mulf %mul3A_597, %sub3A_605 : vector<16xf32>
      %mul3A_607 = arith.mulf %add3A_580, %mul3A_606 : vector<16xf32>
      %gt3A_608 = arith.constant 0.000000e+00 : f32
      %gt3A_609 = vector.broadcast %gt3A_608 : f32 to vector<16xf32>
      %gt3A_610 = arith.cmpf ogt, %add3A_580, %gt3A_609 : vector<16xf32>
      %jit3A_611 = arith.constant 0.000000e+00 : f32
      %broadcast_in_dim3A_612 = vector.broadcast %jit3A_611 : f32 to vector<16xf32>
      %select_n3A_613 = arith.select %gt3A_610, %mul3A_607, %broadcast_in_dim3A_612 : vector<16xi1>, vector<16xf32>
      %get3A_614 = arith.index_cast %add3A_563 : i32 to index
      %get3A_615 = tpu.vector_load %arg7[%get3A_614] {strides = array<i32>} : memref<6400xi32, #tpu.memory_space<vmem>>, vector<16xi32>,
      %add3A_616 = arith.constant 176 : i32
      %add3A_617 = arith.addi %mul3A_29, %add3A_616 : i32
      %get3A_618 = arith.constant 0 : i32
      %get3A_619 = arith.index_cast %get3A_618 : i32 to index
      %get3A_620 = arith.index_cast %add3A_617 : i32 to index
      %get3A_621 = tpu.vector_load %arg6[%get3A_619, %get3A_620] {strides = array<i32>} : memref<3x6400xf32, #tpu.memory_space<vmem>>, vector<16xf32>,
      %get3A_622 = arith.constant 1 : i32
      %get3A_623 = arith.index_cast %get3A_622 : i32 to index
      %get3A_624 = arith.index_cast %add3A_617 : i32 to index
      %get3A_625 = tpu.vector_load %arg6[%get3A_623, %get3A_624] {strides = array<i32>} : memref<3x6400xf32, #tpu.memory_space<vmem>>, vector<16xf32>,
      %get3A_626 = arith.constant 2 : i32
      %get3A_627 = arith.index_cast %get3A_626 : i32 to index
      %get3A_628 = arith.index_cast %add3A_617 : i32 to index
      %get3A_629 = tpu.vector_load %arg6[%get3A_627, %get3A_628] {strides = array<i32>} : memref<3x6400xf32, #tpu.memory_space<vmem>>, vector<16xf32>,
      %mul3A_630 = arith.mulf %get3A_621, %get3A_621 : vector<16xf32>
      %mul3A_631 = arith.mulf %get3A_625, %get3A_625 : vector<16xf32>
      %add3A_632 = arith.addf %mul3A_630, %mul3A_631 : vector<16xf32>
      %mul3A_633 = arith.mulf %get3A_629, %get3A_629 : vector<16xf32>
      %add3A_634 = arith.addf %add3A_632, %mul3A_633 : vector<16xf32>
      %bitcast3A_635 = vector.bitcast %add3A_634 : vector<16xf32> to vector<16xi32>
      %shift_right_arithmetic3A_636 = arith.constant 1 : i32
      %shift_right_arithmetic3A_637 = vector.broadcast %shift_right_arithmetic3A_636 : i32 to vector<16xi32>
      %shift_right_arithmetic3A_638 = arith.shrsi %bitcast3A_635, %shift_right_arithmetic3A_637 : vector<16xi32>
      %sub3A_639 = arith.constant 1597463007 : i32
      %sub3A_640 = vector.broadcast %sub3A_639 : i32 to vector<16xi32>
      %sub3A_641 = arith.subi %sub3A_640, %shift_right_arithmetic3A_638 : vector<16xi32>
      %bitcast3A_642 = vector.bitcast %sub3A_641 : vector<16xi32> to vector<16xf32>
      %mul3A_643 = arith.constant 5.000000e-01 : f32
      %mul3A_644 = vector.broadcast %mul3A_643 : f32 to vector<16xf32>
      %mul3A_645 = arith.mulf %mul3A_644, %add3A_634 : vector<16xf32>
      %mul3A_646 = arith.mulf %mul3A_645, %bitcast3A_642 : vector<16xf32>
      %mul3A_647 = arith.mulf %mul3A_646, %bitcast3A_642 : vector<16xf32>
      %sub3A_648 = arith.constant 1.500000e+00 : f32
      %sub3A_649 = vector.broadcast %sub3A_648 : f32 to vector<16xf32>
      %sub3A_650 = arith.subf %sub3A_649, %mul3A_647 : vector<16xf32>
      %mul3A_651 = arith.mulf %bitcast3A_642, %sub3A_650 : vector<16xf32>
      %mul3A_652 = arith.constant 5.000000e-01 : f32
      %mul3A_653 = vector.broadcast %mul3A_652 : f32 to vector<16xf32>
      %mul3A_654 = arith.mulf %mul3A_653, %add3A_634 : vector<16xf32>
      %mul3A_655 = arith.mulf %mul3A_654, %mul3A_651 : vector<16xf32>
      %mul3A_656 = arith.mulf %mul3A_655, %mul3A_651 : vector<16xf32>
      %sub3A_657 = arith.constant 1.500000e+00 : f32
      %sub3A_658 = vector.broadcast %sub3A_657 : f32 to vector<16xf32>
      %sub3A_659 = arith.subf %sub3A_658, %mul3A_656 : vector<16xf32>
      %mul3A_660 = arith.mulf %mul3A_651, %sub3A_659 : vector<16xf32>
      %mul3A_661 = arith.mulf %add3A_634, %mul3A_660 : vector<16xf32>
      %gt3A_662 = arith.constant 0.000000e+00 : f32
      %gt3A_663 = vector.broadcast %gt3A_662 : f32 to vector<16xf32>
      %gt3A_664 = arith.cmpf ogt, %add3A_634, %gt3A_663 : vector<16xf32>
      %jit3A_665 = arith.constant 0.000000e+00 : f32
      %broadcast_in_dim3A_666 = vector.broadcast %jit3A_665 : f32 to vector<16xf32>
      %select_n3A_667 = arith.select %gt3A_664, %mul3A_661, %broadcast_in_dim3A_666 : vector<16xi1>, vector<16xf32>
      %get3A_668 = arith.index_cast %add3A_617 : i32 to index
      %get3A_669 = tpu.vector_load %arg7[%get3A_668] {strides = array<i32>} : memref<6400xi32, #tpu.memory_space<vmem>>, vector<16xi32>,
      %add3A_670 = arith.constant 192 : i32
      %add3A_671 = arith.addi %mul3A_29, %add3A_670 : i32
      %get3A_672 = arith.constant 0 : i32
      %get3A_673 = arith.index_cast %get3A_672 : i32 to index
      %get3A_674 = arith.index_cast %add3A_671 : i32 to index
      %get3A_675 = tpu.vector_load %arg6[%get3A_673, %get3A_674] {strides = array<i32>} : memref<3x6400xf32, #tpu.memory_space<vmem>>, vector<16xf32>,
      %get3A_676 = arith.constant 1 : i32
      %get3A_677 = arith.index_cast %get3A_676 : i32 to index
      %get3A_678 = arith.index_cast %add3A_671 : i32 to index
      %get3A_679 = tpu.vector_load %arg6[%get3A_677, %get3A_678] {strides = array<i32>} : memref<3x6400xf32, #tpu.memory_space<vmem>>, vector<16xf32>,
      %get3A_680 = arith.constant 2 : i32
      %get3A_681 = arith.index_cast %get3A_680 : i32 to index
      %get3A_682 = arith.index_cast %add3A_671 : i32 to index
      %get3A_683 = tpu.vector_load %arg6[%get3A_681, %get3A_682] {strides = array<i32>} : memref<3x6400xf32, #tpu.memory_space<vmem>>, vector<16xf32>,
      %mul3A_684 = arith.mulf %get3A_675, %get3A_675 : vector<16xf32>
      %mul3A_685 = arith.mulf %get3A_679, %get3A_679 : vector<16xf32>
      %add3A_686 = arith.addf %mul3A_684, %mul3A_685 : vector<16xf32>
      %mul3A_687 = arith.mulf %get3A_683, %get3A_683 : vector<16xf32>
      %add3A_688 = arith.addf %add3A_686, %mul3A_687 : vector<16xf32>
      %bitcast3A_689 = vector.bitcast %add3A_688 : vector<16xf32> to vector<16xi32>
      %shift_right_arithmetic3A_690 = arith.constant 1 : i32
      %shift_right_arithmetic3A_691 = vector.broadcast %shift_right_arithmetic3A_690 : i32 to vector<16xi32>
      %shift_right_arithmetic3A_692 = arith.shrsi %bitcast3A_689, %shift_right_arithmetic3A_691 : vector<16xi32>
      %sub3A_693 = arith.constant 1597463007 : i32
      %sub3A_694 = vector.broadcast %sub3A_693 : i32 to vector<16xi32>
      %sub3A_695 = arith.subi %sub3A_694, %shift_right_arithmetic3A_692 : vector<16xi32>
      %bitcast3A_696 = vector.bitcast %sub3A_695 : vector<16xi32> to vector<16xf32>
      %mul3A_697 = arith.constant 5.000000e-01 : f32
      %mul3A_698 = vector.broadcast %mul3A_697 : f32 to vector<16xf32>
      %mul3A_699 = arith.mulf %mul3A_698, %add3A_688 : vector<16xf32>
      %mul3A_700 = arith.mulf %mul3A_699, %bitcast3A_696 : vector<16xf32>
      %mul3A_701 = arith.mulf %mul3A_700, %bitcast3A_696 : vector<16xf32>
      %sub3A_702 = arith.constant 1.500000e+00 : f32
      %sub3A_703 = vector.broadcast %sub3A_702 : f32 to vector<16xf32>
      %sub3A_704 = arith.subf %sub3A_703, %mul3A_701 : vector<16xf32>
      %mul3A_705 = arith.mulf %bitcast3A_696, %sub3A_704 : vector<16xf32>
      %mul3A_706 = arith.constant 5.000000e-01 : f32
      %mul3A_707 = vector.broadcast %mul3A_706 : f32 to vector<16xf32>
      %mul3A_708 = arith.mulf %mul3A_707, %add3A_688 : vector<16xf32>
      %mul3A_709 = arith.mulf %mul3A_708, %mul3A_705 : vector<16xf32>
      %mul3A_710 = arith.mulf %mul3A_709, %mul3A_705 : vector<16xf32>
      %sub3A_711 = arith.constant 1.500000e+00 : f32
      %sub3A_712 = vector.broadcast %sub3A_711 : f32 to vector<16xf32>
      %sub3A_713 = arith.subf %sub3A_712, %mul3A_710 : vector<16xf32>
      %mul3A_714 = arith.mulf %mul3A_705, %sub3A_713 : vector<16xf32>
      %mul3A_715 = arith.mulf %add3A_688, %mul3A_714 : vector<16xf32>
      %gt3A_716 = arith.constant 0.000000e+00 : f32
      %gt3A_717 = vector.broadcast %gt3A_716 : f32 to vector<16xf32>
      %gt3A_718 = arith.cmpf ogt, %add3A_688, %gt3A_717 : vector<16xf32>
      %jit3A_719 = arith.constant 0.000000e+00 : f32
      %broadcast_in_dim3A_720 = vector.broadcast %jit3A_719 : f32 to vector<16xf32>
      %select_n3A_721 = arith.select %gt3A_718, %mul3A_715, %broadcast_in_dim3A_720 : vector<16xi1>, vector<16xf32>
      %get3A_722 = arith.index_cast %add3A_671 : i32 to index
      %get3A_723 = tpu.vector_load %arg7[%get3A_722] {strides = array<i32>} : memref<6400xi32, #tpu.memory_space<vmem>>, vector<16xi32>,
      %add3A_724 = arith.constant 208 : i32
      %add3A_725 = arith.addi %mul3A_29, %add3A_724 : i32
      %get3A_726 = arith.constant 0 : i32
      %get3A_727 = arith.index_cast %get3A_726 : i32 to index
      %get3A_728 = arith.index_cast %add3A_725 : i32 to index
      %get3A_729 = tpu.vector_load %arg6[%get3A_727, %get3A_728] {strides = array<i32>} : memref<3x6400xf32, #tpu.memory_space<vmem>>, vector<16xf32>,
      %get3A_730 = arith.constant 1 : i32
      %get3A_731 = arith.index_cast %get3A_730 : i32 to index
      %get3A_732 = arith.index_cast %add3A_725 : i32 to index
      %get3A_733 = tpu.vector_load %arg6[%get3A_731, %get3A_732] {strides = array<i32>} : memref<3x6400xf32, #tpu.memory_space<vmem>>, vector<16xf32>,
      %get3A_734 = arith.constant 2 : i32
      %get3A_735 = arith.index_cast %get3A_734 : i32 to index
      %get3A_736 = arith.index_cast %add3A_725 : i32 to index
      %get3A_737 = tpu.vector_load %arg6[%get3A_735, %get3A_736] {strides = array<i32>} : memref<3x6400xf32, #tpu.memory_space<vmem>>, vector<16xf32>,
      %mul3A_738 = arith.mulf %get3A_729, %get3A_729 : vector<16xf32>
      %mul3A_739 = arith.mulf %get3A_733, %get3A_733 : vector<16xf32>
      %add3A_740 = arith.addf %mul3A_738, %mul3A_739 : vector<16xf32>
      %mul3A_741 = arith.mulf %get3A_737, %get3A_737 : vector<16xf32>
      %add3A_742 = arith.addf %add3A_740, %mul3A_741 : vector<16xf32>
      %bitcast3A_743 = vector.bitcast %add3A_742 : vector<16xf32> to vector<16xi32>
      %shift_right_arithmetic3A_744 = arith.constant 1 : i32
      %shift_right_arithmetic3A_745 = vector.broadcast %shift_right_arithmetic3A_744 : i32 to vector<16xi32>
      %shift_right_arithmetic3A_746 = arith.shrsi %bitcast3A_743, %shift_right_arithmetic3A_745 : vector<16xi32>
      %sub3A_747 = arith.constant 1597463007 : i32
      %sub3A_748 = vector.broadcast %sub3A_747 : i32 to vector<16xi32>
      %sub3A_749 = arith.subi %sub3A_748, %shift_right_arithmetic3A_746 : vector<16xi32>
      %bitcast3A_750 = vector.bitcast %sub3A_749 : vector<16xi32> to vector<16xf32>
      %mul3A_751 = arith.constant 5.000000e-01 : f32
      %mul3A_752 = vector.broadcast %mul3A_751 : f32 to vector<16xf32>
      %mul3A_753 = arith.mulf %mul3A_752, %add3A_742 : vector<16xf32>
      %mul3A_754 = arith.mulf %mul3A_753, %bitcast3A_750 : vector<16xf32>
      %mul3A_755 = arith.mulf %mul3A_754, %bitcast3A_750 : vector<16xf32>
      %sub3A_756 = arith.constant 1.500000e+00 : f32
      %sub3A_757 = vector.broadcast %sub3A_756 : f32 to vector<16xf32>
      %sub3A_758 = arith.subf %sub3A_757, %mul3A_755 : vector<16xf32>
      %mul3A_759 = arith.mulf %bitcast3A_750, %sub3A_758 : vector<16xf32>
      %mul3A_760 = arith.constant 5.000000e-01 : f32
      %mul3A_761 = vector.broadcast %mul3A_760 : f32 to vector<16xf32>
      %mul3A_762 = arith.mulf %mul3A_761, %add3A_742 : vector<16xf32>
      %mul3A_763 = arith.mulf %mul3A_762, %mul3A_759 : vector<16xf32>
      %mul3A_764 = arith.mulf %mul3A_763, %mul3A_759 : vector<16xf32>
      %sub3A_765 = arith.constant 1.500000e+00 : f32
      %sub3A_766 = vector.broadcast %sub3A_765 : f32 to vector<16xf32>
      %sub3A_767 = arith.subf %sub3A_766, %mul3A_764 : vector<16xf32>
      %mul3A_768 = arith.mulf %mul3A_759, %sub3A_767 : vector<16xf32>
      %mul3A_769 = arith.mulf %add3A_742, %mul3A_768 : vector<16xf32>
      %gt3A_770 = arith.constant 0.000000e+00 : f32
      %gt3A_771 = vector.broadcast %gt3A_770 : f32 to vector<16xf32>
      %gt3A_772 = arith.cmpf ogt, %add3A_742, %gt3A_771 : vector<16xf32>
      %jit3A_773 = arith.constant 0.000000e+00 : f32
      %broadcast_in_dim3A_774 = vector.broadcast %jit3A_773 : f32 to vector<16xf32>
      %select_n3A_775 = arith.select %gt3A_772, %mul3A_769, %broadcast_in_dim3A_774 : vector<16xi1>, vector<16xf32>
      %get3A_776 = arith.index_cast %add3A_725 : i32 to index
      %get3A_777 = tpu.vector_load %arg7[%get3A_776] {strides = array<i32>} : memref<6400xi32, #tpu.memory_space<vmem>>, vector<16xi32>,
      %add3A_778 = arith.constant 224 : i32
      %add3A_779 = arith.addi %mul3A_29, %add3A_778 : i32
      %get3A_780 = arith.constant 0 : i32
      %get3A_781 = arith.index_cast %get3A_780 : i32 to index
      %get3A_782 = arith.index_cast %add3A_779 : i32 to index
      %get3A_783 = tpu.vector_load %arg6[%get3A_781, %get3A_782] {strides = array<i32>} : memref<3x6400xf32, #tpu.memory_space<vmem>>, vector<16xf32>,
      %get3A_784 = arith.constant 1 : i32
      %get3A_785 = arith.index_cast %get3A_784 : i32 to index
      %get3A_786 = arith.index_cast %add3A_779 : i32 to index
      %get3A_787 = tpu.vector_load %arg6[%get3A_785, %get3A_786] {strides = array<i32>} : memref<3x6400xf32, #tpu.memory_space<vmem>>, vector<16xf32>,
      %get3A_788 = arith.constant 2 : i32
      %get3A_789 = arith.index_cast %get3A_788 : i32 to index
      %get3A_790 = arith.index_cast %add3A_779 : i32 to index
      %get3A_791 = tpu.vector_load %arg6[%get3A_789, %get3A_790] {strides = array<i32>} : memref<3x6400xf32, #tpu.memory_space<vmem>>, vector<16xf32>,
      %mul3A_792 = arith.mulf %get3A_783, %get3A_783 : vector<16xf32>
      %mul3A_793 = arith.mulf %get3A_787, %get3A_787 : vector<16xf32>
      %add3A_794 = arith.addf %mul3A_792, %mul3A_793 : vector<16xf32>
      %mul3A_795 = arith.mulf %get3A_791, %get3A_791 : vector<16xf32>
      %add3A_796 = arith.addf %add3A_794, %mul3A_795 : vector<16xf32>
      %bitcast3A_797 = vector.bitcast %add3A_796 : vector<16xf32> to vector<16xi32>
      %shift_right_arithmetic3A_798 = arith.constant 1 : i32
      %shift_right_arithmetic3A_799 = vector.broadcast %shift_right_arithmetic3A_798 : i32 to vector<16xi32>
      %shift_right_arithmetic3A_800 = arith.shrsi %bitcast3A_797, %shift_right_arithmetic3A_799 : vector<16xi32>
      %sub3A_801 = arith.constant 1597463007 : i32
      %sub3A_802 = vector.broadcast %sub3A_801 : i32 to vector<16xi32>
      %sub3A_803 = arith.subi %sub3A_802, %shift_right_arithmetic3A_800 : vector<16xi32>
      %bitcast3A_804 = vector.bitcast %sub3A_803 : vector<16xi32> to vector<16xf32>
      %mul3A_805 = arith.constant 5.000000e-01 : f32
      %mul3A_806 = vector.broadcast %mul3A_805 : f32 to vector<16xf32>
      %mul3A_807 = arith.mulf %mul3A_806, %add3A_796 : vector<16xf32>
      %mul3A_808 = arith.mulf %mul3A_807, %bitcast3A_804 : vector<16xf32>
      %mul3A_809 = arith.mulf %mul3A_808, %bitcast3A_804 : vector<16xf32>
      %sub3A_810 = arith.constant 1.500000e+00 : f32
      %sub3A_811 = vector.broadcast %sub3A_810 : f32 to vector<16xf32>
      %sub3A_812 = arith.subf %sub3A_811, %mul3A_809 : vector<16xf32>
      %mul3A_813 = arith.mulf %bitcast3A_804, %sub3A_812 : vector<16xf32>
      %mul3A_814 = arith.constant 5.000000e-01 : f32
      %mul3A_815 = vector.broadcast %mul3A_814 : f32 to vector<16xf32>
      %mul3A_816 = arith.mulf %mul3A_815, %add3A_796 : vector<16xf32>
      %mul3A_817 = arith.mulf %mul3A_816, %mul3A_813 : vector<16xf32>
      %mul3A_818 = arith.mulf %mul3A_817, %mul3A_813 : vector<16xf32>
      %sub3A_819 = arith.constant 1.500000e+00 : f32
      %sub3A_820 = vector.broadcast %sub3A_819 : f32 to vector<16xf32>
      %sub3A_821 = arith.subf %sub3A_820, %mul3A_818 : vector<16xf32>
      %mul3A_822 = arith.mulf %mul3A_813, %sub3A_821 : vector<16xf32>
      %mul3A_823 = arith.mulf %add3A_796, %mul3A_822 : vector<16xf32>
      %gt3A_824 = arith.constant 0.000000e+00 : f32
      %gt3A_825 = vector.broadcast %gt3A_824 : f32 to vector<16xf32>
      %gt3A_826 = arith.cmpf ogt, %add3A_796, %gt3A_825 : vector<16xf32>
      %jit3A_827 = arith.constant 0.000000e+00 : f32
      %broadcast_in_dim3A_828 = vector.broadcast %jit3A_827 : f32 to vector<16xf32>
      %select_n3A_829 = arith.select %gt3A_826, %mul3A_823, %broadcast_in_dim3A_828 : vector<16xi1>, vector<16xf32>
      %get3A_830 = arith.index_cast %add3A_779 : i32 to index
      %get3A_831 = tpu.vector_load %arg7[%get3A_830] {strides = array<i32>} : memref<6400xi32, #tpu.memory_space<vmem>>, vector<16xi32>,
      %add3A_832 = arith.constant 240 : i32
      %add3A_833 = arith.addi %mul3A_29, %add3A_832 : i32
      %get3A_834 = arith.constant 0 : i32
      %get3A_835 = arith.index_cast %get3A_834 : i32 to index
      %get3A_836 = arith.index_cast %add3A_833 : i32 to index
      %get3A_837 = tpu.vector_load %arg6[%get3A_835, %get3A_836] {strides = array<i32>} : memref<3x6400xf32, #tpu.memory_space<vmem>>, vector<16xf32>,
      %get3A_838 = arith.constant 1 : i32
      %get3A_839 = arith.index_cast %get3A_838 : i32 to index
      %get3A_840 = arith.index_cast %add3A_833 : i32 to index
      %get3A_841 = tpu.vector_load %arg6[%get3A_839, %get3A_840] {strides = array<i32>} : memref<3x6400xf32, #tpu.memory_space<vmem>>, vector<16xf32>,
      %get3A_842 = arith.constant 2 : i32
      %get3A_843 = arith.index_cast %get3A_842 : i32 to index
      %get3A_844 = arith.index_cast %add3A_833 : i32 to index
      %get3A_845 = tpu.vector_load %arg6[%get3A_843, %get3A_844] {strides = array<i32>} : memref<3x6400xf32, #tpu.memory_space<vmem>>, vector<16xf32>,
      %mul3A_846 = arith.mulf %get3A_837, %get3A_837 : vector<16xf32>
      %mul3A_847 = arith.mulf %get3A_841, %get3A_841 : vector<16xf32>
      %add3A_848 = arith.addf %mul3A_846, %mul3A_847 : vector<16xf32>
      %mul3A_849 = arith.mulf %get3A_845, %get3A_845 : vector<16xf32>
      %add3A_850 = arith.addf %add3A_848, %mul3A_849 : vector<16xf32>
      %bitcast3A_851 = vector.bitcast %add3A_850 : vector<16xf32> to vector<16xi32>
      %shift_right_arithmetic3A_852 = arith.constant 1 : i32
      %shift_right_arithmetic3A_853 = vector.broadcast %shift_right_arithmetic3A_852 : i32 to vector<16xi32>
      %shift_right_arithmetic3A_854 = arith.shrsi %bitcast3A_851, %shift_right_arithmetic3A_853 : vector<16xi32>
      %sub3A_855 = arith.constant 1597463007 : i32
      %sub3A_856 = vector.broadcast %sub3A_855 : i32 to vector<16xi32>
      %sub3A_857 = arith.subi %sub3A_856, %shift_right_arithmetic3A_854 : vector<16xi32>
      %bitcast3A_858 = vector.bitcast %sub3A_857 : vector<16xi32> to vector<16xf32>
      %mul3A_859 = arith.constant 5.000000e-01 : f32
      %mul3A_860 = vector.broadcast %mul3A_859 : f32 to vector<16xf32>
      %mul3A_861 = arith.mulf %mul3A_860, %add3A_850 : vector<16xf32>
      %mul3A_862 = arith.mulf %mul3A_861, %bitcast3A_858 : vector<16xf32>
      %mul3A_863 = arith.mulf %mul3A_862, %bitcast3A_858 : vector<16xf32>
      %sub3A_864 = arith.constant 1.500000e+00 : f32
      %sub3A_865 = vector.broadcast %sub3A_864 : f32 to vector<16xf32>
      %sub3A_866 = arith.subf %sub3A_865, %mul3A_863 : vector<16xf32>
      %mul3A_867 = arith.mulf %bitcast3A_858, %sub3A_866 : vector<16xf32>
      %mul3A_868 = arith.constant 5.000000e-01 : f32
      %mul3A_869 = vector.broadcast %mul3A_868 : f32 to vector<16xf32>
      %mul3A_870 = arith.mulf %mul3A_869, %add3A_850 : vector<16xf32>
      %mul3A_871 = arith.mulf %mul3A_870, %mul3A_867 : vector<16xf32>
      %mul3A_872 = arith.mulf %mul3A_871, %mul3A_867 : vector<16xf32>
      %sub3A_873 = arith.constant 1.500000e+00 : f32
      %sub3A_874 = vector.broadcast %sub3A_873 : f32 to vector<16xf32>
      %sub3A_875 = arith.subf %sub3A_874, %mul3A_872 : vector<16xf32>
      %mul3A_876 = arith.mulf %mul3A_867, %sub3A_875 : vector<16xf32>
      %mul3A_877 = arith.mulf %add3A_850, %mul3A_876 : vector<16xf32>
      %gt3A_878 = arith.constant 0.000000e+00 : f32
      %gt3A_879 = vector.broadcast %gt3A_878 : f32 to vector<16xf32>
      %gt3A_880 = arith.cmpf ogt, %add3A_850, %gt3A_879 : vector<16xf32>
      %jit3A_881 = arith.constant 0.000000e+00 : f32
      %broadcast_in_dim3A_882 = vector.broadcast %jit3A_881 : f32 to vector<16xf32>
      %select_n3A_883 = arith.select %gt3A_880, %mul3A_877, %broadcast_in_dim3A_882 : vector<16xi1>, vector<16xf32>
      %get3A_884 = arith.index_cast %add3A_833 : i32 to index
      %get3A_885 = tpu.vector_load %arg7[%get3A_884] {strides = array<i32>} : memref<6400xi32, #tpu.memory_space<vmem>>, vector<16xi32>,
      tpu.vector_store_idx %arg8[%get3A_75], %select_n3A {add = true} : memref<1152xf32, #tpu.memory_space<vmem>>[vector<16xi32>], vector<16xf32>,
      tpu.vector_store_idx %arg9[%get3A_75], %broadcast_in_dim3A_2 {add = true} : memref<1152xf32, #tpu.memory_space<vmem>>[vector<16xi32>], vector<16xf32>,
      tpu.vector_store_idx %arg8[%get3A_129], %select_n3A_127 {add = true} : memref<1152xf32, #tpu.memory_space<vmem>>[vector<16xi32>], vector<16xf32>,
      tpu.vector_store_idx %arg9[%get3A_129], %broadcast_in_dim3A_2 {add = true} : memref<1152xf32, #tpu.memory_space<vmem>>[vector<16xi32>], vector<16xf32>,
      tpu.vector_store_idx %arg8[%get3A_183], %select_n3A_181 {add = true} : memref<1152xf32, #tpu.memory_space<vmem>>[vector<16xi32>], vector<16xf32>,
      tpu.vector_store_idx %arg9[%get3A_183], %broadcast_in_dim3A_2 {add = true} : memref<1152xf32, #tpu.memory_space<vmem>>[vector<16xi32>], vector<16xf32>,
      tpu.vector_store_idx %arg8[%get3A_237], %select_n3A_235 {add = true} : memref<1152xf32, #tpu.memory_space<vmem>>[vector<16xi32>], vector<16xf32>,
      tpu.vector_store_idx %arg9[%get3A_237], %broadcast_in_dim3A_2 {add = true} : memref<1152xf32, #tpu.memory_space<vmem>>[vector<16xi32>], vector<16xf32>,
      tpu.vector_store_idx %arg8[%get3A_291], %select_n3A_289 {add = true} : memref<1152xf32, #tpu.memory_space<vmem>>[vector<16xi32>], vector<16xf32>,
      tpu.vector_store_idx %arg9[%get3A_291], %broadcast_in_dim3A_2 {add = true} : memref<1152xf32, #tpu.memory_space<vmem>>[vector<16xi32>], vector<16xf32>,
      tpu.vector_store_idx %arg8[%get3A_345], %select_n3A_343 {add = true} : memref<1152xf32, #tpu.memory_space<vmem>>[vector<16xi32>], vector<16xf32>,
      tpu.vector_store_idx %arg9[%get3A_345], %broadcast_in_dim3A_2 {add = true} : memref<1152xf32, #tpu.memory_space<vmem>>[vector<16xi32>], vector<16xf32>,
      tpu.vector_store_idx %arg8[%get3A_399], %select_n3A_397 {add = true} : memref<1152xf32, #tpu.memory_space<vmem>>[vector<16xi32>], vector<16xf32>,
      tpu.vector_store_idx %arg9[%get3A_399], %broadcast_in_dim3A_2 {add = true} : memref<1152xf32, #tpu.memory_space<vmem>>[vector<16xi32>], vector<16xf32>,
      tpu.vector_store_idx %arg8[%get3A_453], %select_n3A_451 {add = true} : memref<1152xf32, #tpu.memory_space<vmem>>[vector<16xi32>], vector<16xf32>,
      tpu.vector_store_idx %arg9[%get3A_453], %broadcast_in_dim3A_2 {add = true} : memref<1152xf32, #tpu.memory_space<vmem>>[vector<16xi32>], vector<16xf32>,
      tpu.vector_store_idx %arg8[%get3A_507], %select_n3A_505 {add = true} : memref<1152xf32, #tpu.memory_space<vmem>>[vector<16xi32>], vector<16xf32>,
      tpu.vector_store_idx %arg9[%get3A_507], %broadcast_in_dim3A_2 {add = true} : memref<1152xf32, #tpu.memory_space<vmem>>[vector<16xi32>], vector<16xf32>,
      tpu.vector_store_idx %arg8[%get3A_561], %select_n3A_559 {add = true} : memref<1152xf32, #tpu.memory_space<vmem>>[vector<16xi32>], vector<16xf32>,
      tpu.vector_store_idx %arg9[%get3A_561], %broadcast_in_dim3A_2 {add = true} : memref<1152xf32, #tpu.memory_space<vmem>>[vector<16xi32>], vector<16xf32>,
      tpu.vector_store_idx %arg8[%get3A_615], %select_n3A_613 {add = true} : memref<1152xf32, #tpu.memory_space<vmem>>[vector<16xi32>], vector<16xf32>,
      tpu.vector_store_idx %arg9[%get3A_615], %broadcast_in_dim3A_2 {add = true} : memref<1152xf32, #tpu.memory_space<vmem>>[vector<16xi32>], vector<16xf32>,
      tpu.vector_store_idx %arg8[%get3A_669], %select_n3A_667 {add = true} : memref<1152xf32, #tpu.memory_space<vmem>>[vector<16xi32>], vector<16xf32>,
      tpu.vector_store_idx %arg9[%get3A_669], %broadcast_in_dim3A_2 {add = true} : memref<1152xf32, #tpu.memory_space<vmem>>[vector<16xi32>], vector<16xf32>,
      tpu.vector_store_idx %arg8[%get3A_723], %select_n3A_721 {add = true} : memref<1152xf32, #tpu.memory_space<vmem>>[vector<16xi32>], vector<16xf32>,
      tpu.vector_store_idx %arg9[%get3A_723], %broadcast_in_dim3A_2 {add = true} : memref<1152xf32, #tpu.memory_space<vmem>>[vector<16xi32>], vector<16xf32>,
      tpu.vector_store_idx %arg8[%get3A_777], %select_n3A_775 {add = true} : memref<1152xf32, #tpu.memory_space<vmem>>[vector<16xi32>], vector<16xf32>,
      tpu.vector_store_idx %arg9[%get3A_777], %broadcast_in_dim3A_2 {add = true} : memref<1152xf32, #tpu.memory_space<vmem>>[vector<16xi32>], vector<16xf32>,
      tpu.vector_store_idx %arg8[%get3A_831], %select_n3A_829 {add = true} : memref<1152xf32, #tpu.memory_space<vmem>>[vector<16xi32>], vector<16xf32>,
      tpu.vector_store_idx %arg9[%get3A_831], %broadcast_in_dim3A_2 {add = true} : memref<1152xf32, #tpu.memory_space<vmem>>[vector<16xi32>], vector<16xf32>,
      tpu.vector_store_idx %arg8[%get3A_885], %select_n3A_883 {add = true} : memref<1152xf32, #tpu.memory_space<vmem>>[vector<16xi32>], vector<16xf32>,
      tpu.vector_store_idx %arg9[%get3A_885], %broadcast_in_dim3A_2 {add = true} : memref<1152xf32, #tpu.memory_space<vmem>>[vector<16xi32>], vector<16xf32>,
      %scan3A_886 = arith.constant 0 : i32
      scf.yield %scan3A_886 : i32
    }
    %scan3A_15 = arith.constant 25 : i32
    %run_scoped3A = arith.constant 0 : i32
    "tpu.trace_stop"() : () -> ()
    "tpu.trace_start"() <{level = 10 : i32, message = "reduce"}> : () -> ()
    "tpu.region"() ({
      %run_scoped3A_27 = tpu.sem_alloc : memref<!tpu.dma_semaphore, #tpu.memory_space<semaphore_mem>>
      %dma_start3A = arith.constant 0 : i32
      %dma_start3A_28 = tpu.memref_slice %arg14[%arg1, %run_scoped3A, %dma_start3A] : memref<16x2x1152xf32, #tpu.memory_space<vmem_shared>> -> memref<1x1x1152xf32, #tpu.memory_space<vmem_shared>>
      %dma_start3A_29 = tpu.memref_squeeze %dma_start3A_28 : memref<1x1x1152xf32, #tpu.memory_space<vmem_shared>> -> memref<1152xf32, #tpu.memory_space<vmem_shared>>
      %dma_start3A_30 = arith.constant 0 : i32
      %dma_start3A_31 = tpu.memref_slice %arg14[%arg1, %run_scoped3A, %dma_start3A_30] : memref<16x2x1152xf32, #tpu.memory_space<vmem_shared>> -> memref<1x1x1152xf32, #tpu.memory_space<vmem_shared>>
      %dma_start3A_32 = tpu.memref_squeeze %dma_start3A_31 : memref<1x1x1152xf32, #tpu.memory_space<vmem_shared>> -> memref<1152xf32, #tpu.memory_space<vmem_shared>>
      tpu.enqueue_dma source(%arg8 : memref<1152xf32, #tpu.memory_space<vmem>>) target(%dma_start3A_32 : memref<1152xf32, #tpu.memory_space<vmem_shared>>) target_semaphore(%run_scoped3A_27 : memref<!tpu.dma_semaphore, #tpu.memory_space<semaphore_mem>>)
      %dma_wait3A = arith.constant 0 : i32
      %dma_wait3A_33 = tpu.memref_slice %arg14[%arg1, %run_scoped3A, %dma_wait3A] : memref<16x2x1152xf32, #tpu.memory_space<vmem_shared>> -> memref<1x1x1152xf32, #tpu.memory_space<vmem_shared>>
      %dma_wait3A_34 = tpu.memref_squeeze %dma_wait3A_33 : memref<1x1x1152xf32, #tpu.memory_space<vmem_shared>> -> memref<1152xf32, #tpu.memory_space<vmem_shared>>
      %dma_wait3A_35 = arith.constant 0 : i32
      %dma_wait3A_36 = tpu.memref_slice %arg14[%arg1, %run_scoped3A, %dma_wait3A_35] : memref<16x2x1152xf32, #tpu.memory_space<vmem_shared>> -> memref<1x1x1152xf32, #tpu.memory_space<vmem_shared>>
      %dma_wait3A_37 = tpu.memref_squeeze %dma_wait3A_36 : memref<1x1x1152xf32, #tpu.memory_space<vmem_shared>> -> memref<1152xf32, #tpu.memory_space<vmem_shared>>
      tpu.wait_dma2 semaphore(%run_scoped3A_27 : memref<!tpu.dma_semaphore, #tpu.memory_space<semaphore_mem>>) src(%arg8 : memref<1152xf32, #tpu.memory_space<vmem>>) dst(%dma_wait3A_37 : memref<1152xf32, #tpu.memory_space<vmem_shared>>)
      tpu.yield
    }) : () -> ()
    %run_scoped3A_16 = arith.constant 1 : i32
    "tpu.region"() ({
      %run_scoped3A_27 = tpu.sem_alloc : memref<!tpu.dma_semaphore, #tpu.memory_space<semaphore_mem>>
      %dma_start3A = arith.constant 0 : i32
      %dma_start3A_28 = tpu.memref_slice %arg14[%arg1, %run_scoped3A_16, %dma_start3A] : memref<16x2x1152xf32, #tpu.memory_space<vmem_shared>> -> memref<1x1x1152xf32, #tpu.memory_space<vmem_shared>>
      %dma_start3A_29 = tpu.memref_squeeze %dma_start3A_28 : memref<1x1x1152xf32, #tpu.memory_space<vmem_shared>> -> memref<1152xf32, #tpu.memory_space<vmem_shared>>
      %dma_start3A_30 = arith.constant 0 : i32
      %dma_start3A_31 = tpu.memref_slice %arg14[%arg1, %run_scoped3A_16, %dma_start3A_30] : memref<16x2x1152xf32, #tpu.memory_space<vmem_shared>> -> memref<1x1x1152xf32, #tpu.memory_space<vmem_shared>>
      %dma_start3A_32 = tpu.memref_squeeze %dma_start3A_31 : memref<1x1x1152xf32, #tpu.memory_space<vmem_shared>> -> memref<1152xf32, #tpu.memory_space<vmem_shared>>
      tpu.enqueue_dma source(%arg9 : memref<1152xf32, #tpu.memory_space<vmem>>) target(%dma_start3A_32 : memref<1152xf32, #tpu.memory_space<vmem_shared>>) target_semaphore(%run_scoped3A_27 : memref<!tpu.dma_semaphore, #tpu.memory_space<semaphore_mem>>)
      %dma_wait3A = arith.constant 0 : i32
      %dma_wait3A_33 = tpu.memref_slice %arg14[%arg1, %run_scoped3A_16, %dma_wait3A] : memref<16x2x1152xf32, #tpu.memory_space<vmem_shared>> -> memref<1x1x1152xf32, #tpu.memory_space<vmem_shared>>
      %dma_wait3A_34 = tpu.memref_squeeze %dma_wait3A_33 : memref<1x1x1152xf32, #tpu.memory_space<vmem_shared>> -> memref<1152xf32, #tpu.memory_space<vmem_shared>>
      %dma_wait3A_35 = arith.constant 0 : i32
      %dma_wait3A_36 = tpu.memref_slice %arg14[%arg1, %run_scoped3A_16, %dma_wait3A_35] : memref<16x2x1152xf32, #tpu.memory_space<vmem_shared>> -> memref<1x1x1152xf32, #tpu.memory_space<vmem_shared>>
      %dma_wait3A_37 = tpu.memref_squeeze %dma_wait3A_36 : memref<1x1x1152xf32, #tpu.memory_space<vmem_shared>> -> memref<1152xf32, #tpu.memory_space<vmem_shared>>
      tpu.wait_dma2 semaphore(%run_scoped3A_27 : memref<!tpu.dma_semaphore, #tpu.memory_space<semaphore_mem>>) src(%arg9 : memref<1152xf32, #tpu.memory_space<vmem>>) dst(%dma_wait3A_37 : memref<1152xf32, #tpu.memory_space<vmem_shared>>)
      tpu.yield
    }) : () -> ()
    %barrier3A = arith.constant 0 : index
    tpu.barrier barrier_id(%barrier3A)
    %lt3A = arith.constant 9 : i32
    %lt3A_17 = arith.cmpi slt, %arg1, %lt3A : i32
    %convert_element_type3A = arith.extui %lt3A_17 : i1 to i32
    %cond3A = arith.constant 0 : i32
    %cond3A_18 = arith.cmpi ne, %convert_element_type3A, %cond3A : i32
    scf.if %cond3A_18 {
      %mul3A = arith.constant 128 : i32
      %mul3A_27 = arith.muli %arg1, %mul3A : i32
      "tpu.region"() ({
        %run_scoped3A_37 = tpu.sem_alloc : memref<!tpu.dma_semaphore, #tpu.memory_space<semaphore_mem>>
        %dma_start3A = arith.constant 0 : i32
        %dma_start3A_38 = arith.constant 0 : i32
        %dma_start3A_39 = tpu.memref_slice %arg14[%dma_start3A, %dma_start3A_38, %mul3A_27] : memref<16x2x1152xf32, #tpu.memory_space<vmem_shared>> -> memref<16x2x128xf32, #tpu.memory_space<vmem_shared>>
        %dma_start3A_40 = arith.constant 0 : i32
        %dma_start3A_41 = arith.constant 0 : i32
        %dma_start3A_42 = tpu.memref_slice %arg14[%dma_start3A_40, %dma_start3A_41, %mul3A_27] : memref<16x2x1152xf32, #tpu.memory_space<vmem_shared>> -> memref<16x2x128xf32, #tpu.memory_space<vmem_shared>>
        tpu.enqueue_dma source(%dma_start3A_42 : memref<16x2x128xf32, #tpu.memory_space<vmem_shared>>) target(%arg13 : memref<16x2x128xf32, #tpu.memory_space<vmem>>) target_semaphore(%run_scoped3A_37 : memref<!tpu.dma_semaphore, #tpu.memory_space<semaphore_mem>>)
        %dma_wait3A = arith.constant 0 : i32
        %dma_wait3A_43 = arith.constant 0 : i32
        %dma_wait3A_44 = tpu.memref_slice %arg14[%dma_wait3A, %dma_wait3A_43, %mul3A_27] : memref<16x2x1152xf32, #tpu.memory_space<vmem_shared>> -> memref<16x2x128xf32, #tpu.memory_space<vmem_shared>>
        %dma_wait3A_45 = arith.constant 0 : i32
        %dma_wait3A_46 = arith.constant 0 : i32
        %dma_wait3A_47 = tpu.memref_slice %arg14[%dma_wait3A_45, %dma_wait3A_46, %mul3A_27] : memref<16x2x1152xf32, #tpu.memory_space<vmem_shared>> -> memref<16x2x128xf32, #tpu.memory_space<vmem_shared>>
        tpu.wait_dma2 semaphore(%run_scoped3A_37 : memref<!tpu.dma_semaphore, #tpu.memory_space<semaphore_mem>>) src(%dma_wait3A_47 : memref<16x2x128xf32, #tpu.memory_space<vmem_shared>>) dst(%arg13 : memref<16x2x128xf32, #tpu.memory_space<vmem>>)
        tpu.yield
      }) : () -> ()
      %scan3A_28 = arith.constant 0 : i32
      %scan3A_29 = arith.constant 0 : i32
      %scan3A_30 = arith.constant 8 : i32
      %scan3A_31 = arith.addi %scan3A_29, %scan3A_30 : i32
      %scan3A_32 = arith.constant 1 : i32
      %scan3A_33 = scf.for %scan3A_37 = %scan3A_29 to %scan3A_31 step %scan3A_32 iter_args(%scan3A_38 = %scan3A_28) -> (i32)  : i32 {
        %mul3A_39 = arith.constant 16 : i32
        %mul3A_40 = arith.muli %scan3A_37, %mul3A_39 : i32
        %get3A = arith.constant 0 : i32
        %get3A_41 = arith.constant 0 : i32
        %get3A_42 = arith.index_cast %get3A : i32 to index
        %get3A_43 = arith.index_cast %get3A_41 : i32 to index
        %get3A_44 = arith.index_cast %mul3A_40 : i32 to index
        %get3A_45 = tpu.vector_load %arg13[%get3A_42, %get3A_43, %get3A_44] {strides = array<i32>} : memref<16x2x128xf32, #tpu.memory_space<vmem>>, vector<16xf32>,
        %add3A = arith.addf %broadcast_in_dim3A_0, %get3A_45 : vector<16xf32>
        %get3A_46 = arith.constant 0 : i32
        %get3A_47 = arith.constant 1 : i32
        %get3A_48 = arith.index_cast %get3A_46 : i32 to index
        %get3A_49 = arith.index_cast %get3A_47 : i32 to index
        %get3A_50 = arith.index_cast %mul3A_40 : i32 to index
        %get3A_51 = tpu.vector_load %arg13[%get3A_48, %get3A_49, %get3A_50] {strides = array<i32>} : memref<16x2x128xf32, #tpu.memory_space<vmem>>, vector<16xf32>,
        %add3A_52 = arith.addf %broadcast_in_dim3A_0, %get3A_51 : vector<16xf32>
        %get3A_53 = arith.constant 1 : i32
        %get3A_54 = arith.constant 0 : i32
        %get3A_55 = arith.index_cast %get3A_53 : i32 to index
        %get3A_56 = arith.index_cast %get3A_54 : i32 to index
        %get3A_57 = arith.index_cast %mul3A_40 : i32 to index
        %get3A_58 = tpu.vector_load %arg13[%get3A_55, %get3A_56, %get3A_57] {strides = array<i32>} : memref<16x2x128xf32, #tpu.memory_space<vmem>>, vector<16xf32>,
        %add3A_59 = arith.addf %add3A, %get3A_58 : vector<16xf32>
        %get3A_60 = arith.constant 1 : i32
        %get3A_61 = arith.constant 1 : i32
        %get3A_62 = arith.index_cast %get3A_60 : i32 to index
        %get3A_63 = arith.index_cast %get3A_61 : i32 to index
        %get3A_64 = arith.index_cast %mul3A_40 : i32 to index
        %get3A_65 = tpu.vector_load %arg13[%get3A_62, %get3A_63, %get3A_64] {strides = array<i32>} : memref<16x2x128xf32, #tpu.memory_space<vmem>>, vector<16xf32>,
        %add3A_66 = arith.addf %add3A_52, %get3A_65 : vector<16xf32>
        %get3A_67 = arith.constant 2 : i32
        %get3A_68 = arith.constant 0 : i32
        %get3A_69 = arith.index_cast %get3A_67 : i32 to index
        %get3A_70 = arith.index_cast %get3A_68 : i32 to index
        %get3A_71 = arith.index_cast %mul3A_40 : i32 to index
        %get3A_72 = tpu.vector_load %arg13[%get3A_69, %get3A_70, %get3A_71] {strides = array<i32>} : memref<16x2x128xf32, #tpu.memory_space<vmem>>, vector<16xf32>,
        %add3A_73 = arith.addf %add3A_59, %get3A_72 : vector<16xf32>
        %get3A_74 = arith.constant 2 : i32
        %get3A_75 = arith.constant 1 : i32
        %get3A_76 = arith.index_cast %get3A_74 : i32 to index
        %get3A_77 = arith.index_cast %get3A_75 : i32 to index
        %get3A_78 = arith.index_cast %mul3A_40 : i32 to index
        %get3A_79 = tpu.vector_load %arg13[%get3A_76, %get3A_77, %get3A_78] {strides = array<i32>} : memref<16x2x128xf32, #tpu.memory_space<vmem>>, vector<16xf32>,
        %add3A_80 = arith.addf %add3A_66, %get3A_79 : vector<16xf32>
        %get3A_81 = arith.constant 3 : i32
        %get3A_82 = arith.constant 0 : i32
        %get3A_83 = arith.index_cast %get3A_81 : i32 to index
        %get3A_84 = arith.index_cast %get3A_82 : i32 to index
        %get3A_85 = arith.index_cast %mul3A_40 : i32 to index
        %get3A_86 = tpu.vector_load %arg13[%get3A_83, %get3A_84, %get3A_85] {strides = array<i32>} : memref<16x2x128xf32, #tpu.memory_space<vmem>>, vector<16xf32>,
        %add3A_87 = arith.addf %add3A_73, %get3A_86 : vector<16xf32>
        %get3A_88 = arith.constant 3 : i32
        %get3A_89 = arith.constant 1 : i32
        %get3A_90 = arith.index_cast %get3A_88 : i32 to index
        %get3A_91 = arith.index_cast %get3A_89 : i32 to index
        %get3A_92 = arith.index_cast %mul3A_40 : i32 to index
        %get3A_93 = tpu.vector_load %arg13[%get3A_90, %get3A_91, %get3A_92] {strides = array<i32>} : memref<16x2x128xf32, #tpu.memory_space<vmem>>, vector<16xf32>,
        %add3A_94 = arith.addf %add3A_80, %get3A_93 : vector<16xf32>
        %get3A_95 = arith.constant 4 : i32
        %get3A_96 = arith.constant 0 : i32
        %get3A_97 = arith.index_cast %get3A_95 : i32 to index
        %get3A_98 = arith.index_cast %get3A_96 : i32 to index
        %get3A_99 = arith.index_cast %mul3A_40 : i32 to index
        %get3A_100 = tpu.vector_load %arg13[%get3A_97, %get3A_98, %get3A_99] {strides = array<i32>} : memref<16x2x128xf32, #tpu.memory_space<vmem>>, vector<16xf32>,
        %add3A_101 = arith.addf %add3A_87, %get3A_100 : vector<16xf32>
        %get3A_102 = arith.constant 4 : i32
        %get3A_103 = arith.constant 1 : i32
        %get3A_104 = arith.index_cast %get3A_102 : i32 to index
        %get3A_105 = arith.index_cast %get3A_103 : i32 to index
        %get3A_106 = arith.index_cast %mul3A_40 : i32 to index
        %get3A_107 = tpu.vector_load %arg13[%get3A_104, %get3A_105, %get3A_106] {strides = array<i32>} : memref<16x2x128xf32, #tpu.memory_space<vmem>>, vector<16xf32>,
        %add3A_108 = arith.addf %add3A_94, %get3A_107 : vector<16xf32>
        %get3A_109 = arith.constant 5 : i32
        %get3A_110 = arith.constant 0 : i32
        %get3A_111 = arith.index_cast %get3A_109 : i32 to index
        %get3A_112 = arith.index_cast %get3A_110 : i32 to index
        %get3A_113 = arith.index_cast %mul3A_40 : i32 to index
        %get3A_114 = tpu.vector_load %arg13[%get3A_111, %get3A_112, %get3A_113] {strides = array<i32>} : memref<16x2x128xf32, #tpu.memory_space<vmem>>, vector<16xf32>,
        %add3A_115 = arith.addf %add3A_101, %get3A_114 : vector<16xf32>
        %get3A_116 = arith.constant 5 : i32
        %get3A_117 = arith.constant 1 : i32
        %get3A_118 = arith.index_cast %get3A_116 : i32 to index
        %get3A_119 = arith.index_cast %get3A_117 : i32 to index
        %get3A_120 = arith.index_cast %mul3A_40 : i32 to index
        %get3A_121 = tpu.vector_load %arg13[%get3A_118, %get3A_119, %get3A_120] {strides = array<i32>} : memref<16x2x128xf32, #tpu.memory_space<vmem>>, vector<16xf32>,
        %add3A_122 = arith.addf %add3A_108, %get3A_121 : vector<16xf32>
        %get3A_123 = arith.constant 6 : i32
        %get3A_124 = arith.constant 0 : i32
        %get3A_125 = arith.index_cast %get3A_123 : i32 to index
        %get3A_126 = arith.index_cast %get3A_124 : i32 to index
        %get3A_127 = arith.index_cast %mul3A_40 : i32 to index
        %get3A_128 = tpu.vector_load %arg13[%get3A_125, %get3A_126, %get3A_127] {strides = array<i32>} : memref<16x2x128xf32, #tpu.memory_space<vmem>>, vector<16xf32>,
        %add3A_129 = arith.addf %add3A_115, %get3A_128 : vector<16xf32>
        %get3A_130 = arith.constant 6 : i32
        %get3A_131 = arith.constant 1 : i32
        %get3A_132 = arith.index_cast %get3A_130 : i32 to index
        %get3A_133 = arith.index_cast %get3A_131 : i32 to index
        %get3A_134 = arith.index_cast %mul3A_40 : i32 to index
        %get3A_135 = tpu.vector_load %arg13[%get3A_132, %get3A_133, %get3A_134] {strides = array<i32>} : memref<16x2x128xf32, #tpu.memory_space<vmem>>, vector<16xf32>,
        %add3A_136 = arith.addf %add3A_122, %get3A_135 : vector<16xf32>
        %get3A_137 = arith.constant 7 : i32
        %get3A_138 = arith.constant 0 : i32
        %get3A_139 = arith.index_cast %get3A_137 : i32 to index
        %get3A_140 = arith.index_cast %get3A_138 : i32 to index
        %get3A_141 = arith.index_cast %mul3A_40 : i32 to index
        %get3A_142 = tpu.vector_load %arg13[%get3A_139, %get3A_140, %get3A_141] {strides = array<i32>} : memref<16x2x128xf32, #tpu.memory_space<vmem>>, vector<16xf32>,
        %add3A_143 = arith.addf %add3A_129, %get3A_142 : vector<16xf32>
        %get3A_144 = arith.constant 7 : i32
        %get3A_145 = arith.constant 1 : i32
        %get3A_146 = arith.index_cast %get3A_144 : i32 to index
        %get3A_147 = arith.index_cast %get3A_145 : i32 to index
        %get3A_148 = arith.index_cast %mul3A_40 : i32 to index
        %get3A_149 = tpu.vector_load %arg13[%get3A_146, %get3A_147, %get3A_148] {strides = array<i32>} : memref<16x2x128xf32, #tpu.memory_space<vmem>>, vector<16xf32>,
        %add3A_150 = arith.addf %add3A_136, %get3A_149 : vector<16xf32>
        %get3A_151 = arith.constant 8 : i32
        %get3A_152 = arith.constant 0 : i32
        %get3A_153 = arith.index_cast %get3A_151 : i32 to index
        %get3A_154 = arith.index_cast %get3A_152 : i32 to index
        %get3A_155 = arith.index_cast %mul3A_40 : i32 to index
        %get3A_156 = tpu.vector_load %arg13[%get3A_153, %get3A_154, %get3A_155] {strides = array<i32>} : memref<16x2x128xf32, #tpu.memory_space<vmem>>, vector<16xf32>,
        %add3A_157 = arith.addf %add3A_143, %get3A_156 : vector<16xf32>
        %get3A_158 = arith.constant 8 : i32
        %get3A_159 = arith.constant 1 : i32
        %get3A_160 = arith.index_cast %get3A_158 : i32 to index
        %get3A_161 = arith.index_cast %get3A_159 : i32 to index
        %get3A_162 = arith.index_cast %mul3A_40 : i32 to index
        %get3A_163 = tpu.vector_load %arg13[%get3A_160, %get3A_161, %get3A_162] {strides = array<i32>} : memref<16x2x128xf32, #tpu.memory_space<vmem>>, vector<16xf32>,
        %add3A_164 = arith.addf %add3A_150, %get3A_163 : vector<16xf32>
        %get3A_165 = arith.constant 9 : i32
        %get3A_166 = arith.constant 0 : i32
        %get3A_167 = arith.index_cast %get3A_165 : i32 to index
        %get3A_168 = arith.index_cast %get3A_166 : i32 to index
        %get3A_169 = arith.index_cast %mul3A_40 : i32 to index
        %get3A_170 = tpu.vector_load %arg13[%get3A_167, %get3A_168, %get3A_169] {strides = array<i32>} : memref<16x2x128xf32, #tpu.memory_space<vmem>>, vector<16xf32>,
        %add3A_171 = arith.addf %add3A_157, %get3A_170 : vector<16xf32>
        %get3A_172 = arith.constant 9 : i32
        %get3A_173 = arith.constant 1 : i32
        %get3A_174 = arith.index_cast %get3A_172 : i32 to index
        %get3A_175 = arith.index_cast %get3A_173 : i32 to index
        %get3A_176 = arith.index_cast %mul3A_40 : i32 to index
        %get3A_177 = tpu.vector_load %arg13[%get3A_174, %get3A_175, %get3A_176] {strides = array<i32>} : memref<16x2x128xf32, #tpu.memory_space<vmem>>, vector<16xf32>,
        %add3A_178 = arith.addf %add3A_164, %get3A_177 : vector<16xf32>
        %get3A_179 = arith.constant 10 : i32
        %get3A_180 = arith.constant 0 : i32
        %get3A_181 = arith.index_cast %get3A_179 : i32 to index
        %get3A_182 = arith.index_cast %get3A_180 : i32 to index
        %get3A_183 = arith.index_cast %mul3A_40 : i32 to index
        %get3A_184 = tpu.vector_load %arg13[%get3A_181, %get3A_182, %get3A_183] {strides = array<i32>} : memref<16x2x128xf32, #tpu.memory_space<vmem>>, vector<16xf32>,
        %add3A_185 = arith.addf %add3A_171, %get3A_184 : vector<16xf32>
        %get3A_186 = arith.constant 10 : i32
        %get3A_187 = arith.constant 1 : i32
        %get3A_188 = arith.index_cast %get3A_186 : i32 to index
        %get3A_189 = arith.index_cast %get3A_187 : i32 to index
        %get3A_190 = arith.index_cast %mul3A_40 : i32 to index
        %get3A_191 = tpu.vector_load %arg13[%get3A_188, %get3A_189, %get3A_190] {strides = array<i32>} : memref<16x2x128xf32, #tpu.memory_space<vmem>>, vector<16xf32>,
        %add3A_192 = arith.addf %add3A_178, %get3A_191 : vector<16xf32>
        %get3A_193 = arith.constant 11 : i32
        %get3A_194 = arith.constant 0 : i32
        %get3A_195 = arith.index_cast %get3A_193 : i32 to index
        %get3A_196 = arith.index_cast %get3A_194 : i32 to index
        %get3A_197 = arith.index_cast %mul3A_40 : i32 to index
        %get3A_198 = tpu.vector_load %arg13[%get3A_195, %get3A_196, %get3A_197] {strides = array<i32>} : memref<16x2x128xf32, #tpu.memory_space<vmem>>, vector<16xf32>,
        %add3A_199 = arith.addf %add3A_185, %get3A_198 : vector<16xf32>
        %get3A_200 = arith.constant 11 : i32
        %get3A_201 = arith.constant 1 : i32
        %get3A_202 = arith.index_cast %get3A_200 : i32 to index
        %get3A_203 = arith.index_cast %get3A_201 : i32 to index
        %get3A_204 = arith.index_cast %mul3A_40 : i32 to index
        %get3A_205 = tpu.vector_load %arg13[%get3A_202, %get3A_203, %get3A_204] {strides = array<i32>} : memref<16x2x128xf32, #tpu.memory_space<vmem>>, vector<16xf32>,
        %add3A_206 = arith.addf %add3A_192, %get3A_205 : vector<16xf32>
        %get3A_207 = arith.constant 12 : i32
        %get3A_208 = arith.constant 0 : i32
        %get3A_209 = arith.index_cast %get3A_207 : i32 to index
        %get3A_210 = arith.index_cast %get3A_208 : i32 to index
        %get3A_211 = arith.index_cast %mul3A_40 : i32 to index
        %get3A_212 = tpu.vector_load %arg13[%get3A_209, %get3A_210, %get3A_211] {strides = array<i32>} : memref<16x2x128xf32, #tpu.memory_space<vmem>>, vector<16xf32>,
        %add3A_213 = arith.addf %add3A_199, %get3A_212 : vector<16xf32>
        %get3A_214 = arith.constant 12 : i32
        %get3A_215 = arith.constant 1 : i32
        %get3A_216 = arith.index_cast %get3A_214 : i32 to index
        %get3A_217 = arith.index_cast %get3A_215 : i32 to index
        %get3A_218 = arith.index_cast %mul3A_40 : i32 to index
        %get3A_219 = tpu.vector_load %arg13[%get3A_216, %get3A_217, %get3A_218] {strides = array<i32>} : memref<16x2x128xf32, #tpu.memory_space<vmem>>, vector<16xf32>,
        %add3A_220 = arith.addf %add3A_206, %get3A_219 : vector<16xf32>
        %get3A_221 = arith.constant 13 : i32
        %get3A_222 = arith.constant 0 : i32
        %get3A_223 = arith.index_cast %get3A_221 : i32 to index
        %get3A_224 = arith.index_cast %get3A_222 : i32 to index
        %get3A_225 = arith.index_cast %mul3A_40 : i32 to index
        %get3A_226 = tpu.vector_load %arg13[%get3A_223, %get3A_224, %get3A_225] {strides = array<i32>} : memref<16x2x128xf32, #tpu.memory_space<vmem>>, vector<16xf32>,
        %add3A_227 = arith.addf %add3A_213, %get3A_226 : vector<16xf32>
        %get3A_228 = arith.constant 13 : i32
        %get3A_229 = arith.constant 1 : i32
        %get3A_230 = arith.index_cast %get3A_228 : i32 to index
        %get3A_231 = arith.index_cast %get3A_229 : i32 to index
        %get3A_232 = arith.index_cast %mul3A_40 : i32 to index
        %get3A_233 = tpu.vector_load %arg13[%get3A_230, %get3A_231, %get3A_232] {strides = array<i32>} : memref<16x2x128xf32, #tpu.memory_space<vmem>>, vector<16xf32>,
        %add3A_234 = arith.addf %add3A_220, %get3A_233 : vector<16xf32>
        %get3A_235 = arith.constant 14 : i32
        %get3A_236 = arith.constant 0 : i32
        %get3A_237 = arith.index_cast %get3A_235 : i32 to index
        %get3A_238 = arith.index_cast %get3A_236 : i32 to index
        %get3A_239 = arith.index_cast %mul3A_40 : i32 to index
        %get3A_240 = tpu.vector_load %arg13[%get3A_237, %get3A_238, %get3A_239] {strides = array<i32>} : memref<16x2x128xf32, #tpu.memory_space<vmem>>, vector<16xf32>,
        %add3A_241 = arith.addf %add3A_227, %get3A_240 : vector<16xf32>
        %get3A_242 = arith.constant 14 : i32
        %get3A_243 = arith.constant 1 : i32
        %get3A_244 = arith.index_cast %get3A_242 : i32 to index
        %get3A_245 = arith.index_cast %get3A_243 : i32 to index
        %get3A_246 = arith.index_cast %mul3A_40 : i32 to index
        %get3A_247 = tpu.vector_load %arg13[%get3A_244, %get3A_245, %get3A_246] {strides = array<i32>} : memref<16x2x128xf32, #tpu.memory_space<vmem>>, vector<16xf32>,
        %add3A_248 = arith.addf %add3A_234, %get3A_247 : vector<16xf32>
        %get3A_249 = arith.constant 15 : i32
        %get3A_250 = arith.constant 0 : i32
        %get3A_251 = arith.index_cast %get3A_249 : i32 to index
        %get3A_252 = arith.index_cast %get3A_250 : i32 to index
        %get3A_253 = arith.index_cast %mul3A_40 : i32 to index
        %get3A_254 = tpu.vector_load %arg13[%get3A_251, %get3A_252, %get3A_253] {strides = array<i32>} : memref<16x2x128xf32, #tpu.memory_space<vmem>>, vector<16xf32>,
        %add3A_255 = arith.addf %add3A_241, %get3A_254 : vector<16xf32>
        %get3A_256 = arith.constant 15 : i32
        %get3A_257 = arith.constant 1 : i32
        %get3A_258 = arith.index_cast %get3A_256 : i32 to index
        %get3A_259 = arith.index_cast %get3A_257 : i32 to index
        %get3A_260 = arith.index_cast %mul3A_40 : i32 to index
        %get3A_261 = tpu.vector_load %arg13[%get3A_258, %get3A_259, %get3A_260] {strides = array<i32>} : memref<16x2x128xf32, #tpu.memory_space<vmem>>, vector<16xf32>,
        %add3A_262 = arith.addf %add3A_248, %get3A_261 : vector<16xf32>
        %max3A = arith.constant 1.000000e+00 : f32
        %max3A_263 = vector.broadcast %max3A : f32 to vector<16xf32>
        %max3A_264 = arith.maximumf %add3A_262, %max3A_263 : vector<16xf32>
        %div3A = arith.divf %add3A_255, %max3A_264 : vector<16xf32>
        %max3A_265 = arith.constant 9.99999993E-9 : f32
        %max3A_266 = vector.broadcast %max3A_265 : f32 to vector<16xf32>
        %max3A_267 = arith.maximumf %div3A, %max3A_266 : vector<16xf32>
        %get3A_268 = arith.constant 0 : index
        %get3A_269 = tpu.vector_load %arg12[%get3A_268] {strides = array<i32>} : memref<16xf32, #tpu.memory_space<vmem>>, vector<16xf32>,
        %div3A_270 = arith.divf %get3A_269, %max3A_267 : vector<16xf32>
        %swap3A = arith.index_cast %mul3A_40 : i32 to index
        %swap3A_271 = tpu.vector_load %arg11[%swap3A] {strides = array<i32>} : memref<128xf32, #tpu.memory_space<vmem>>, vector<16xf32>,
        tpu.vector_store %arg11[%swap3A], %div3A_270 {strides = array<i32>} : memref<128xf32, #tpu.memory_space<vmem>>, vector<16xf32>,
        %scan3A_272 = arith.constant 0 : i32
        scf.yield %scan3A_272 : i32
      }
      %scan3A_34 = arith.constant 8 : i32
      %mul3A_35 = arith.constant 128 : i32
      %mul3A_36 = arith.muli %arg1, %mul3A_35 : i32
      "tpu.region"() ({
        %run_scoped3A_37 = tpu.sem_alloc : memref<!tpu.dma_semaphore, #tpu.memory_space<semaphore_mem>>
        %dma_start3A = tpu.memref_slice %arg15[%mul3A_36] : memref<1152xf32, #tpu.memory_space<vmem_shared>> -> memref<128xf32, #tpu.memory_space<vmem_shared>>
        %dma_start3A_38 = tpu.memref_slice %arg15[%mul3A_36] : memref<1152xf32, #tpu.memory_space<vmem_shared>> -> memref<128xf32, #tpu.memory_space<vmem_shared>>
        tpu.enqueue_dma source(%arg11 : memref<128xf32, #tpu.memory_space<vmem>>) target(%dma_start3A_38 : memref<128xf32, #tpu.memory_space<vmem_shared>>) target_semaphore(%run_scoped3A_37 : memref<!tpu.dma_semaphore, #tpu.memory_space<semaphore_mem>>)
        %dma_wait3A = tpu.memref_slice %arg15[%mul3A_36] : memref<1152xf32, #tpu.memory_space<vmem_shared>> -> memref<128xf32, #tpu.memory_space<vmem_shared>>
        %dma_wait3A_39 = tpu.memref_slice %arg15[%mul3A_36] : memref<1152xf32, #tpu.memory_space<vmem_shared>> -> memref<128xf32, #tpu.memory_space<vmem_shared>>
        tpu.wait_dma2 semaphore(%run_scoped3A_37 : memref<!tpu.dma_semaphore, #tpu.memory_space<semaphore_mem>>) src(%arg11 : memref<128xf32, #tpu.memory_space<vmem>>) dst(%dma_wait3A_39 : memref<128xf32, #tpu.memory_space<vmem_shared>>)
        tpu.yield
      }) : () -> ()
    } else {
    }
    %barrier3A_19 = arith.constant 0 : index
    tpu.barrier barrier_id(%barrier3A_19)
    "tpu.region"() ({
      %run_scoped3A_27 = tpu.sem_alloc : memref<!tpu.dma_semaphore, #tpu.memory_space<semaphore_mem>>
      tpu.enqueue_dma source(%arg15 : memref<1152xf32, #tpu.memory_space<vmem_shared>>) target(%arg10 : memref<1152xf32, #tpu.memory_space<vmem>>) target_semaphore(%run_scoped3A_27 : memref<!tpu.dma_semaphore, #tpu.memory_space<semaphore_mem>>)
      tpu.wait_dma2 semaphore(%run_scoped3A_27 : memref<!tpu.dma_semaphore, #tpu.memory_space<semaphore_mem>>) src(%arg15 : memref<1152xf32, #tpu.memory_space<vmem_shared>>) dst(%arg10 : memref<1152xf32, #tpu.memory_space<vmem>>)
      tpu.yield
    }) : () -> ()
    "tpu.trace_stop"() : () -> ()
    "tpu.trace_start"() <{level = 10 : i32, message = "scale"}> : () -> ()
    %scan3A_20 = arith.constant 0 : i32
    %scan3A_21 = arith.constant 0 : i32
    %scan3A_22 = arith.constant 25 : i32
    %scan3A_23 = arith.addi %scan3A_21, %scan3A_22 : i32
    %scan3A_24 = arith.constant 1 : i32
    %scan3A_25 = scf.for %scan3A_27 = %scan3A_21 to %scan3A_23 step %scan3A_24 iter_args(%scan3A_28 = %scan3A_20) -> (i32)  : i32 {
      %mul3A = arith.constant 256 : i32
      %mul3A_29 = arith.muli %scan3A_27, %mul3A : i32
      %add3A = arith.constant 0 : i32
      %add3A_30 = arith.addi %mul3A_29, %add3A : i32
      %get3A = arith.index_cast %add3A_30 : i32 to index
      %get3A_31 = tpu.vector_load %arg7[%get3A] {strides = array<i32>} : memref<6400xi32, #tpu.memory_space<vmem>>, vector<16xi32>,
      %gather3A = tpu.vector_load_idx %arg10[%get3A_31] : memref<1152xf32, #tpu.memory_space<vmem>>[vector<16xi32>], vector<16xf32>,
      %add3A_32 = arith.constant 16 : i32
      %add3A_33 = arith.addi %mul3A_29, %add3A_32 : i32
      %get3A_34 = arith.index_cast %add3A_33 : i32 to index
      %get3A_35 = tpu.vector_load %arg7[%get3A_34] {strides = array<i32>} : memref<6400xi32, #tpu.memory_space<vmem>>, vector<16xi32>,
      %gather3A_36 = tpu.vector_load_idx %arg10[%get3A_35] : memref<1152xf32, #tpu.memory_space<vmem>>[vector<16xi32>], vector<16xf32>,
      %add3A_37 = arith.constant 32 : i32
      %add3A_38 = arith.addi %mul3A_29, %add3A_37 : i32
      %get3A_39 = arith.index_cast %add3A_38 : i32 to index
      %get3A_40 = tpu.vector_load %arg7[%get3A_39] {strides = array<i32>} : memref<6400xi32, #tpu.memory_space<vmem>>, vector<16xi32>,
      %gather3A_41 = tpu.vector_load_idx %arg10[%get3A_40] : memref<1152xf32, #tpu.memory_space<vmem>>[vector<16xi32>], vector<16xf32>,
      %add3A_42 = arith.constant 48 : i32
      %add3A_43 = arith.addi %mul3A_29, %add3A_42 : i32
      %get3A_44 = arith.index_cast %add3A_43 : i32 to index
      %get3A_45 = tpu.vector_load %arg7[%get3A_44] {strides = array<i32>} : memref<6400xi32, #tpu.memory_space<vmem>>, vector<16xi32>,
      %gather3A_46 = tpu.vector_load_idx %arg10[%get3A_45] : memref<1152xf32, #tpu.memory_space<vmem>>[vector<16xi32>], vector<16xf32>,
      %add3A_47 = arith.constant 64 : i32
      %add3A_48 = arith.addi %mul3A_29, %add3A_47 : i32
      %get3A_49 = arith.index_cast %add3A_48 : i32 to index
      %get3A_50 = tpu.vector_load %arg7[%get3A_49] {strides = array<i32>} : memref<6400xi32, #tpu.memory_space<vmem>>, vector<16xi32>,
      %gather3A_51 = tpu.vector_load_idx %arg10[%get3A_50] : memref<1152xf32, #tpu.memory_space<vmem>>[vector<16xi32>], vector<16xf32>,
      %add3A_52 = arith.constant 80 : i32
      %add3A_53 = arith.addi %mul3A_29, %add3A_52 : i32
      %get3A_54 = arith.index_cast %add3A_53 : i32 to index
      %get3A_55 = tpu.vector_load %arg7[%get3A_54] {strides = array<i32>} : memref<6400xi32, #tpu.memory_space<vmem>>, vector<16xi32>,
      %gather3A_56 = tpu.vector_load_idx %arg10[%get3A_55] : memref<1152xf32, #tpu.memory_space<vmem>>[vector<16xi32>], vector<16xf32>,
      %add3A_57 = arith.constant 96 : i32
      %add3A_58 = arith.addi %mul3A_29, %add3A_57 : i32
      %get3A_59 = arith.index_cast %add3A_58 : i32 to index
      %get3A_60 = tpu.vector_load %arg7[%get3A_59] {strides = array<i32>} : memref<6400xi32, #tpu.memory_space<vmem>>, vector<16xi32>,
      %gather3A_61 = tpu.vector_load_idx %arg10[%get3A_60] : memref<1152xf32, #tpu.memory_space<vmem>>[vector<16xi32>], vector<16xf32>,
      %add3A_62 = arith.constant 112 : i32
      %add3A_63 = arith.addi %mul3A_29, %add3A_62 : i32
      %get3A_64 = arith.index_cast %add3A_63 : i32 to index
      %get3A_65 = tpu.vector_load %arg7[%get3A_64] {strides = array<i32>} : memref<6400xi32, #tpu.memory_space<vmem>>, vector<16xi32>,
      %gather3A_66 = tpu.vector_load_idx %arg10[%get3A_65] : memref<1152xf32, #tpu.memory_space<vmem>>[vector<16xi32>], vector<16xf32>,
      %add3A_67 = arith.constant 128 : i32
      %add3A_68 = arith.addi %mul3A_29, %add3A_67 : i32
      %get3A_69 = arith.index_cast %add3A_68 : i32 to index
      %get3A_70 = tpu.vector_load %arg7[%get3A_69] {strides = array<i32>} : memref<6400xi32, #tpu.memory_space<vmem>>, vector<16xi32>,
      %gather3A_71 = tpu.vector_load_idx %arg10[%get3A_70] : memref<1152xf32, #tpu.memory_space<vmem>>[vector<16xi32>], vector<16xf32>,
      %add3A_72 = arith.constant 144 : i32
      %add3A_73 = arith.addi %mul3A_29, %add3A_72 : i32
      %get3A_74 = arith.index_cast %add3A_73 : i32 to index
      %get3A_75 = tpu.vector_load %arg7[%get3A_74] {strides = array<i32>} : memref<6400xi32, #tpu.memory_space<vmem>>, vector<16xi32>,
      %gather3A_76 = tpu.vector_load_idx %arg10[%get3A_75] : memref<1152xf32, #tpu.memory_space<vmem>>[vector<16xi32>], vector<16xf32>,
      %add3A_77 = arith.constant 160 : i32
      %add3A_78 = arith.addi %mul3A_29, %add3A_77 : i32
      %get3A_79 = arith.index_cast %add3A_78 : i32 to index
      %get3A_80 = tpu.vector_load %arg7[%get3A_79] {strides = array<i32>} : memref<6400xi32, #tpu.memory_space<vmem>>, vector<16xi32>,
      %gather3A_81 = tpu.vector_load_idx %arg10[%get3A_80] : memref<1152xf32, #tpu.memory_space<vmem>>[vector<16xi32>], vector<16xf32>,
      %add3A_82 = arith.constant 176 : i32
      %add3A_83 = arith.addi %mul3A_29, %add3A_82 : i32
      %get3A_84 = arith.index_cast %add3A_83 : i32 to index
      %get3A_85 = tpu.vector_load %arg7[%get3A_84] {strides = array<i32>} : memref<6400xi32, #tpu.memory_space<vmem>>, vector<16xi32>,
      %gather3A_86 = tpu.vector_load_idx %arg10[%get3A_85] : memref<1152xf32, #tpu.memory_space<vmem>>[vector<16xi32>], vector<16xf32>,
      %add3A_87 = arith.constant 192 : i32
      %add3A_88 = arith.addi %mul3A_29, %add3A_87 : i32
      %get3A_89 = arith.index_cast %add3A_88 : i32 to index
      %get3A_90 = tpu.vector_load %arg7[%get3A_89] {strides = array<i32>} : memref<6400xi32, #tpu.memory_space<vmem>>, vector<16xi32>,
      %gather3A_91 = tpu.vector_load_idx %arg10[%get3A_90] : memref<1152xf32, #tpu.memory_space<vmem>>[vector<16xi32>], vector<16xf32>,
      %add3A_92 = arith.constant 208 : i32
      %add3A_93 = arith.addi %mul3A_29, %add3A_92 : i32
      %get3A_94 = arith.index_cast %add3A_93 : i32 to index
      %get3A_95 = tpu.vector_load %arg7[%get3A_94] {strides = array<i32>} : memref<6400xi32, #tpu.memory_space<vmem>>, vector<16xi32>,
      %gather3A_96 = tpu.vector_load_idx %arg10[%get3A_95] : memref<1152xf32, #tpu.memory_space<vmem>>[vector<16xi32>], vector<16xf32>,
      %add3A_97 = arith.constant 224 : i32
      %add3A_98 = arith.addi %mul3A_29, %add3A_97 : i32
      %get3A_99 = arith.index_cast %add3A_98 : i32 to index
      %get3A_100 = tpu.vector_load %arg7[%get3A_99] {strides = array<i32>} : memref<6400xi32, #tpu.memory_space<vmem>>, vector<16xi32>,
      %gather3A_101 = tpu.vector_load_idx %arg10[%get3A_100] : memref<1152xf32, #tpu.memory_space<vmem>>[vector<16xi32>], vector<16xf32>,
      %add3A_102 = arith.constant 240 : i32
      %add3A_103 = arith.addi %mul3A_29, %add3A_102 : i32
      %get3A_104 = arith.index_cast %add3A_103 : i32 to index
      %get3A_105 = tpu.vector_load %arg7[%get3A_104] {strides = array<i32>} : memref<6400xi32, #tpu.memory_space<vmem>>, vector<16xi32>,
      %gather3A_106 = tpu.vector_load_idx %arg10[%get3A_105] : memref<1152xf32, #tpu.memory_space<vmem>>[vector<16xi32>], vector<16xf32>,
      %add3A_107 = arith.constant 0 : i32
      %add3A_108 = arith.addi %mul3A_29, %add3A_107 : i32
      %get3A_109 = arith.constant 0 : i32
      %get3A_110 = arith.index_cast %get3A_109 : i32 to index
      %get3A_111 = arith.index_cast %add3A_108 : i32 to index
      %get3A_112 = tpu.vector_load %arg6[%get3A_110, %get3A_111] {strides = array<i32>} : memref<3x6400xf32, #tpu.memory_space<vmem>>, vector<16xf32>,
      %mul3A_113 = arith.mulf %get3A_112, %gather3A : vector<16xf32>
      %swap3A = arith.constant 0 : i32
      %swap3A_114 = arith.index_cast %swap3A : i32 to index
      %swap3A_115 = arith.index_cast %add3A_108 : i32 to index
      %swap3A_116 = tpu.vector_load %arg6[%swap3A_114, %swap3A_115] {strides = array<i32>} : memref<3x6400xf32, #tpu.memory_space<vmem>>, vector<16xf32>,
      tpu.vector_store %arg6[%swap3A_114, %swap3A_115], %mul3A_113 {strides = array<i32>} : memref<3x6400xf32, #tpu.memory_space<vmem>>, vector<16xf32>,
      %get3A_117 = arith.constant 1 : i32
      %get3A_118 = arith.index_cast %get3A_117 : i32 to index
      %get3A_119 = arith.index_cast %add3A_108 : i32 to index
      %get3A_120 = tpu.vector_load %arg6[%get3A_118, %get3A_119] {strides = array<i32>} : memref<3x6400xf32, #tpu.memory_space<vmem>>, vector<16xf32>,
      %mul3A_121 = arith.mulf %get3A_120, %gather3A : vector<16xf32>
      %swap3A_122 = arith.constant 1 : i32
      %swap3A_123 = arith.index_cast %swap3A_122 : i32 to index
      %swap3A_124 = arith.index_cast %add3A_108 : i32 to index
      %swap3A_125 = tpu.vector_load %arg6[%swap3A_123, %swap3A_124] {strides = array<i32>} : memref<3x6400xf32, #tpu.memory_space<vmem>>, vector<16xf32>,
      tpu.vector_store %arg6[%swap3A_123, %swap3A_124], %mul3A_121 {strides = array<i32>} : memref<3x6400xf32, #tpu.memory_space<vmem>>, vector<16xf32>,
      %get3A_126 = arith.constant 2 : i32
      %get3A_127 = arith.index_cast %get3A_126 : i32 to index
      %get3A_128 = arith.index_cast %add3A_108 : i32 to index
      %get3A_129 = tpu.vector_load %arg6[%get3A_127, %get3A_128] {strides = array<i32>} : memref<3x6400xf32, #tpu.memory_space<vmem>>, vector<16xf32>,
      %mul3A_130 = arith.mulf %get3A_129, %gather3A : vector<16xf32>
      %swap3A_131 = arith.constant 2 : i32
      %swap3A_132 = arith.index_cast %swap3A_131 : i32 to index
      %swap3A_133 = arith.index_cast %add3A_108 : i32 to index
      %swap3A_134 = tpu.vector_load %arg6[%swap3A_132, %swap3A_133] {strides = array<i32>} : memref<3x6400xf32, #tpu.memory_space<vmem>>, vector<16xf32>,
      tpu.vector_store %arg6[%swap3A_132, %swap3A_133], %mul3A_130 {strides = array<i32>} : memref<3x6400xf32, #tpu.memory_space<vmem>>, vector<16xf32>,
      %add3A_135 = arith.constant 16 : i32
      %add3A_136 = arith.addi %mul3A_29, %add3A_135 : i32
      %get3A_137 = arith.constant 0 : i32
      %get3A_138 = arith.index_cast %get3A_137 : i32 to index
      %get3A_139 = arith.index_cast %add3A_136 : i32 to index
      %get3A_140 = tpu.vector_load %arg6[%get3A_138, %get3A_139] {strides = array<i32>} : memref<3x6400xf32, #tpu.memory_space<vmem>>, vector<16xf32>,
      %mul3A_141 = arith.mulf %get3A_140, %gather3A_36 : vector<16xf32>
      %swap3A_142 = arith.constant 0 : i32
      %swap3A_143 = arith.index_cast %swap3A_142 : i32 to index
      %swap3A_144 = arith.index_cast %add3A_136 : i32 to index
      %swap3A_145 = tpu.vector_load %arg6[%swap3A_143, %swap3A_144] {strides = array<i32>} : memref<3x6400xf32, #tpu.memory_space<vmem>>, vector<16xf32>,
      tpu.vector_store %arg6[%swap3A_143, %swap3A_144], %mul3A_141 {strides = array<i32>} : memref<3x6400xf32, #tpu.memory_space<vmem>>, vector<16xf32>,
      %get3A_146 = arith.constant 1 : i32
      %get3A_147 = arith.index_cast %get3A_146 : i32 to index
      %get3A_148 = arith.index_cast %add3A_136 : i32 to index
      %get3A_149 = tpu.vector_load %arg6[%get3A_147, %get3A_148] {strides = array<i32>} : memref<3x6400xf32, #tpu.memory_space<vmem>>, vector<16xf32>,
      %mul3A_150 = arith.mulf %get3A_149, %gather3A_36 : vector<16xf32>
      %swap3A_151 = arith.constant 1 : i32
      %swap3A_152 = arith.index_cast %swap3A_151 : i32 to index
      %swap3A_153 = arith.index_cast %add3A_136 : i32 to index
      %swap3A_154 = tpu.vector_load %arg6[%swap3A_152, %swap3A_153] {strides = array<i32>} : memref<3x6400xf32, #tpu.memory_space<vmem>>, vector<16xf32>,
      tpu.vector_store %arg6[%swap3A_152, %swap3A_153], %mul3A_150 {strides = array<i32>} : memref<3x6400xf32, #tpu.memory_space<vmem>>, vector<16xf32>,
      %get3A_155 = arith.constant 2 : i32
      %get3A_156 = arith.index_cast %get3A_155 : i32 to index
      %get3A_157 = arith.index_cast %add3A_136 : i32 to index
      %get3A_158 = tpu.vector_load %arg6[%get3A_156, %get3A_157] {strides = array<i32>} : memref<3x6400xf32, #tpu.memory_space<vmem>>, vector<16xf32>,
      %mul3A_159 = arith.mulf %get3A_158, %gather3A_36 : vector<16xf32>
      %swap3A_160 = arith.constant 2 : i32
      %swap3A_161 = arith.index_cast %swap3A_160 : i32 to index
      %swap3A_162 = arith.index_cast %add3A_136 : i32 to index
      %swap3A_163 = tpu.vector_load %arg6[%swap3A_161, %swap3A_162] {strides = array<i32>} : memref<3x6400xf32, #tpu.memory_space<vmem>>, vector<16xf32>,
      tpu.vector_store %arg6[%swap3A_161, %swap3A_162], %mul3A_159 {strides = array<i32>} : memref<3x6400xf32, #tpu.memory_space<vmem>>, vector<16xf32>,
      %add3A_164 = arith.constant 32 : i32
      %add3A_165 = arith.addi %mul3A_29, %add3A_164 : i32
      %get3A_166 = arith.constant 0 : i32
      %get3A_167 = arith.index_cast %get3A_166 : i32 to index
      %get3A_168 = arith.index_cast %add3A_165 : i32 to index
      %get3A_169 = tpu.vector_load %arg6[%get3A_167, %get3A_168] {strides = array<i32>} : memref<3x6400xf32, #tpu.memory_space<vmem>>, vector<16xf32>,
      %mul3A_170 = arith.mulf %get3A_169, %gather3A_41 : vector<16xf32>
      %swap3A_171 = arith.constant 0 : i32
      %swap3A_172 = arith.index_cast %swap3A_171 : i32 to index
      %swap3A_173 = arith.index_cast %add3A_165 : i32 to index
      %swap3A_174 = tpu.vector_load %arg6[%swap3A_172, %swap3A_173] {strides = array<i32>} : memref<3x6400xf32, #tpu.memory_space<vmem>>, vector<16xf32>,
      tpu.vector_store %arg6[%swap3A_172, %swap3A_173], %mul3A_170 {strides = array<i32>} : memref<3x6400xf32, #tpu.memory_space<vmem>>, vector<16xf32>,
      %get3A_175 = arith.constant 1 : i32
      %get3A_176 = arith.index_cast %get3A_175 : i32 to index
      %get3A_177 = arith.index_cast %add3A_165 : i32 to index
      %get3A_178 = tpu.vector_load %arg6[%get3A_176, %get3A_177] {strides = array<i32>} : memref<3x6400xf32, #tpu.memory_space<vmem>>, vector<16xf32>,
      %mul3A_179 = arith.mulf %get3A_178, %gather3A_41 : vector<16xf32>
      %swap3A_180 = arith.constant 1 : i32
      %swap3A_181 = arith.index_cast %swap3A_180 : i32 to index
      %swap3A_182 = arith.index_cast %add3A_165 : i32 to index
      %swap3A_183 = tpu.vector_load %arg6[%swap3A_181, %swap3A_182] {strides = array<i32>} : memref<3x6400xf32, #tpu.memory_space<vmem>>, vector<16xf32>,
      tpu.vector_store %arg6[%swap3A_181, %swap3A_182], %mul3A_179 {strides = array<i32>} : memref<3x6400xf32, #tpu.memory_space<vmem>>, vector<16xf32>,
      %get3A_184 = arith.constant 2 : i32
      %get3A_185 = arith.index_cast %get3A_184 : i32 to index
      %get3A_186 = arith.index_cast %add3A_165 : i32 to index
      %get3A_187 = tpu.vector_load %arg6[%get3A_185, %get3A_186] {strides = array<i32>} : memref<3x6400xf32, #tpu.memory_space<vmem>>, vector<16xf32>,
      %mul3A_188 = arith.mulf %get3A_187, %gather3A_41 : vector<16xf32>
      %swap3A_189 = arith.constant 2 : i32
      %swap3A_190 = arith.index_cast %swap3A_189 : i32 to index
      %swap3A_191 = arith.index_cast %add3A_165 : i32 to index
      %swap3A_192 = tpu.vector_load %arg6[%swap3A_190, %swap3A_191] {strides = array<i32>} : memref<3x6400xf32, #tpu.memory_space<vmem>>, vector<16xf32>,
      tpu.vector_store %arg6[%swap3A_190, %swap3A_191], %mul3A_188 {strides = array<i32>} : memref<3x6400xf32, #tpu.memory_space<vmem>>, vector<16xf32>,
      %add3A_193 = arith.constant 48 : i32
      %add3A_194 = arith.addi %mul3A_29, %add3A_193 : i32
      %get3A_195 = arith.constant 0 : i32
      %get3A_196 = arith.index_cast %get3A_195 : i32 to index
      %get3A_197 = arith.index_cast %add3A_194 : i32 to index
      %get3A_198 = tpu.vector_load %arg6[%get3A_196, %get3A_197] {strides = array<i32>} : memref<3x6400xf32, #tpu.memory_space<vmem>>, vector<16xf32>,
      %mul3A_199 = arith.mulf %get3A_198, %gather3A_46 : vector<16xf32>
      %swap3A_200 = arith.constant 0 : i32
      %swap3A_201 = arith.index_cast %swap3A_200 : i32 to index
      %swap3A_202 = arith.index_cast %add3A_194 : i32 to index
      %swap3A_203 = tpu.vector_load %arg6[%swap3A_201, %swap3A_202] {strides = array<i32>} : memref<3x6400xf32, #tpu.memory_space<vmem>>, vector<16xf32>,
      tpu.vector_store %arg6[%swap3A_201, %swap3A_202], %mul3A_199 {strides = array<i32>} : memref<3x6400xf32, #tpu.memory_space<vmem>>, vector<16xf32>,
      %get3A_204 = arith.constant 1 : i32
      %get3A_205 = arith.index_cast %get3A_204 : i32 to index
      %get3A_206 = arith.index_cast %add3A_194 : i32 to index
      %get3A_207 = tpu.vector_load %arg6[%get3A_205, %get3A_206] {strides = array<i32>} : memref<3x6400xf32, #tpu.memory_space<vmem>>, vector<16xf32>,
      %mul3A_208 = arith.mulf %get3A_207, %gather3A_46 : vector<16xf32>
      %swap3A_209 = arith.constant 1 : i32
      %swap3A_210 = arith.index_cast %swap3A_209 : i32 to index
      %swap3A_211 = arith.index_cast %add3A_194 : i32 to index
      %swap3A_212 = tpu.vector_load %arg6[%swap3A_210, %swap3A_211] {strides = array<i32>} : memref<3x6400xf32, #tpu.memory_space<vmem>>, vector<16xf32>,
      tpu.vector_store %arg6[%swap3A_210, %swap3A_211], %mul3A_208 {strides = array<i32>} : memref<3x6400xf32, #tpu.memory_space<vmem>>, vector<16xf32>,
      %get3A_213 = arith.constant 2 : i32
      %get3A_214 = arith.index_cast %get3A_213 : i32 to index
      %get3A_215 = arith.index_cast %add3A_194 : i32 to index
      %get3A_216 = tpu.vector_load %arg6[%get3A_214, %get3A_215] {strides = array<i32>} : memref<3x6400xf32, #tpu.memory_space<vmem>>, vector<16xf32>,
      %mul3A_217 = arith.mulf %get3A_216, %gather3A_46 : vector<16xf32>
      %swap3A_218 = arith.constant 2 : i32
      %swap3A_219 = arith.index_cast %swap3A_218 : i32 to index
      %swap3A_220 = arith.index_cast %add3A_194 : i32 to index
      %swap3A_221 = tpu.vector_load %arg6[%swap3A_219, %swap3A_220] {strides = array<i32>} : memref<3x6400xf32, #tpu.memory_space<vmem>>, vector<16xf32>,
      tpu.vector_store %arg6[%swap3A_219, %swap3A_220], %mul3A_217 {strides = array<i32>} : memref<3x6400xf32, #tpu.memory_space<vmem>>, vector<16xf32>,
      %add3A_222 = arith.constant 64 : i32
      %add3A_223 = arith.addi %mul3A_29, %add3A_222 : i32
      %get3A_224 = arith.constant 0 : i32
      %get3A_225 = arith.index_cast %get3A_224 : i32 to index
      %get3A_226 = arith.index_cast %add3A_223 : i32 to index
      %get3A_227 = tpu.vector_load %arg6[%get3A_225, %get3A_226] {strides = array<i32>} : memref<3x6400xf32, #tpu.memory_space<vmem>>, vector<16xf32>,
      %mul3A_228 = arith.mulf %get3A_227, %gather3A_51 : vector<16xf32>
      %swap3A_229 = arith.constant 0 : i32
      %swap3A_230 = arith.index_cast %swap3A_229 : i32 to index
      %swap3A_231 = arith.index_cast %add3A_223 : i32 to index
      %swap3A_232 = tpu.vector_load %arg6[%swap3A_230, %swap3A_231] {strides = array<i32>} : memref<3x6400xf32, #tpu.memory_space<vmem>>, vector<16xf32>,
      tpu.vector_store %arg6[%swap3A_230, %swap3A_231], %mul3A_228 {strides = array<i32>} : memref<3x6400xf32, #tpu.memory_space<vmem>>, vector<16xf32>,
      %get3A_233 = arith.constant 1 : i32
      %get3A_234 = arith.index_cast %get3A_233 : i32 to index
      %get3A_235 = arith.index_cast %add3A_223 : i32 to index
      %get3A_236 = tpu.vector_load %arg6[%get3A_234, %get3A_235] {strides = array<i32>} : memref<3x6400xf32, #tpu.memory_space<vmem>>, vector<16xf32>,
      %mul3A_237 = arith.mulf %get3A_236, %gather3A_51 : vector<16xf32>
      %swap3A_238 = arith.constant 1 : i32
      %swap3A_239 = arith.index_cast %swap3A_238 : i32 to index
      %swap3A_240 = arith.index_cast %add3A_223 : i32 to index
      %swap3A_241 = tpu.vector_load %arg6[%swap3A_239, %swap3A_240] {strides = array<i32>} : memref<3x6400xf32, #tpu.memory_space<vmem>>, vector<16xf32>,
      tpu.vector_store %arg6[%swap3A_239, %swap3A_240], %mul3A_237 {strides = array<i32>} : memref<3x6400xf32, #tpu.memory_space<vmem>>, vector<16xf32>,
      %get3A_242 = arith.constant 2 : i32
      %get3A_243 = arith.index_cast %get3A_242 : i32 to index
      %get3A_244 = arith.index_cast %add3A_223 : i32 to index
      %get3A_245 = tpu.vector_load %arg6[%get3A_243, %get3A_244] {strides = array<i32>} : memref<3x6400xf32, #tpu.memory_space<vmem>>, vector<16xf32>,
      %mul3A_246 = arith.mulf %get3A_245, %gather3A_51 : vector<16xf32>
      %swap3A_247 = arith.constant 2 : i32
      %swap3A_248 = arith.index_cast %swap3A_247 : i32 to index
      %swap3A_249 = arith.index_cast %add3A_223 : i32 to index
      %swap3A_250 = tpu.vector_load %arg6[%swap3A_248, %swap3A_249] {strides = array<i32>} : memref<3x6400xf32, #tpu.memory_space<vmem>>, vector<16xf32>,
      tpu.vector_store %arg6[%swap3A_248, %swap3A_249], %mul3A_246 {strides = array<i32>} : memref<3x6400xf32, #tpu.memory_space<vmem>>, vector<16xf32>,
      %add3A_251 = arith.constant 80 : i32
      %add3A_252 = arith.addi %mul3A_29, %add3A_251 : i32
      %get3A_253 = arith.constant 0 : i32
      %get3A_254 = arith.index_cast %get3A_253 : i32 to index
      %get3A_255 = arith.index_cast %add3A_252 : i32 to index
      %get3A_256 = tpu.vector_load %arg6[%get3A_254, %get3A_255] {strides = array<i32>} : memref<3x6400xf32, #tpu.memory_space<vmem>>, vector<16xf32>,
      %mul3A_257 = arith.mulf %get3A_256, %gather3A_56 : vector<16xf32>
      %swap3A_258 = arith.constant 0 : i32
      %swap3A_259 = arith.index_cast %swap3A_258 : i32 to index
      %swap3A_260 = arith.index_cast %add3A_252 : i32 to index
      %swap3A_261 = tpu.vector_load %arg6[%swap3A_259, %swap3A_260] {strides = array<i32>} : memref<3x6400xf32, #tpu.memory_space<vmem>>, vector<16xf32>,
      tpu.vector_store %arg6[%swap3A_259, %swap3A_260], %mul3A_257 {strides = array<i32>} : memref<3x6400xf32, #tpu.memory_space<vmem>>, vector<16xf32>,
      %get3A_262 = arith.constant 1 : i32
      %get3A_263 = arith.index_cast %get3A_262 : i32 to index
      %get3A_264 = arith.index_cast %add3A_252 : i32 to index
      %get3A_265 = tpu.vector_load %arg6[%get3A_263, %get3A_264] {strides = array<i32>} : memref<3x6400xf32, #tpu.memory_space<vmem>>, vector<16xf32>,
      %mul3A_266 = arith.mulf %get3A_265, %gather3A_56 : vector<16xf32>
      %swap3A_267 = arith.constant 1 : i32
      %swap3A_268 = arith.index_cast %swap3A_267 : i32 to index
      %swap3A_269 = arith.index_cast %add3A_252 : i32 to index
      %swap3A_270 = tpu.vector_load %arg6[%swap3A_268, %swap3A_269] {strides = array<i32>} : memref<3x6400xf32, #tpu.memory_space<vmem>>, vector<16xf32>,
      tpu.vector_store %arg6[%swap3A_268, %swap3A_269], %mul3A_266 {strides = array<i32>} : memref<3x6400xf32, #tpu.memory_space<vmem>>, vector<16xf32>,
      %get3A_271 = arith.constant 2 : i32
      %get3A_272 = arith.index_cast %get3A_271 : i32 to index
      %get3A_273 = arith.index_cast %add3A_252 : i32 to index
      %get3A_274 = tpu.vector_load %arg6[%get3A_272, %get3A_273] {strides = array<i32>} : memref<3x6400xf32, #tpu.memory_space<vmem>>, vector<16xf32>,
      %mul3A_275 = arith.mulf %get3A_274, %gather3A_56 : vector<16xf32>
      %swap3A_276 = arith.constant 2 : i32
      %swap3A_277 = arith.index_cast %swap3A_276 : i32 to index
      %swap3A_278 = arith.index_cast %add3A_252 : i32 to index
      %swap3A_279 = tpu.vector_load %arg6[%swap3A_277, %swap3A_278] {strides = array<i32>} : memref<3x6400xf32, #tpu.memory_space<vmem>>, vector<16xf32>,
      tpu.vector_store %arg6[%swap3A_277, %swap3A_278], %mul3A_275 {strides = array<i32>} : memref<3x6400xf32, #tpu.memory_space<vmem>>, vector<16xf32>,
      %add3A_280 = arith.constant 96 : i32
      %add3A_281 = arith.addi %mul3A_29, %add3A_280 : i32
      %get3A_282 = arith.constant 0 : i32
      %get3A_283 = arith.index_cast %get3A_282 : i32 to index
      %get3A_284 = arith.index_cast %add3A_281 : i32 to index
      %get3A_285 = tpu.vector_load %arg6[%get3A_283, %get3A_284] {strides = array<i32>} : memref<3x6400xf32, #tpu.memory_space<vmem>>, vector<16xf32>,
      %mul3A_286 = arith.mulf %get3A_285, %gather3A_61 : vector<16xf32>
      %swap3A_287 = arith.constant 0 : i32
      %swap3A_288 = arith.index_cast %swap3A_287 : i32 to index
      %swap3A_289 = arith.index_cast %add3A_281 : i32 to index
      %swap3A_290 = tpu.vector_load %arg6[%swap3A_288, %swap3A_289] {strides = array<i32>} : memref<3x6400xf32, #tpu.memory_space<vmem>>, vector<16xf32>,
      tpu.vector_store %arg6[%swap3A_288, %swap3A_289], %mul3A_286 {strides = array<i32>} : memref<3x6400xf32, #tpu.memory_space<vmem>>, vector<16xf32>,
      %get3A_291 = arith.constant 1 : i32
      %get3A_292 = arith.index_cast %get3A_291 : i32 to index
      %get3A_293 = arith.index_cast %add3A_281 : i32 to index
      %get3A_294 = tpu.vector_load %arg6[%get3A_292, %get3A_293] {strides = array<i32>} : memref<3x6400xf32, #tpu.memory_space<vmem>>, vector<16xf32>,
      %mul3A_295 = arith.mulf %get3A_294, %gather3A_61 : vector<16xf32>
      %swap3A_296 = arith.constant 1 : i32
      %swap3A_297 = arith.index_cast %swap3A_296 : i32 to index
      %swap3A_298 = arith.index_cast %add3A_281 : i32 to index
      %swap3A_299 = tpu.vector_load %arg6[%swap3A_297, %swap3A_298] {strides = array<i32>} : memref<3x6400xf32, #tpu.memory_space<vmem>>, vector<16xf32>,
      tpu.vector_store %arg6[%swap3A_297, %swap3A_298], %mul3A_295 {strides = array<i32>} : memref<3x6400xf32, #tpu.memory_space<vmem>>, vector<16xf32>,
      %get3A_300 = arith.constant 2 : i32
      %get3A_301 = arith.index_cast %get3A_300 : i32 to index
      %get3A_302 = arith.index_cast %add3A_281 : i32 to index
      %get3A_303 = tpu.vector_load %arg6[%get3A_301, %get3A_302] {strides = array<i32>} : memref<3x6400xf32, #tpu.memory_space<vmem>>, vector<16xf32>,
      %mul3A_304 = arith.mulf %get3A_303, %gather3A_61 : vector<16xf32>
      %swap3A_305 = arith.constant 2 : i32
      %swap3A_306 = arith.index_cast %swap3A_305 : i32 to index
      %swap3A_307 = arith.index_cast %add3A_281 : i32 to index
      %swap3A_308 = tpu.vector_load %arg6[%swap3A_306, %swap3A_307] {strides = array<i32>} : memref<3x6400xf32, #tpu.memory_space<vmem>>, vector<16xf32>,
      tpu.vector_store %arg6[%swap3A_306, %swap3A_307], %mul3A_304 {strides = array<i32>} : memref<3x6400xf32, #tpu.memory_space<vmem>>, vector<16xf32>,
      %add3A_309 = arith.constant 112 : i32
      %add3A_310 = arith.addi %mul3A_29, %add3A_309 : i32
      %get3A_311 = arith.constant 0 : i32
      %get3A_312 = arith.index_cast %get3A_311 : i32 to index
      %get3A_313 = arith.index_cast %add3A_310 : i32 to index
      %get3A_314 = tpu.vector_load %arg6[%get3A_312, %get3A_313] {strides = array<i32>} : memref<3x6400xf32, #tpu.memory_space<vmem>>, vector<16xf32>,
      %mul3A_315 = arith.mulf %get3A_314, %gather3A_66 : vector<16xf32>
      %swap3A_316 = arith.constant 0 : i32
      %swap3A_317 = arith.index_cast %swap3A_316 : i32 to index
      %swap3A_318 = arith.index_cast %add3A_310 : i32 to index
      %swap3A_319 = tpu.vector_load %arg6[%swap3A_317, %swap3A_318] {strides = array<i32>} : memref<3x6400xf32, #tpu.memory_space<vmem>>, vector<16xf32>,
      tpu.vector_store %arg6[%swap3A_317, %swap3A_318], %mul3A_315 {strides = array<i32>} : memref<3x6400xf32, #tpu.memory_space<vmem>>, vector<16xf32>,
      %get3A_320 = arith.constant 1 : i32
      %get3A_321 = arith.index_cast %get3A_320 : i32 to index
      %get3A_322 = arith.index_cast %add3A_310 : i32 to index
      %get3A_323 = tpu.vector_load %arg6[%get3A_321, %get3A_322] {strides = array<i32>} : memref<3x6400xf32, #tpu.memory_space<vmem>>, vector<16xf32>,
      %mul3A_324 = arith.mulf %get3A_323, %gather3A_66 : vector<16xf32>
      %swap3A_325 = arith.constant 1 : i32
      %swap3A_326 = arith.index_cast %swap3A_325 : i32 to index
      %swap3A_327 = arith.index_cast %add3A_310 : i32 to index
      %swap3A_328 = tpu.vector_load %arg6[%swap3A_326, %swap3A_327] {strides = array<i32>} : memref<3x6400xf32, #tpu.memory_space<vmem>>, vector<16xf32>,
      tpu.vector_store %arg6[%swap3A_326, %swap3A_327], %mul3A_324 {strides = array<i32>} : memref<3x6400xf32, #tpu.memory_space<vmem>>, vector<16xf32>,
      %get3A_329 = arith.constant 2 : i32
      %get3A_330 = arith.index_cast %get3A_329 : i32 to index
      %get3A_331 = arith.index_cast %add3A_310 : i32 to index
      %get3A_332 = tpu.vector_load %arg6[%get3A_330, %get3A_331] {strides = array<i32>} : memref<3x6400xf32, #tpu.memory_space<vmem>>, vector<16xf32>,
      %mul3A_333 = arith.mulf %get3A_332, %gather3A_66 : vector<16xf32>
      %swap3A_334 = arith.constant 2 : i32
      %swap3A_335 = arith.index_cast %swap3A_334 : i32 to index
      %swap3A_336 = arith.index_cast %add3A_310 : i32 to index
      %swap3A_337 = tpu.vector_load %arg6[%swap3A_335, %swap3A_336] {strides = array<i32>} : memref<3x6400xf32, #tpu.memory_space<vmem>>, vector<16xf32>,
      tpu.vector_store %arg6[%swap3A_335, %swap3A_336], %mul3A_333 {strides = array<i32>} : memref<3x6400xf32, #tpu.memory_space<vmem>>, vector<16xf32>,
      %add3A_338 = arith.constant 128 : i32
      %add3A_339 = arith.addi %mul3A_29, %add3A_338 : i32
      %get3A_340 = arith.constant 0 : i32
      %get3A_341 = arith.index_cast %get3A_340 : i32 to index
      %get3A_342 = arith.index_cast %add3A_339 : i32 to index
      %get3A_343 = tpu.vector_load %arg6[%get3A_341, %get3A_342] {strides = array<i32>} : memref<3x6400xf32, #tpu.memory_space<vmem>>, vector<16xf32>,
      %mul3A_344 = arith.mulf %get3A_343, %gather3A_71 : vector<16xf32>
      %swap3A_345 = arith.constant 0 : i32
      %swap3A_346 = arith.index_cast %swap3A_345 : i32 to index
      %swap3A_347 = arith.index_cast %add3A_339 : i32 to index
      %swap3A_348 = tpu.vector_load %arg6[%swap3A_346, %swap3A_347] {strides = array<i32>} : memref<3x6400xf32, #tpu.memory_space<vmem>>, vector<16xf32>,
      tpu.vector_store %arg6[%swap3A_346, %swap3A_347], %mul3A_344 {strides = array<i32>} : memref<3x6400xf32, #tpu.memory_space<vmem>>, vector<16xf32>,
      %get3A_349 = arith.constant 1 : i32
      %get3A_350 = arith.index_cast %get3A_349 : i32 to index
      %get3A_351 = arith.index_cast %add3A_339 : i32 to index
      %get3A_352 = tpu.vector_load %arg6[%get3A_350, %get3A_351] {strides = array<i32>} : memref<3x6400xf32, #tpu.memory_space<vmem>>, vector<16xf32>,
      %mul3A_353 = arith.mulf %get3A_352, %gather3A_71 : vector<16xf32>
      %swap3A_354 = arith.constant 1 : i32
      %swap3A_355 = arith.index_cast %swap3A_354 : i32 to index
      %swap3A_356 = arith.index_cast %add3A_339 : i32 to index
      %swap3A_357 = tpu.vector_load %arg6[%swap3A_355, %swap3A_356] {strides = array<i32>} : memref<3x6400xf32, #tpu.memory_space<vmem>>, vector<16xf32>,
      tpu.vector_store %arg6[%swap3A_355, %swap3A_356], %mul3A_353 {strides = array<i32>} : memref<3x6400xf32, #tpu.memory_space<vmem>>, vector<16xf32>,
      %get3A_358 = arith.constant 2 : i32
      %get3A_359 = arith.index_cast %get3A_358 : i32 to index
      %get3A_360 = arith.index_cast %add3A_339 : i32 to index
      %get3A_361 = tpu.vector_load %arg6[%get3A_359, %get3A_360] {strides = array<i32>} : memref<3x6400xf32, #tpu.memory_space<vmem>>, vector<16xf32>,
      %mul3A_362 = arith.mulf %get3A_361, %gather3A_71 : vector<16xf32>
      %swap3A_363 = arith.constant 2 : i32
      %swap3A_364 = arith.index_cast %swap3A_363 : i32 to index
      %swap3A_365 = arith.index_cast %add3A_339 : i32 to index
      %swap3A_366 = tpu.vector_load %arg6[%swap3A_364, %swap3A_365] {strides = array<i32>} : memref<3x6400xf32, #tpu.memory_space<vmem>>, vector<16xf32>,
      tpu.vector_store %arg6[%swap3A_364, %swap3A_365], %mul3A_362 {strides = array<i32>} : memref<3x6400xf32, #tpu.memory_space<vmem>>, vector<16xf32>,
      %add3A_367 = arith.constant 144 : i32
      %add3A_368 = arith.addi %mul3A_29, %add3A_367 : i32
      %get3A_369 = arith.constant 0 : i32
      %get3A_370 = arith.index_cast %get3A_369 : i32 to index
      %get3A_371 = arith.index_cast %add3A_368 : i32 to index
      %get3A_372 = tpu.vector_load %arg6[%get3A_370, %get3A_371] {strides = array<i32>} : memref<3x6400xf32, #tpu.memory_space<vmem>>, vector<16xf32>,
      %mul3A_373 = arith.mulf %get3A_372, %gather3A_76 : vector<16xf32>
      %swap3A_374 = arith.constant 0 : i32
      %swap3A_375 = arith.index_cast %swap3A_374 : i32 to index
      %swap3A_376 = arith.index_cast %add3A_368 : i32 to index
      %swap3A_377 = tpu.vector_load %arg6[%swap3A_375, %swap3A_376] {strides = array<i32>} : memref<3x6400xf32, #tpu.memory_space<vmem>>, vector<16xf32>,
      tpu.vector_store %arg6[%swap3A_375, %swap3A_376], %mul3A_373 {strides = array<i32>} : memref<3x6400xf32, #tpu.memory_space<vmem>>, vector<16xf32>,
      %get3A_378 = arith.constant 1 : i32
      %get3A_379 = arith.index_cast %get3A_378 : i32 to index
      %get3A_380 = arith.index_cast %add3A_368 : i32 to index
      %get3A_381 = tpu.vector_load %arg6[%get3A_379, %get3A_380] {strides = array<i32>} : memref<3x6400xf32, #tpu.memory_space<vmem>>, vector<16xf32>,
      %mul3A_382 = arith.mulf %get3A_381, %gather3A_76 : vector<16xf32>
      %swap3A_383 = arith.constant 1 : i32
      %swap3A_384 = arith.index_cast %swap3A_383 : i32 to index
      %swap3A_385 = arith.index_cast %add3A_368 : i32 to index
      %swap3A_386 = tpu.vector_load %arg6[%swap3A_384, %swap3A_385] {strides = array<i32>} : memref<3x6400xf32, #tpu.memory_space<vmem>>, vector<16xf32>,
      tpu.vector_store %arg6[%swap3A_384, %swap3A_385], %mul3A_382 {strides = array<i32>} : memref<3x6400xf32, #tpu.memory_space<vmem>>, vector<16xf32>,
      %get3A_387 = arith.constant 2 : i32
      %get3A_388 = arith.index_cast %get3A_387 : i32 to index
      %get3A_389 = arith.index_cast %add3A_368 : i32 to index
      %get3A_390 = tpu.vector_load %arg6[%get3A_388, %get3A_389] {strides = array<i32>} : memref<3x6400xf32, #tpu.memory_space<vmem>>, vector<16xf32>,
      %mul3A_391 = arith.mulf %get3A_390, %gather3A_76 : vector<16xf32>
      %swap3A_392 = arith.constant 2 : i32
      %swap3A_393 = arith.index_cast %swap3A_392 : i32 to index
      %swap3A_394 = arith.index_cast %add3A_368 : i32 to index
      %swap3A_395 = tpu.vector_load %arg6[%swap3A_393, %swap3A_394] {strides = array<i32>} : memref<3x6400xf32, #tpu.memory_space<vmem>>, vector<16xf32>,
      tpu.vector_store %arg6[%swap3A_393, %swap3A_394], %mul3A_391 {strides = array<i32>} : memref<3x6400xf32, #tpu.memory_space<vmem>>, vector<16xf32>,
      %add3A_396 = arith.constant 160 : i32
      %add3A_397 = arith.addi %mul3A_29, %add3A_396 : i32
      %get3A_398 = arith.constant 0 : i32
      %get3A_399 = arith.index_cast %get3A_398 : i32 to index
      %get3A_400 = arith.index_cast %add3A_397 : i32 to index
      %get3A_401 = tpu.vector_load %arg6[%get3A_399, %get3A_400] {strides = array<i32>} : memref<3x6400xf32, #tpu.memory_space<vmem>>, vector<16xf32>,
      %mul3A_402 = arith.mulf %get3A_401, %gather3A_81 : vector<16xf32>
      %swap3A_403 = arith.constant 0 : i32
      %swap3A_404 = arith.index_cast %swap3A_403 : i32 to index
      %swap3A_405 = arith.index_cast %add3A_397 : i32 to index
      %swap3A_406 = tpu.vector_load %arg6[%swap3A_404, %swap3A_405] {strides = array<i32>} : memref<3x6400xf32, #tpu.memory_space<vmem>>, vector<16xf32>,
      tpu.vector_store %arg6[%swap3A_404, %swap3A_405], %mul3A_402 {strides = array<i32>} : memref<3x6400xf32, #tpu.memory_space<vmem>>, vector<16xf32>,
      %get3A_407 = arith.constant 1 : i32
      %get3A_408 = arith.index_cast %get3A_407 : i32 to index
      %get3A_409 = arith.index_cast %add3A_397 : i32 to index
      %get3A_410 = tpu.vector_load %arg6[%get3A_408, %get3A_409] {strides = array<i32>} : memref<3x6400xf32, #tpu.memory_space<vmem>>, vector<16xf32>,
      %mul3A_411 = arith.mulf %get3A_410, %gather3A_81 : vector<16xf32>
      %swap3A_412 = arith.constant 1 : i32
      %swap3A_413 = arith.index_cast %swap3A_412 : i32 to index
      %swap3A_414 = arith.index_cast %add3A_397 : i32 to index
      %swap3A_415 = tpu.vector_load %arg6[%swap3A_413, %swap3A_414] {strides = array<i32>} : memref<3x6400xf32, #tpu.memory_space<vmem>>, vector<16xf32>,
      tpu.vector_store %arg6[%swap3A_413, %swap3A_414], %mul3A_411 {strides = array<i32>} : memref<3x6400xf32, #tpu.memory_space<vmem>>, vector<16xf32>,
      %get3A_416 = arith.constant 2 : i32
      %get3A_417 = arith.index_cast %get3A_416 : i32 to index
      %get3A_418 = arith.index_cast %add3A_397 : i32 to index
      %get3A_419 = tpu.vector_load %arg6[%get3A_417, %get3A_418] {strides = array<i32>} : memref<3x6400xf32, #tpu.memory_space<vmem>>, vector<16xf32>,
      %mul3A_420 = arith.mulf %get3A_419, %gather3A_81 : vector<16xf32>
      %swap3A_421 = arith.constant 2 : i32
      %swap3A_422 = arith.index_cast %swap3A_421 : i32 to index
      %swap3A_423 = arith.index_cast %add3A_397 : i32 to index
      %swap3A_424 = tpu.vector_load %arg6[%swap3A_422, %swap3A_423] {strides = array<i32>} : memref<3x6400xf32, #tpu.memory_space<vmem>>, vector<16xf32>,
      tpu.vector_store %arg6[%swap3A_422, %swap3A_423], %mul3A_420 {strides = array<i32>} : memref<3x6400xf32, #tpu.memory_space<vmem>>, vector<16xf32>,
      %add3A_425 = arith.constant 176 : i32
      %add3A_426 = arith.addi %mul3A_29, %add3A_425 : i32
      %get3A_427 = arith.constant 0 : i32
      %get3A_428 = arith.index_cast %get3A_427 : i32 to index
      %get3A_429 = arith.index_cast %add3A_426 : i32 to index
      %get3A_430 = tpu.vector_load %arg6[%get3A_428, %get3A_429] {strides = array<i32>} : memref<3x6400xf32, #tpu.memory_space<vmem>>, vector<16xf32>,
      %mul3A_431 = arith.mulf %get3A_430, %gather3A_86 : vector<16xf32>
      %swap3A_432 = arith.constant 0 : i32
      %swap3A_433 = arith.index_cast %swap3A_432 : i32 to index
      %swap3A_434 = arith.index_cast %add3A_426 : i32 to index
      %swap3A_435 = tpu.vector_load %arg6[%swap3A_433, %swap3A_434] {strides = array<i32>} : memref<3x6400xf32, #tpu.memory_space<vmem>>, vector<16xf32>,
      tpu.vector_store %arg6[%swap3A_433, %swap3A_434], %mul3A_431 {strides = array<i32>} : memref<3x6400xf32, #tpu.memory_space<vmem>>, vector<16xf32>,
      %get3A_436 = arith.constant 1 : i32
      %get3A_437 = arith.index_cast %get3A_436 : i32 to index
      %get3A_438 = arith.index_cast %add3A_426 : i32 to index
      %get3A_439 = tpu.vector_load %arg6[%get3A_437, %get3A_438] {strides = array<i32>} : memref<3x6400xf32, #tpu.memory_space<vmem>>, vector<16xf32>,
      %mul3A_440 = arith.mulf %get3A_439, %gather3A_86 : vector<16xf32>
      %swap3A_441 = arith.constant 1 : i32
      %swap3A_442 = arith.index_cast %swap3A_441 : i32 to index
      %swap3A_443 = arith.index_cast %add3A_426 : i32 to index
      %swap3A_444 = tpu.vector_load %arg6[%swap3A_442, %swap3A_443] {strides = array<i32>} : memref<3x6400xf32, #tpu.memory_space<vmem>>, vector<16xf32>,
      tpu.vector_store %arg6[%swap3A_442, %swap3A_443], %mul3A_440 {strides = array<i32>} : memref<3x6400xf32, #tpu.memory_space<vmem>>, vector<16xf32>,
      %get3A_445 = arith.constant 2 : i32
      %get3A_446 = arith.index_cast %get3A_445 : i32 to index
      %get3A_447 = arith.index_cast %add3A_426 : i32 to index
      %get3A_448 = tpu.vector_load %arg6[%get3A_446, %get3A_447] {strides = array<i32>} : memref<3x6400xf32, #tpu.memory_space<vmem>>, vector<16xf32>,
      %mul3A_449 = arith.mulf %get3A_448, %gather3A_86 : vector<16xf32>
      %swap3A_450 = arith.constant 2 : i32
      %swap3A_451 = arith.index_cast %swap3A_450 : i32 to index
      %swap3A_452 = arith.index_cast %add3A_426 : i32 to index
      %swap3A_453 = tpu.vector_load %arg6[%swap3A_451, %swap3A_452] {strides = array<i32>} : memref<3x6400xf32, #tpu.memory_space<vmem>>, vector<16xf32>,
      tpu.vector_store %arg6[%swap3A_451, %swap3A_452], %mul3A_449 {strides = array<i32>} : memref<3x6400xf32, #tpu.memory_space<vmem>>, vector<16xf32>,
      %add3A_454 = arith.constant 192 : i32
      %add3A_455 = arith.addi %mul3A_29, %add3A_454 : i32
      %get3A_456 = arith.constant 0 : i32
      %get3A_457 = arith.index_cast %get3A_456 : i32 to index
      %get3A_458 = arith.index_cast %add3A_455 : i32 to index
      %get3A_459 = tpu.vector_load %arg6[%get3A_457, %get3A_458] {strides = array<i32>} : memref<3x6400xf32, #tpu.memory_space<vmem>>, vector<16xf32>,
      %mul3A_460 = arith.mulf %get3A_459, %gather3A_91 : vector<16xf32>
      %swap3A_461 = arith.constant 0 : i32
      %swap3A_462 = arith.index_cast %swap3A_461 : i32 to index
      %swap3A_463 = arith.index_cast %add3A_455 : i32 to index
      %swap3A_464 = tpu.vector_load %arg6[%swap3A_462, %swap3A_463] {strides = array<i32>} : memref<3x6400xf32, #tpu.memory_space<vmem>>, vector<16xf32>,
      tpu.vector_store %arg6[%swap3A_462, %swap3A_463], %mul3A_460 {strides = array<i32>} : memref<3x6400xf32, #tpu.memory_space<vmem>>, vector<16xf32>,
      %get3A_465 = arith.constant 1 : i32
      %get3A_466 = arith.index_cast %get3A_465 : i32 to index
      %get3A_467 = arith.index_cast %add3A_455 : i32 to index
      %get3A_468 = tpu.vector_load %arg6[%get3A_466, %get3A_467] {strides = array<i32>} : memref<3x6400xf32, #tpu.memory_space<vmem>>, vector<16xf32>,
      %mul3A_469 = arith.mulf %get3A_468, %gather3A_91 : vector<16xf32>
      %swap3A_470 = arith.constant 1 : i32
      %swap3A_471 = arith.index_cast %swap3A_470 : i32 to index
      %swap3A_472 = arith.index_cast %add3A_455 : i32 to index
      %swap3A_473 = tpu.vector_load %arg6[%swap3A_471, %swap3A_472] {strides = array<i32>} : memref<3x6400xf32, #tpu.memory_space<vmem>>, vector<16xf32>,
      tpu.vector_store %arg6[%swap3A_471, %swap3A_472], %mul3A_469 {strides = array<i32>} : memref<3x6400xf32, #tpu.memory_space<vmem>>, vector<16xf32>,
      %get3A_474 = arith.constant 2 : i32
      %get3A_475 = arith.index_cast %get3A_474 : i32 to index
      %get3A_476 = arith.index_cast %add3A_455 : i32 to index
      %get3A_477 = tpu.vector_load %arg6[%get3A_475, %get3A_476] {strides = array<i32>} : memref<3x6400xf32, #tpu.memory_space<vmem>>, vector<16xf32>,
      %mul3A_478 = arith.mulf %get3A_477, %gather3A_91 : vector<16xf32>
      %swap3A_479 = arith.constant 2 : i32
      %swap3A_480 = arith.index_cast %swap3A_479 : i32 to index
      %swap3A_481 = arith.index_cast %add3A_455 : i32 to index
      %swap3A_482 = tpu.vector_load %arg6[%swap3A_480, %swap3A_481] {strides = array<i32>} : memref<3x6400xf32, #tpu.memory_space<vmem>>, vector<16xf32>,
      tpu.vector_store %arg6[%swap3A_480, %swap3A_481], %mul3A_478 {strides = array<i32>} : memref<3x6400xf32, #tpu.memory_space<vmem>>, vector<16xf32>,
      %add3A_483 = arith.constant 208 : i32
      %add3A_484 = arith.addi %mul3A_29, %add3A_483 : i32
      %get3A_485 = arith.constant 0 : i32
      %get3A_486 = arith.index_cast %get3A_485 : i32 to index
      %get3A_487 = arith.index_cast %add3A_484 : i32 to index
      %get3A_488 = tpu.vector_load %arg6[%get3A_486, %get3A_487] {strides = array<i32>} : memref<3x6400xf32, #tpu.memory_space<vmem>>, vector<16xf32>,
      %mul3A_489 = arith.mulf %get3A_488, %gather3A_96 : vector<16xf32>
      %swap3A_490 = arith.constant 0 : i32
      %swap3A_491 = arith.index_cast %swap3A_490 : i32 to index
      %swap3A_492 = arith.index_cast %add3A_484 : i32 to index
      %swap3A_493 = tpu.vector_load %arg6[%swap3A_491, %swap3A_492] {strides = array<i32>} : memref<3x6400xf32, #tpu.memory_space<vmem>>, vector<16xf32>,
      tpu.vector_store %arg6[%swap3A_491, %swap3A_492], %mul3A_489 {strides = array<i32>} : memref<3x6400xf32, #tpu.memory_space<vmem>>, vector<16xf32>,
      %get3A_494 = arith.constant 1 : i32
      %get3A_495 = arith.index_cast %get3A_494 : i32 to index
      %get3A_496 = arith.index_cast %add3A_484 : i32 to index
      %get3A_497 = tpu.vector_load %arg6[%get3A_495, %get3A_496] {strides = array<i32>} : memref<3x6400xf32, #tpu.memory_space<vmem>>, vector<16xf32>,
      %mul3A_498 = arith.mulf %get3A_497, %gather3A_96 : vector<16xf32>
      %swap3A_499 = arith.constant 1 : i32
      %swap3A_500 = arith.index_cast %swap3A_499 : i32 to index
      %swap3A_501 = arith.index_cast %add3A_484 : i32 to index
      %swap3A_502 = tpu.vector_load %arg6[%swap3A_500, %swap3A_501] {strides = array<i32>} : memref<3x6400xf32, #tpu.memory_space<vmem>>, vector<16xf32>,
      tpu.vector_store %arg6[%swap3A_500, %swap3A_501], %mul3A_498 {strides = array<i32>} : memref<3x6400xf32, #tpu.memory_space<vmem>>, vector<16xf32>,
      %get3A_503 = arith.constant 2 : i32
      %get3A_504 = arith.index_cast %get3A_503 : i32 to index
      %get3A_505 = arith.index_cast %add3A_484 : i32 to index
      %get3A_506 = tpu.vector_load %arg6[%get3A_504, %get3A_505] {strides = array<i32>} : memref<3x6400xf32, #tpu.memory_space<vmem>>, vector<16xf32>,
      %mul3A_507 = arith.mulf %get3A_506, %gather3A_96 : vector<16xf32>
      %swap3A_508 = arith.constant 2 : i32
      %swap3A_509 = arith.index_cast %swap3A_508 : i32 to index
      %swap3A_510 = arith.index_cast %add3A_484 : i32 to index
      %swap3A_511 = tpu.vector_load %arg6[%swap3A_509, %swap3A_510] {strides = array<i32>} : memref<3x6400xf32, #tpu.memory_space<vmem>>, vector<16xf32>,
      tpu.vector_store %arg6[%swap3A_509, %swap3A_510], %mul3A_507 {strides = array<i32>} : memref<3x6400xf32, #tpu.memory_space<vmem>>, vector<16xf32>,
      %add3A_512 = arith.constant 224 : i32
      %add3A_513 = arith.addi %mul3A_29, %add3A_512 : i32
      %get3A_514 = arith.constant 0 : i32
      %get3A_515 = arith.index_cast %get3A_514 : i32 to index
      %get3A_516 = arith.index_cast %add3A_513 : i32 to index
      %get3A_517 = tpu.vector_load %arg6[%get3A_515, %get3A_516] {strides = array<i32>} : memref<3x6400xf32, #tpu.memory_space<vmem>>, vector<16xf32>,
      %mul3A_518 = arith.mulf %get3A_517, %gather3A_101 : vector<16xf32>
      %swap3A_519 = arith.constant 0 : i32
      %swap3A_520 = arith.index_cast %swap3A_519 : i32 to index
      %swap3A_521 = arith.index_cast %add3A_513 : i32 to index
      %swap3A_522 = tpu.vector_load %arg6[%swap3A_520, %swap3A_521] {strides = array<i32>} : memref<3x6400xf32, #tpu.memory_space<vmem>>, vector<16xf32>,
      tpu.vector_store %arg6[%swap3A_520, %swap3A_521], %mul3A_518 {strides = array<i32>} : memref<3x6400xf32, #tpu.memory_space<vmem>>, vector<16xf32>,
      %get3A_523 = arith.constant 1 : i32
      %get3A_524 = arith.index_cast %get3A_523 : i32 to index
      %get3A_525 = arith.index_cast %add3A_513 : i32 to index
      %get3A_526 = tpu.vector_load %arg6[%get3A_524, %get3A_525] {strides = array<i32>} : memref<3x6400xf32, #tpu.memory_space<vmem>>, vector<16xf32>,
      %mul3A_527 = arith.mulf %get3A_526, %gather3A_101 : vector<16xf32>
      %swap3A_528 = arith.constant 1 : i32
      %swap3A_529 = arith.index_cast %swap3A_528 : i32 to index
      %swap3A_530 = arith.index_cast %add3A_513 : i32 to index
      %swap3A_531 = tpu.vector_load %arg6[%swap3A_529, %swap3A_530] {strides = array<i32>} : memref<3x6400xf32, #tpu.memory_space<vmem>>, vector<16xf32>,
      tpu.vector_store %arg6[%swap3A_529, %swap3A_530], %mul3A_527 {strides = array<i32>} : memref<3x6400xf32, #tpu.memory_space<vmem>>, vector<16xf32>,
      %get3A_532 = arith.constant 2 : i32
      %get3A_533 = arith.index_cast %get3A_532 : i32 to index
      %get3A_534 = arith.index_cast %add3A_513 : i32 to index
      %get3A_535 = tpu.vector_load %arg6[%get3A_533, %get3A_534] {strides = array<i32>} : memref<3x6400xf32, #tpu.memory_space<vmem>>, vector<16xf32>,
      %mul3A_536 = arith.mulf %get3A_535, %gather3A_101 : vector<16xf32>
      %swap3A_537 = arith.constant 2 : i32
      %swap3A_538 = arith.index_cast %swap3A_537 : i32 to index
      %swap3A_539 = arith.index_cast %add3A_513 : i32 to index
      %swap3A_540 = tpu.vector_load %arg6[%swap3A_538, %swap3A_539] {strides = array<i32>} : memref<3x6400xf32, #tpu.memory_space<vmem>>, vector<16xf32>,
      tpu.vector_store %arg6[%swap3A_538, %swap3A_539], %mul3A_536 {strides = array<i32>} : memref<3x6400xf32, #tpu.memory_space<vmem>>, vector<16xf32>,
      %add3A_541 = arith.constant 240 : i32
      %add3A_542 = arith.addi %mul3A_29, %add3A_541 : i32
      %get3A_543 = arith.constant 0 : i32
      %get3A_544 = arith.index_cast %get3A_543 : i32 to index
      %get3A_545 = arith.index_cast %add3A_542 : i32 to index
      %get3A_546 = tpu.vector_load %arg6[%get3A_544, %get3A_545] {strides = array<i32>} : memref<3x6400xf32, #tpu.memory_space<vmem>>, vector<16xf32>,
      %mul3A_547 = arith.mulf %get3A_546, %gather3A_106 : vector<16xf32>
      %swap3A_548 = arith.constant 0 : i32
      %swap3A_549 = arith.index_cast %swap3A_548 : i32 to index
      %swap3A_550 = arith.index_cast %add3A_542 : i32 to index
      %swap3A_551 = tpu.vector_load %arg6[%swap3A_549, %swap3A_550] {strides = array<i32>} : memref<3x6400xf32, #tpu.memory_space<vmem>>, vector<16xf32>,
      tpu.vector_store %arg6[%swap3A_549, %swap3A_550], %mul3A_547 {strides = array<i32>} : memref<3x6400xf32, #tpu.memory_space<vmem>>, vector<16xf32>,
      %get3A_552 = arith.constant 1 : i32
      %get3A_553 = arith.index_cast %get3A_552 : i32 to index
      %get3A_554 = arith.index_cast %add3A_542 : i32 to index
      %get3A_555 = tpu.vector_load %arg6[%get3A_553, %get3A_554] {strides = array<i32>} : memref<3x6400xf32, #tpu.memory_space<vmem>>, vector<16xf32>,
      %mul3A_556 = arith.mulf %get3A_555, %gather3A_106 : vector<16xf32>
      %swap3A_557 = arith.constant 1 : i32
      %swap3A_558 = arith.index_cast %swap3A_557 : i32 to index
      %swap3A_559 = arith.index_cast %add3A_542 : i32 to index
      %swap3A_560 = tpu.vector_load %arg6[%swap3A_558, %swap3A_559] {strides = array<i32>} : memref<3x6400xf32, #tpu.memory_space<vmem>>, vector<16xf32>,
      tpu.vector_store %arg6[%swap3A_558, %swap3A_559], %mul3A_556 {strides = array<i32>} : memref<3x6400xf32, #tpu.memory_space<vmem>>, vector<16xf32>,
      %get3A_561 = arith.constant 2 : i32
      %get3A_562 = arith.index_cast %get3A_561 : i32 to index
      %get3A_563 = arith.index_cast %add3A_542 : i32 to index
      %get3A_564 = tpu.vector_load %arg6[%get3A_562, %get3A_563] {strides = array<i32>} : memref<3x6400xf32, #tpu.memory_space<vmem>>, vector<16xf32>,
      %mul3A_565 = arith.mulf %get3A_564, %gather3A_106 : vector<16xf32>
      %swap3A_566 = arith.constant 2 : i32
      %swap3A_567 = arith.index_cast %swap3A_566 : i32 to index
      %swap3A_568 = arith.index_cast %add3A_542 : i32 to index
      %swap3A_569 = tpu.vector_load %arg6[%swap3A_567, %swap3A_568] {strides = array<i32>} : memref<3x6400xf32, #tpu.memory_space<vmem>>, vector<16xf32>,
      tpu.vector_store %arg6[%swap3A_567, %swap3A_568], %mul3A_565 {strides = array<i32>} : memref<3x6400xf32, #tpu.memory_space<vmem>>, vector<16xf32>,
      %scan3A_570 = arith.constant 0 : i32
      scf.yield %scan3A_570 : i32
    }
    %scan3A_26 = arith.constant 25 : i32
    "tpu.trace_stop"() : () -> ()
    "tpu.trace_start"() <{level = 10 : i32, message = "dma_out"}> : () -> ()
    "tpu.region"() ({
      %run_scoped3A_27 = tpu.sem_alloc : memref<!tpu.dma_semaphore, #tpu.memory_space<semaphore_mem>>
      %dma_start3A = arith.constant 0 : i32
      %dma_start3A_28 = arith.constant 0 : i32
      %dma_start3A_29 = tpu.memref_slice %arg5[%arg1, %dma_start3A, %dma_start3A_28] : memref<16x3x6400xf32, #tpu.memory_space<hbm>> -> memref<1x3x6400xf32, #tpu.memory_space<hbm>>
      %dma_start3A_30 = tpu.memref_squeeze %dma_start3A_29 : memref<1x3x6400xf32, #tpu.memory_space<hbm>> -> memref<3x6400xf32, #tpu.memory_space<hbm>>
      %dma_start3A_31 = arith.constant 0 : i32
      %dma_start3A_32 = arith.constant 0 : i32
      %dma_start3A_33 = tpu.memref_slice %arg5[%arg1, %dma_start3A_31, %dma_start3A_32] : memref<16x3x6400xf32, #tpu.memory_space<hbm>> -> memref<1x3x6400xf32, #tpu.memory_space<hbm>>
      %dma_start3A_34 = tpu.memref_squeeze %dma_start3A_33 : memref<1x3x6400xf32, #tpu.memory_space<hbm>> -> memref<3x6400xf32, #tpu.memory_space<hbm>>
      tpu.enqueue_dma source(%arg6 : memref<3x6400xf32, #tpu.memory_space<vmem>>) target(%dma_start3A_34 : memref<3x6400xf32, #tpu.memory_space<hbm>>) target_semaphore(%run_scoped3A_27 : memref<!tpu.dma_semaphore, #tpu.memory_space<semaphore_mem>>)
      %dma_wait3A = arith.constant 0 : i32
      %dma_wait3A_35 = arith.constant 0 : i32
      %dma_wait3A_36 = tpu.memref_slice %arg5[%arg1, %dma_wait3A, %dma_wait3A_35] : memref<16x3x6400xf32, #tpu.memory_space<hbm>> -> memref<1x3x6400xf32, #tpu.memory_space<hbm>>
      %dma_wait3A_37 = tpu.memref_squeeze %dma_wait3A_36 : memref<1x3x6400xf32, #tpu.memory_space<hbm>> -> memref<3x6400xf32, #tpu.memory_space<hbm>>
      %dma_wait3A_38 = arith.constant 0 : i32
      %dma_wait3A_39 = arith.constant 0 : i32
      %dma_wait3A_40 = tpu.memref_slice %arg5[%arg1, %dma_wait3A_38, %dma_wait3A_39] : memref<16x3x6400xf32, #tpu.memory_space<hbm>> -> memref<1x3x6400xf32, #tpu.memory_space<hbm>>
      %dma_wait3A_41 = tpu.memref_squeeze %dma_wait3A_40 : memref<1x3x6400xf32, #tpu.memory_space<hbm>> -> memref<3x6400xf32, #tpu.memory_space<hbm>>
      tpu.wait_dma2 semaphore(%run_scoped3A_27 : memref<!tpu.dma_semaphore, #tpu.memory_space<semaphore_mem>>) src(%arg6 : memref<3x6400xf32, #tpu.memory_space<vmem>>) dst(%dma_wait3A_41 : memref<3x6400xf32, #tpu.memory_space<hbm>>)
      tpu.yield
    }) : () -> ()
    "tpu.trace_stop"() : () -> ()
    return
  }
}

</mosaic_0001>

<sc_bundles>
// kernel: _run.3.cloned.1.call-start
scs
__scs_entry_jumppad:
0x0: {  	(pc) =	sbr.rel $0x88, $3  }
0x1: {  	(tag) =	ssettag $0x0;
	lr =	simm.s32 $0x1  }
0x2: {  	[smem:$0x3F9E] =	sst lr;
	_ =	strace $0xD0000000  }
0x3: {  	_ = 	snop  }
0x4: {  	_ = 	snop  }
0x5: {  	_ = 	snop  }
0x6: {  	_ = 	snop  }
0x7: {  	_ = 	snop  }
__scs_overlays_trampoline_lowered:
0x8: {  	[smem:$0x3FAD] =	sst s0  }
0x9: {  	[smem:$0x3FAE] =	sst s1  }
0xa: {  	[smem:$0x3FAF] =	sst s2  }
0xb: {  	[smem:$0x3FB0] =	sst s3  }
0xc: {  	[smem:$0x3FB1] =	sst s4  }
0xd: {  	[smem:$0x3FB2] =	sst s5  }
0xe: {  	[smem:$0x3FB3] =	sst s6  }
0xf: {  	[smem:$0x3FB4] =	sst s7  }
0x10: {  	[smem:$0x3FB5] =	sst s8  }
0x11: {  	[smem:$0x3FB6] =	sst s9;
	s0 =	simm.s32 @!p0 $0x0  }
0x12: {  	s1 =	sld [smem:$0x3F9C];
	s0 =	simm.s32 @p0 $0x1  }
0x13: {  	[smem:$0x3FB7] =	sst s0;
	s0 =	simm.s32 @!p1 $0x0  }
0x14: {  	s2 =	sld [smem:$0x3F9B];
	s0 =	simm.s32 @p1 $0x1  }
0x15: {  	[smem:$0x3FB8] =	sst s0;
	s0 =	simm.s32 @!p2 $0x0  }
0x16: {  	s3 =	sld [smem:$0x3FDB];
	s0 =	simm.s32 @p2 $0x1  }
0x17: {  	s4 =	simm.s32 $0x1BF5;
	[smem:$0x3FBA] =	sst s0  }
0x18: {  	s0 =	sld [smem:$0x3F9D];
	_ =	swait.ge [sflag:s4], $0x0  }
0x19: {  	s7 =	sld [smem:$0x3F9E]  }
0x1a: {  	s8 =	sadd.s32 $0xFFFFE003, lr  }
0x1b: {  	s9 =	sadd.s32 $0xFFFFFEF7, lr;
	s5 =	simm.s32 $0xFFFFFFFF;
	p2 =	slt.u32 s8, $0xFFFFF086  }
0x1c: {  	p1 =	slt.u32 s9, $0xF7A;
	s5 =	simm.s32 @!p2 $0x0  }
0x1d: {  	s5 =	simm.s32 @p1 $0x1;
	p0 =	seq.s32 s7, s2  }
0x1e: {  	s7 =	smul.u32 @!p0 $0xF7A, s2;
	p2 =	seq.s32 @!p0 s5, $0x0  }
0x1f: {  	s9 =	smul.u32 $0xF7A, s1;
	s8 =	simm.s32 @!p0 $0x1BF5;
	p2 =	por !p2, p0  }
0x20: {  	[sflag:s8] =	ssyncset.s32 @!p0 $0xFFFFF086;
	s6 =	sadd.s32 @!p0 s3, s7;
	s7 =	simm.s32 @!p0 $0x108  }
0x21: {  	s3 =	sadd.s32 s3, s9;
	s6 =	sadd.s32 @!p0 $0x88, s6;
	s7 =	simm.s32 @p2 $0x1082  }
0x22: {  	[simem:s7], [sflag:s8] =	dma.local @!p0 [hbm:s6], $0xF7A  }
0x23: {  	s9 =	sor.u32 $0xD0000000, s2;
	s6 =	simm.s32 $0x108;
	_ =	swait.ge @!p0 [sflag:s8], $0x0  }
0x24: {  	s3 =	sadd.s32 $0x88, s3;
	s6 =	simm.s32 @!p1 $0x1082;
	[sflag:s4] =	ssyncset.s32 $0xFFFFF086  }
0x25: {  	[simem:s6], [sflag:s4] =	dma.local [hbm:s3], $0xF7A  }
0x26: {  	[smem:$0x3F9E] =	sst s1;
	(tag) =	ssettag s2;
	_ =	strace s9  }
0x27: {  	s1 =	sld [smem:$0x3FAE]  }
0x28: {  	s2 =	sld [smem:$0x3FAF]  }
0x29: {  	s4 =	sld [smem:$0x3FB1]  }
0x2a: {  	p0 =	seq.s32 s5, $0x0;
	s5 =	sld [smem:$0x3FB2]  }
0x2b: {  	s6 =	sld [smem:$0x3FB3]  }
0x2c: {  	s7 =	sld [smem:$0x3FB4]  }
0x2d: {  	s3 =	simm.s32 $0x108;
	s8 =	sld [smem:$0x3FB5]  }
0x2e: {  	s3 =	simm.s32 @!p0 $0x1082;
	s9 =	sld [smem:$0x3FB6]  }
0x2f: {  	lr =	sadd.s32 s0, s3;
	s0 =	sld [smem:$0x3FAD]  }
0x30: {  	s3 =	sld [smem:$0x3FB0]  }
0x31: {  	[smem:$0x3FB9] =	sst s10  }
0x32: {  	s10 =	sld [smem:$0x3FB7];
	_ =	sdelay $0x3  }
0x33: {  	p0 =	seq.s32 s10, $0x1;
	s10 =	sld [smem:$0x3FB9];
	_ =	sdelay $0x3  }
0x34: {  	[smem:$0x3FB9] =	sst s10  }
0x35: {  	s10 =	sld [smem:$0x3FB8];
	_ =	sdelay $0x3  }
0x36: {  	p1 =	seq.s32 s10, $0x1;
	s10 =	sld [smem:$0x3FB9];
	_ =	sdelay $0x3  }
0x37: {  	[smem:$0x3FB9] =	sst s10  }
0x38: {  	s10 =	sld [smem:$0x3FBA]  }
0x39: {  	_ = 	snop;
	(pc) =	sbr.ind lr, $3  }
0x3a: {  	_ = 	snop  }
0x3b: {  	_ = 	snop  }
0x3c: {  	p2 =	seq.s32 s10, $0x1;
	s10 =	sld [smem:$0x3FB9]  }
0x3d: {  	_ =	shalt  }
0x3e: {  	_ =	shalt  }
0x3f: {  	_ =	shalt  }
0x40: {  	_ =	shalt  }
0x41: {  	_ =	shalt  }
0x42: {  	_ =	shalt  }
0x43: {  	_ =	shalt  }
0x44: {  	_ =	shalt  }
0x45: {  	_ =	shalt  }
0x46: {  	_ =	shalt  }
0x47: {  	_ =	shalt  }
0x48: {  	_ =	shalt  }
0x49: {  	_ =	shalt  }
0x4a: {  	_ =	shalt  }
0x4b: {  	_ =	shalt  }
0x4c: {  	_ =	shalt  }
0x4d: {  	_ =	shalt  }
0x4e: {  	_ =	shalt  }
0x4f: {  	_ =	shalt  }
0x50: {  	_ =	shalt  }
0x51: {  	_ =	shalt  }
0x52: {  	_ =	shalt  }
0x53: {  	_ =	shalt  }
0x54: {  	_ =	shalt  }
0x55: {  	_ =	shalt  }
0x56: {  	_ =	shalt  }
0x57: {  	_ =	shalt  }
0x58: {  	_ =	shalt  }
0x59: {  	_ =	shalt  }
0x5a: {  	_ =	shalt  }
0x5b: {  	_ =	shalt  }
0x5c: {  	_ =	shalt  }
0x5d: {  	_ =	shalt  }
0x5e: {  	_ =	shalt  }
0x5f: {  	_ =	shalt  }
0x60: {  	_ =	shalt  }
0x61: {  	_ =	shalt  }
0x62: {  	_ =	shalt  }
0x63: {  	_ =	shalt  }
0x64: {  	_ =	shalt  }
0x65: {  	_ =	shalt  }
0x66: {  	_ =	shalt  }
0x67: {  	_ =	shalt  }
0x68: {  	_ =	shalt  }
0x69: {  	_ =	shalt  }
0x6a: {  	_ =	shalt  }
0x6b: {  	_ =	shalt  }
0x6c: {  	_ =	shalt  }
0x6d: {  	_ =	shalt  }
0x6e: {  	_ =	shalt  }
0x6f: {  	_ =	shalt  }
0x70: {  	_ =	shalt  }
0x71: {  	_ =	shalt  }
0x72: {  	_ =	shalt  }
0x73: {  	_ =	shalt  }
0x74: {  	_ =	shalt  }
0x75: {  	_ =	shalt  }
0x76: {  	_ =	shalt  }
0x77: {  	_ =	shalt  }
0x78: {  	_ =	shalt  }
0x79: {  	_ =	shalt  }
0x7a: {  	_ =	shalt  }
0x7b: {  	_ =	shalt  }
0x7c: {  	_ =	shalt  }
0x7d: {  	_ =	shalt  }
0x7e: {  	_ =	shalt  }
0x7f: {  	_ =	shalt  }
0x80: {  	_ =	shalt  }
0x81: {  	_ =	shalt  }
0x82: {  	_ =	shalt  }
0x83: {  	_ =	shalt  }
0x84: {  	_ =	shalt  }
0x85: {  	_ =	shalt  }
0x86: {  	_ =	shalt  }
0x87: {  	_ =	shalt  }
.Lfunc_end0:
.L_simem_size_0:
called_computation_lowered:
.L_overlay_start_0:
0x88: {  	s0 =	sld [smem:$0x3FD9]  }
0x89: {  	s1 =	sld [smem:$0x3FFE];
	_ =	sdelay $0x3  }
0x8a: {  	s0 =	sadd.s32 s1, s0  }
0x8b: {  	[smem:$0x3FC5] =	sst s0  }
0x8c: {  	_ = 	snop  }
0x8d: {  	s0 =	sld [smem:$0x3FC8]  }
0x8e: {  	s16 =	sld [smem:$0x3FC7];
	(tm) =	ssettm $0x1  }
0x8f: {  	s2 =	sld [smem:$0x3FFB];
	_ =	sdelay $0x3  }
0x90: {  	_ =	strace s2  }
0x91: {  	s2 =	sld [smem:$0x3FFC];
	_ =	sdelay $0x3  }
0x92: {  	_ =	strace s2  }
0x93: {  	s2 =	sld [smem:$0x3FFD];
	_ =	sdelay $0x3  }
0x94: {  	_ =	strace s2  }
0x95: {  	_ =	strace $0x8FFFFFFF  }
0x96: {  	s17 =	sld [smem:$0x3FDB];
	_ =	sdelay $0x1  }
0x97: {  	s3 =	simm.s32 $_scs_section_size  }
0x98: {  	s4 =	simm.s32 $_size__tile_overlayer_lowered;
	s5 =	simm.s32 $_tile_overlayer_lowered  }
0x99: {  	s20 =	simm.s32 $0x1BFF;
	s19 =	sshll.u32 s5, $0x1;
	s2 =	sadd.s32 s3, s17  }
0x9a: {  	s6 =	simm.s32 $0x0;
	s18 =	sshll.u32 s4, $0x1;
	s4 =	sadd.s32 s19, s2  }
0x9b: {  	[timem:s6], [sflag:s20] =	dma.local [hbm:s4], s18  }
0x9c: {  	_ =	swait.ge [sflag:s20], s18  }
0x9d: {  	s3 =	ssub.s32 $0x0, s18;
	[sflag:s20] =	ssyncset.done $0x0  }
0x9e: {  	[sflag:s20] =	ssyncadd.s32 s3;
	_ =	sdelay $0x1  }
0x9f: {  	s21 =	simm.s32 $0x1B8B  }
0xa0: {  	_ =	swait.ge [sflag:s21], $0x1  }
0xa1: {  	[sflag:s21] =	ssyncset.done $0x0  }
0xa2: {  	s23 =	simm.s32 $0x1B8E;
	s22 =	sld [smem:$0x3FFE];
	[sflag:s21] =	ssyncadd.s32 $0xFFFFFFFF  }
0xa3: {  	s24 =	simm.s32 $execute0_lowered;
	[smem:$0x3FD2] =	sst s23  }
0xa4: {  	s4 =	sshll.u32 s24, $0x1;
	_ =	strace $0x80000046;
	[dreg:$0x1] =	wrdreg $0xFFFFFFFF  }
0xa5: {  	s25 =	simm.s32 $_size_execute0_lowered;
	s2 =	sadd.s32 s2, s4;
	[dreg:$0x0] =	wrdreg $0x0  }
0xa6: {  	s4 =	sshll.u32 s25, $0x1;
	[dreg:$0x2] =	wrdreg s2  }
0xa7: {  	[dreg:$0x3] =	wrdreg s4  }
0xa8: {  	[dreg:$0x4] =	wrdreg $0xC0  }
0xa9: {  	_ =	task [dreg:s6], $0x5FFFF  }
0xaa: {  	[dreg:$0x1] =	wrdreg $0xFFFFFFFF  }
0xab: {  	[dreg:$0x0] =	wrdreg $0x60  }
0xac: {  	[dreg:$0x2] =	wrdreg s22  }
0xad: {  	[dreg:$0x3] =	wrdreg s0  }
0xae: {  	[dreg:$0x4] =	wrdreg s16  }
0xaf: {  	[dreg:$0x5] =	wrdreg $0x9B800  }
0xb0: {  	[dreg:$0x6] =	wrdreg $0xA4800  }
0xb1: {  	[dreg:$0x7] =	wrdreg $0x9  }
0xb2: {  	_ =	task.clear_ibuf [dreg:s6], $0x8FFFF;
	_ =	strace $0x90000046  }
0xb3: {  	s26 =	simm.s32 $0x9;
	_ =	strace $0x8000004E  }
0xb4: {  	_ =	swait.ge [sflag:s26], $0x1  }
0xb5: {  	[sflag:s26] =	ssyncadd.s32 $0xFFFFFFFF  }
0xb6: {  	_ =	strace $0x9000004E  }
0xb7: {  	_ =	sfence  }
0xb8: {  	s28 =	sld [smem:$0x0];
	_ =	sdelay $0x1  }
0xb9: {  	s29 =	srdreg.scid  }
0xba: {  	s30 =	sshll.u32 s29, $0xD;
	s31 =	sshrl.u32 s29, $0x2  }
0xbb: {  	s1 =	sand.u32 $0x1, s29;
	s2 =	sand.u32 $0x4000, s30;
	s0 =	sadd.s32 s31, s28  }
0xbc: {  	s1 =	sor.u32 s2, s1;
	s0 =	sshll.u32 s0, $0x11  }
0xbd: {  	s0 =	sor.u32 s0, s1  }
0xbe: {  	s0 =	sadd.s32 $0x8F2B, s0  }
0xbf: {  	[sflag:s0] =	ssyncadd.remote.s32 $0x1  }
0xc0: {  	_ =	sfence.sel $0xFFFF  }
0xc1: {  	[dreg:$0x0] =	wrdreg $0xFFFFFFFF;
	(pc) =	sbr.abs _section_cstart, $3  }
0xc2: {  	[dreg:$0x1] =	wrdreg $0xFFFFFFFF  }
0xc3: {  	_ =	task.clear_ibuf [dreg:s6], $0x2FFFF;
	_ =	strace $0x9FFFFFFF  }
0xc4: {  	(tm) =	ssettm $0x7FFFFFFF  }
0xc5: {  	_ =	shalt  }
tec
execute0_lowered:
.L_overlay_start_1:
0x0: {  	(tag) =	ssettag $0x1  }
0x1: {  	s3 =	rddreg [dreg:$0x0]  }
0x2: {  	s7 =	rddreg [dreg:$0x1]  }
0x3: {  	s8 =	rddreg [dreg:$0x2]  }
0x4: {  	s6 =	rddreg [dreg:$0x3]  }
0x5: {  	s0 =	stileid.u32;
	s4 =	rddreg [dreg:$0x4]  }
0x6: {  	s1 =	rddreg [dreg:$0x5];
	s9 =	simm.s32 $0x0;
	s2 =	smul.u32 $0xC80, s0  }
0x7: {  	[smem:$0x7FF] =	sst s9;
	s26 =	sshrl.u32 s0, $0x3  }
0x8: {  	_ =	strace $0x80000047;
	s11 =	smul.u32 $0xC800, s26;
	s5 =	sadd.s32 s2, s3  }
0x9: {  	_ =	strace $0x80000048;
	s10 =	sadd.s32 $0x400, s5;
	s5 =	sshll.u32 s0, $0x7  }
0xa: {  	[tilespmem:s9], [sflag:$0x1] =	stream.linear.gather [hbm4b:s10+s9], $0x6400, $0x200038;
	[tilespmem:$0xA4C8] =	vst v63  }
0xb: {  	s12 =	simm.s32 $0x1;
	s28 =	sand.u32 $0x380, s5  }
0xc: {  	s29 =	simm.s32 $0x80;
	s10 =	sor.u32 s28, s11;
	_ =	swait.ge [sflag:s12], $0x6400  }
0xd: {  	s30 =	simm.s32 $0x400;
	s10 =	sshrl.u32 s10, $0x3;
	[sflag:s12] =	ssyncset.done $0x0  }
0xe: {  	s13 =	simm.s32 $0x6400;
	s7 =	sadd.s32 s7, s10;
	[sflag:s12] =	ssyncadd.s32 $0xFFFF9C00  }
0xf: {  	[tilespmem:s13], [sflag:$0x1] =	stream.strided.gather [hbm4b:s7+s29], $0x1900, s30, s29, $0x200038;
	[tilespmem:$0xA4C8] =	vst v63  }
0x10: {  	_ =	swait.ge [sflag:s12], $0x1900  }
0x11: {  	[sflag:s12] =	ssyncset.done $0x0  }
0x12: {  	s31 =	simm.s32 $0x8B00;
	[sflag:s12] =	ssyncadd.s32 $0xFFFFE700  }
0x13: {  	[tilespmem:s31], [sflag:$0x1] =	stream.linear.gather [hbm4b:s8+s9], $0x80, $0x200038;
	[tilespmem:$0xA4C8] =	vst v63  }
0x14: {  	_ =	swait.ge [sflag:s12], $0x80  }
0x15: {  	[sflag:s12] =	ssyncset.done $0x0  }
0x16: {  	[sflag:s12] =	ssyncadd.s32 $0xFFFFFF80  }
0x17: {  	s3 =	sadd.s32 $0xCC00, s3;
	_ =	strace $0x90000048  }
0x18: {  	v0 =	vimm.f32 $0.0e+00;
	s7 =	simm.s32 $0x40;
	s8 =	simm.s32 $0x0;
	_ =	strace $0x80000049  }
.LBB2_1:
0x19: {  	p0 =	sne.s32 s7, $0x11C0;
	[tilespmem:s8+$0x7D00] =	vst v0;
	s9 =	smov.u32 s7;
	s7 =	sadd.s32 $0x40, s7  }
.Ltmp0:
0x1a: {  	[tilespmem:s8+$0x8180] =	vst v0;
	(pc) =	sbr.rel @p0 .LBB2_1-.Ltmp0, $2  }
0x1b: {  	_ =	sdelay $0x2  }
0x1c: {  	s8 =	sshra.s32 s9, $0x2  }
0x1d: {  	[tilespmem:s8+$0x7D00] =	vst v0  }
0x1e: {  	[tilespmem:s8+$0x8180] =	vst v0  }
0x1f: {  	s7 =	simm.s32 $0x3C0;
	s8 =	simm.s32 $0x200;
	_ =	strace $0x90000049  }
0x20: {  	s9 =	simm.s32 $0x7D00;
	v0 =	vimm.f32 $1.000000000e+00;
	s10 =	simm.s32 $0x8180;
	_ =	strace $0x8000004A  }
.LBB2_3:
0x21: {  	v1 =	vld [tilespmem:s8+$0xFFFFFE00]  }
0x22: {  	v2 =	vld [tilespmem:s8+$0xFFFFFE80]  }
0x23: {  	v3 =	vld [tilespmem:s8+$0xFFFFFF00]  }
0x24: {  	v4 =	vld [tilespmem:s8+$0xFFFFFE10]  }
0x25: {  	v5 =	vld [tilespmem:s8+$0xFFFFFE90]  }
0x26: {  	v63 =	vld [tilespmem:s8+$0xFFFFFE20]  }
0x27: {  	v7 =	vld [tilespmem:s8+$0xFFFFFEA0];
	v1 =	vmul.f32 v1, v1;
	v2 =	vmul.f32 v2, v2  }
0x28: {  	v16 =	vld [tilespmem:s8+$0xFFFFFF20]  }
0x29: {  	v1 =	vadd.f32 v2, v1;
	v2 =	vmul.f32 v3, v3;
	v3 =	vld [tilespmem:s8+$0xFFFFFF10]  }
0x2a: {  	v9 =	vld [tilespmem:s8+$0xFFFFFE30]  }
0x2b: {  	v13 =	vld [tilespmem:s8+$0xFFFFFF30];
	v2 =	vadd.f32 v2, v1  }
0x2c: {  	v26 =	vld [tilespmem:s8+$0xFFFFFE40];
	v62 =	vmul.f32 v5, v5;
	v1 =	vmul.f32 v4, v4  }
0x2d: {  	v15 =	vld [tilespmem:s8+$0xFFFFFEC0];
	v5 =	vmul.f32 v63, v63;
	v6 =	vshra.s32 v2, $0x1  }
0x2e: {  	v34 =	vld [tilespmem:s8+$0xFFFFFEE0];
	v8 =	vmul.f32 $5.000000000e-01, v2;
	v1 =	vadd.f32 v62, v1;
	v3 =	vmul.f32 v3, v3  }
0x2f: {  	v33 =	vld [tilespmem:s8+$0xFFFFFE60];
	v7 =	vmul.f32 v7, v7;
	v17 =	vmul.f32 v9, v9;
	v6 =	vsub.s32 $0x5F3759DF, v6  }
0x30: {  	v20 =	vmul.f32 v13, v13;
	v10 =	vmul.f32 v6, v8;
	v3 =	vadd.f32 v3, v1;
	v1 =	vld [tilespmem:s8+$0xFFFFFEB0]  }
0x31: {  	v9 =	vmul.f32 v26, v26;
	v5 =	vadd.f32 v7, v5;
	v4 =	vmul.f32 v16, v16  }
0x32: {  	v61 =	vld [tilespmem:s8+$0x10];
	v10 =	vmul.f32 v6, v10;
	v11 =	vshra.s32 v3, $0x1;
	v12 =	vmul.f32 $5.000000000e-01, v3  }
0x33: {  	v15 =	vmul.f32 v15, v15;
	v43 =	vmul.f32 v34, v34;
	v11 =	vsub.s32 $0x5F3759DF, v11  }
0x34: {  	v5 =	vadd.f32 v4, v5;
	v18 =	vsub.f32 $1.500000000e+00, v10;
	v14 =	vmul.f32 v11, v12  }
0x35: {  	v9 =	vadd.f32 v15, v9;
	v15 =	vmul.f32 v33, v33;
	v1 =	vmul.f32 v1, v1  }
0x36: {  	v22 =	vshra.s32 v5, $0x1;
	v6 =	vmul.f32 v6, v18;
	v18 =	vld [tilespmem:s8+$0xFFFFFE50];
	v19 =	vmul.f32 v11, v14  }
0x37: {  	v33 =	vmul.f32 v61, v61;
	v23 =	vmul.f32 $5.000000000e-01, v5;
	v25 =	vsub.s32 $0x5F3759DF, v22  }
0x38: {  	v1 =	vadd.f32 v1, v17;
	v24 =	vmul.f32 v6, v8;
	v17 =	vld [tilespmem:s8+$0xFFFFFF40];
	v21 =	vsub.f32 $1.500000000e+00, v19  }
0x39: {  	v45 =	vadd.f32 v43, v15;
	vm0 =	vgt.f32 v2, $0.0e+00;
	v27 =	vmul.f32 v25, v23  }
0x3a: {  	v19 =	vld [tilespmem:s8+$0xFFFFFED0];
	v1 =	vadd.f32 v20, v1;
	v4 =	vmul.f32 v24, v6;
	v7 =	vmul.f32 v11, v21  }
0x3b: {  	v31 =	vld [tilespmem:s8+$0xFFFFFF50];
	vm14 =	vgt.f32 v5, $0.0e+00;
	v11 =	vmul.f32 v25, v27;
	v40 =	vmul.f32 v18, v18  }
0x3c: {  	v28 =	vshra.s32 v1, $0x1;
	v29 =	vmul.f32 $5.000000000e-01, v1;
	v4 =	vsub.f32 $1.500000000e+00, v4  }
0x3d: {  	v20 =	vld [tilespmem:s8+$0xFFFFFE70];
	v12 =	vmul.f32 v7, v12;
	v13 =	vsub.s32 $0x5F3759DF, v28;
	v32 =	vmul.f32 v17, v17  }
0x3e: {  	v11 =	vsub.f32 $1.500000000e+00, v11;
	v16 =	vmul.f32 v13, v29;
	v4 =	vmul.f32 v4, v6  }
0x3f: {  	v46 =	vld [tilespmem:s8+$0xFFFFFEF0];
	vm13 =	vgt.f32 v3, $0.0e+00;
	v41 =	vmul.f32 v19, v19;
	v12 =	vmul.f32 v12, v7  }
0x40: {  	vm15 =	vgt.f32 v1, $0.0e+00;
	v8 =	vmul.f32 v25, v11;
	v11 =	vmul.f32 v31, v31  }
0x41: {  	v39 =	vld [tilespmem:s8+$0xFFFFFF60];
	v16 =	vmul.f32 v13, v16;
	v35 =	vmul.f32 v4, v2;
	v4 =	vadd.f32 v32, v9  }
0x42: {  	v20 =	vmul.f32 v20, v20;
	v14 =	vadd.f32 v41, v40;
	v12 =	vsub.f32 $1.500000000e+00, v12  }
0x43: {  	v25 =	vld [tilespmem:s8+$0x90];
	v10 =	vmul.f32 v8, v23;
	v30 =	vsub.f32 $1.500000000e+00, v16;
	v42 =	vmul.f32 $5.000000000e-01, v4  }
0x44: {  	v6 =	vadd.f32 v11, v14;
	v14 =	vmul.f32 v46, v46;
	vm4 =	vgt.f32 v4, $0.0e+00  }
0x45: {  	v49 =	vld [tilespmem:s8+$0xFFFFFF70];
	v7 =	vmul.f32 v12, v7;
	v37 =	vmul.f32 v10, v8;
	v12 =	vshra.s32 v4, $0x1  }
0x46: {  	v10 =	vmul.f32 v39, v39;
	v13 =	vmul.f32 v13, v30;
	v12 =	vsub.s32 $0x5F3759DF, v12  }
0x47: {  	v48 =	vshra.s32 v6, $0x1;
	v21 =	vmul.f32 $5.000000000e-01, v6;
	v14 =	vadd.f32 v14, v20  }
0x48: {  	v57 =	vld [tilespmem:s8+$0x0];
	v34 =	vmul.f32 v25, v25;
	vm5 =	vgt.f32 v6, $0.0e+00;
	v36 =	vmul.f32 v7, v3  }
0x49: {  	v44 =	vmul.f32 v12, v42;
	v47 =	vsub.f32 $1.500000000e+00, v37;
	v7 =	vadd.f32 v10, v45  }
0x4a: {  	v50 =	vsub.s32 $0x5F3759DF, v48;
	v10 =	vmul.f32 v49, v49;
	v38 =	vmul.f32 v13, v29  }
0x4b: {  	v30 =	vld [tilespmem:s8+$0x110];
	v51 =	vmul.f32 v50, v21;
	v16 =	vadd.f32 v34, v33;
	v9 =	vmul.f32 v12, v44  }
0x4c: {  	v8 =	vmul.f32 v47, v8;
	v52 =	vmul.f32 $5.000000000e-01, v7;
	v53 =	vshra.s32 v7, $0x1  }
0x4d: {  	v33 =	vld [tilespmem:s8+$0x30];
	v10 =	vadd.f32 v10, v14;
	v14 =	vmul.f32 v57, v57;
	v2 =	vmul.f32 v38, v13  }
0x4e: {  	v26 =	vld [tilespmem:s8+$0x100];
	v54 =	vmul.f32 v50, v51;
	v55 =	vsub.s32 $0x5F3759DF, v53;
	v9 =	vsub.f32 $1.500000000e+00, v9  }
0x4f: {  	v18 =	vmul.f32 v55, v52;
	v22 =	vmul.f32 v8, v5;
	v60 =	vshra.s32 v10, $0x1  }
0x50: {  	v24 =	vmul.f32 $5.000000000e-01, v10;
	v37 =	vmul.f32 v30, v30;
	v2 =	vsub.f32 $1.500000000e+00, v2  }
0x51: {  	v63 =	vsub.s32 $0x5F3759DF, v60;
	v9 =	vmul.f32 v12, v9;
	v18 =	vmul.f32 v55, v18  }
0x52: {  	v58 =	vld [tilespmem:s8+$0x80];
	v12 =	vsub.f32 $1.500000000e+00, v54;
	v28 =	vmul.f32 v63, v24;
	v33 =	vmul.f32 v33, v33  }
0x53: {  	v27 =	vld [tilespmem:s8+$0x20];
	v2 =	vmul.f32 v2, v13;
	v13 =	vnsel vm13, $0x0, v36;
	v36 =	vmul.f32 v26, v26  }
0x54: {  	vm6 =	vgt.f32 v7, $0.0e+00;
	v56 =	vmul.f32 v9, v42;
	v11 =	vmul.f32 v50, v12  }
0x55: {  	v38 =	vld [tilespmem:s8+$0x120];
	v59 =	vsub.f32 $1.500000000e+00, v18;
	v32 =	vmul.f32 v63, v28;
	v23 =	vmul.f32 v2, v1  }
0x56: {  	v2 =	vnsel vm0, $0x0, v35;
	v35 =	vld [tilespmem:s8+$0xA0];
	v8 =	vmul.f32 v56, v9;
	v62 =	vmul.f32 v11, v21  }
0x57: {  	v12 =	vmul.f32 v58, v58;
	v3 =	vmul.f32 v55, v59;
	v15 =	vsub.f32 $1.500000000e+00, v32;
	v56 =	vld [tilespmem:s8+$0x40]  }
0x58: {  	s11 =	sshra.s32 s7, $0x2;
	v42 =	vmul.f32 v27, v27;
	v8 =	vsub.f32 $1.500000000e+00, v8;
	v29 =	vmul.f32 v62, v11  }
0x59: {  	v17 =	vld [tilespmem:s11+$0x6340];
	vm7 =	vgt.f32 v10, $0.0e+00;
	v31 =	vmul.f32 v3, v52;
	v15 =	vmul.f32 v63, v15  }
0x5a: {  	v19 =	vld [tilespmem:s11+$0x6320];
	v46 =	vmul.f32 v38, v38;
	v12 =	vadd.f32 v12, v14;
	v8 =	vmul.f32 v8, v9  }
0x5b: {  	v20 =	vld [tilespmem:s11+$0x6330];
	v9 =	vsub.f32 $1.500000000e+00, v29;
	v5 =	vmul.f32 v31, v3;
	v40 =	vmul.f32 v15, v24  }
0x5c: {  	v49 =	vld [tilespmem:s8+$0xB0];
	v29 =	vadd.f32 v36, v12;
	v43 =	vmul.f32 v35, v35;
	v63 =	vmul.f32 v56, v56  }
0x5d: {  	v36 =	vld [tilespmem:s8+$0x130];
	v28 =	vmul.f32 v8, v4;
	v9 =	vmul.f32 v9, v11;
	v39 =	vsub.f32 $1.500000000e+00, v5  }
0x5e: {  	v57 =	vld [tilespmem:s8+$0xC0];
	v8 =	vadd.f32 v37, v16;
	v41 =	vshra.s32 v29, $0x1;
	v45 =	vmul.f32 $5.000000000e-01, v29  }
0x5f: {  	v18 =	vld [tilespmem:s11+$0x6310];
	v21 =	vadd.f32 v43, v42;
	v47 =	vmul.f32 v40, v15;
	v44 =	vsub.s32 $0x5F3759DF, v41  }
0x60: {  	v58 =	vld [tilespmem:s8+$0x140];
	v30 =	vshra.s32 v8, $0x1;
	v31 =	vmul.f32 $5.000000000e-01, v8;
	v32 =	vmul.f32 v44, v45  }
0x61: {  	v43 =	vld [tilespmem:s8+$0x150];
	v34 =	vmul.f32 v9, v6;
	v12 =	vadd.f32 v46, v21;
	v3 =	vmul.f32 v39, v3  }
0x62: {  	v40 =	vld [tilespmem:s8+$0x50];
	v21 =	vmul.f32 v49, v49;
	v30 =	vsub.s32 $0x5F3759DF, v30;
	v55 =	vmul.f32 v36, v36  }
0x63: {  	v41 =	vld [tilespmem:s8+$0xD0];
	v50 =	vsub.f32 $1.500000000e+00, v47;
	v48 =	vmul.f32 v30, v31;
	v51 =	vmul.f32 v44, v32  }
0x64: {  	v56 =	vld [tilespmem:s8+$0x170];
	v52 =	vshra.s32 v12, $0x1;
	v35 =	vmul.f32 $5.000000000e-01, v12;
	v37 =	vmul.f32 v3, v7  }
0x65: {  	v46 =	vld [tilespmem:s8+$0xE0];
	v24 =	vmul.f32 v50, v15;
	v21 =	vadd.f32 v21, v33;
	v33 =	vmul.f32 v58, v58  }
0x66: {  	v1 =	vld [tilespmem:s11+$0x63C0];
	v32 =	vsub.s32 $0x5F3759DF, v52;
	v52 =	vmul.f32 v43, v43;
	v9 =	vmul.f32 v30, v48  }
0x67: {  	v14 =	vld [tilespmem:s11+$0x6380];
	v26 =	vsub.f32 $1.500000000e+00, v51;
	v39 =	vmul.f32 v32, v35;
	v24 =	vmul.f32 v24, v10  }
0x68: {  	v62 =	vld [tilespmem:s8+$0x60];
	v21 =	vadd.f32 v55, v21;
	v48 =	vmul.f32 v40, v40;
	v49 =	vmul.f32 v41, v41  }
0x69: {  	v16 =	vld [tilespmem:s11+$0x6350];
	v40 =	vmul.f32 v56, v56;
	v38 =	vsub.f32 $1.500000000e+00, v9;
	v54 =	vmul.f32 v32, v39  }
0x6a: {  	v22 =	vnsel vm14, $0x0, v22;
	v11 =	vld [tilespmem:s11+$0x6360];
	v55 =	vmul.f32 v46, v46;
	v25 =	vmul.f32 v44, v26  }
0x6b: {  	v5 =	vld [tilespmem:s11+$0x6370];
	v39 =	vmul.f32 $5.000000000e-01, v21;
	v53 =	vmul.f32 v30, v38;
	v30 =	vsub.f32 $1.500000000e+00, v54  }
0x6c: {  	v4 =	vld [tilespmem:s11+$0x63D0];
	v59 =	vshra.s32 v21, $0x1;
	v27 =	vmul.f32 v25, v45;
	v45 =	vmul.f32 v57, v57  }
0x6d: {  	v6 =	vld [tilespmem:s11+$0x63E0];
	v31 =	vmul.f32 v53, v31;
	v30 =	vmul.f32 v32, v30;
	v32 =	vsub.s32 $0x5F3759DF, v59  }
0x6e: {  	v23 =	vnsel vm15, $0x0, v23;
	v47 =	vld [tilespmem:s8+$0x160];
	v27 =	vmul.f32 v27, v25;
	v42 =	vmul.f32 v32, v39  }
0x6f: {  	vm8 =	vgt.f32 v29, $0.0e+00;
	v15 =	vld [tilespmem:s11+$0x6390];
	v31 =	vmul.f32 v31, v53;
	v35 =	vmul.f32 v30, v35  }
0x70: {  	v3 =	vld [tilespmem:s11+$0x63B0];
	v54 =	vmul.f32 v62, v62;
	v7 =	vadd.f32 v45, v63;
	v27 =	vsub.f32 $1.500000000e+00, v27  }
0x71: {  	v50 =	vld [tilespmem:s8+$0x70];
	v61 =	vmul.f32 v32, v42;
	v31 =	vsub.f32 $1.500000000e+00, v31;
	v60 =	vmul.f32 v35, v30  }
0x72: {  	v41 =	vld [tilespmem:s11+$0x63F0];
	v7 =	vadd.f32 v33, v7;
	v25 =	vmul.f32 v27, v25;
	v27 =	vnsel vm5, $0x0, v34  }
0x73: {  	v9 =	vld [tilespmem:s11+$0x63A0];
	v34 =	vsub.f32 $1.500000000e+00, v61;
	v26 =	vmul.f32 v31, v53;
	v31 =	vsub.f32 $1.500000000e+00, v60  }
0x74: {  	v51 =	vadd.f32 v49, v48;
	v10 =	vadd.f32 v55, v54;
	v58 =	vmul.f32 $5.000000000e-01, v7;
	v53 =	vld [tilespmem:s8+$0xF0]  }
0x75: {  	v57 =	vshra.s32 v7, $0x1;
	v30 =	vmul.f32 v31, v30;
	v31 =	vmul.f32 v32, v34;
	v34 =	vld [tilespmem:s11+$0x6400]  }
0x76: {  	v33 =	vadd.f32 v52, v51;
	v59 =	vsub.s32 $0x5F3759DF, v57;
	v61 =	vmul.f32 v47, v47;
	[tilespmem:v18+s9+$0x0] =	vst.idx.add.f32.msk $0xffff, v2  }
0x77: {  	v28 =	vnsel vm4, $0x0, v28;
	v62 =	vmul.f32 v50, v50;
	v60 =	vmul.f32 v59, v58;
	[tilespmem:v18+s10+$0x0] =	vst.idx.add.f32.msk $0xffff, v0  }
0x78: {  	v35 =	vmul.f32 $5.000000000e-01, v33;
	v10 =	vadd.f32 v61, v10;
	v2 =	vmul.f32 v25, v29;
	[tilespmem:v19+s9+$0x0] =	vst.idx.add.f32.msk $0xffff, v13  }
0x79: {  	v32 =	vshra.s32 v33, $0x1;
	v36 =	vmul.f32 v26, v8;
	v63 =	vmul.f32 v53, v53;
	[tilespmem:v19+s10+$0x0] =	vst.idx.add.f32.msk $0xffff, v0  }
0x7a: {  	v18 =	vmul.f32 v59, v60;
	v45 =	vshra.s32 v10, $0x1;
	v46 =	vmul.f32 $5.000000000e-01, v10;
	[tilespmem:v20+s9+$0x0] =	vst.idx.add.f32.msk $0xffff, v22  }
0x7b: {  	v42 =	vmul.f32 v31, v39;
	v47 =	vsub.s32 $0x5F3759DF, v45;
	v13 =	vadd.f32 v63, v62;
	[tilespmem:v20+s10+$0x0] =	vst.idx.add.f32.msk $0xffff, v0  }
0x7c: {  	v19 =	vsub.s32 $0x5F3759DF, v32;
	v18 =	vsub.f32 $1.500000000e+00, v18;
	v26 =	vmul.f32 v47, v46;
	[tilespmem:v17+s9+$0x0] =	vst.idx.add.f32.msk $0xffff, v23  }
0x7d: {  	vm9 =	vgt.f32 v8, $0.0e+00;
	v44 =	vmul.f32 v19, v35;
	v13 =	vadd.f32 v40, v13;
	[tilespmem:v17+s10+$0x0] =	vst.idx.add.f32.msk $0xffff, v0  }
0x7e: {  	v37 =	vnsel vm6, $0x0, v37;
	v18 =	vmul.f32 v59, v18;
	v51 =	vmul.f32 v47, v26;
	[tilespmem:v16+s9+$0x0] =	vst.idx.add.f32.msk $0xffff, v28  }
0x7f: {  	v23 =	vmul.f32 v19, v44;
	v48 =	vshra.s32 v13, $0x1;
	[tilespmem:v16+s10+$0x0] =	vst.idx.add.f32.msk $0xffff, v0;
	v49 =	vmul.f32 $5.000000000e-01, v13  }
0x80: {  	v53 =	vmul.f32 v18, v58;
	v8 =	vsub.f32 $1.500000000e+00, v51;
	[tilespmem:v11+s9+$0x0] =	vst.idx.add.f32.msk $0xffff, v27;
	v28 =	vsub.s32 $0x5F3759DF, v48  }
0x81: {  	v50 =	vmul.f32 v42, v31;
	v23 =	vsub.f32 $1.500000000e+00, v23;
	[tilespmem:v11+s10+$0x0] =	vst.idx.add.f32.msk $0xffff, v0;
	v52 =	vmul.f32 v28, v49  }
0x82: {  	v24 =	vnsel vm7, $0x0, v24;
	v26 =	vmul.f32 v53, v18;
	v8 =	vmul.f32 v47, v8;
	[tilespmem:v5+s9+$0x0] =	vst.idx.add.f32.msk $0xffff, v37  }
0x83: {  	v2 =	vnsel vm8, $0x0, v2;
	v19 =	vmul.f32 v19, v23;
	v11 =	vmul.f32 v28, v52;
	[tilespmem:v5+s10+$0x0] =	vst.idx.add.f32.msk $0xffff, v0  }
0x84: {  	v54 =	vmul.f32 v30, v12;
	v55 =	vsub.f32 $1.500000000e+00, v50;
	v56 =	vsub.f32 $1.500000000e+00, v26;
	[tilespmem:v14+s9+$0x0] =	vst.idx.add.f32.msk $0xffff, v24  }
0x85: {  	v17 =	vmul.f32 v8, v46;
	v22 =	vmul.f32 v19, v35;
	v11 =	vsub.f32 $1.500000000e+00, v11;
	[tilespmem:v14+s10+$0x0] =	vst.idx.add.f32.msk $0xffff, v0  }
0x86: {  	vm10 =	vgt.f32 v12, $0.0e+00;
	v5 =	vmul.f32 v55, v31;
	v12 =	vmul.f32 v56, v18;
	[tilespmem:v15+s9+$0x0] =	vst.idx.add.f32.msk $0xffff, v2  }
0x87: {  	v20 =	vnsel vm9, $0x0, v36;
	v57 =	vmul.f32 v22, v19;
	v11 =	vmul.f32 v28, v11;
	[tilespmem:v15+s10+$0x0] =	vst.idx.add.f32.msk $0xffff, v0  }
0x88: {  	v58 =	vmul.f32 v17, v8;
	v5 =	vmul.f32 v5, v21;
	[tilespmem:v9+s9+$0x0] =	vst.idx.add.f32.msk $0xffff, v20  }
0x89: {  	v2 =	vnsel vm10, $0x0, v54;
	v14 =	vsub.f32 $1.500000000e+00, v57;
	v16 =	vmul.f32 v11, v49;
	[tilespmem:v9+s10+$0x0] =	vst.idx.add.f32.msk $0xffff, v0  }
0x8a: {  	vm11 =	vgt.f32 v21, $0.0e+00;
	v59 =	vmul.f32 v12, v7;
	v60 =	vsub.f32 $1.500000000e+00, v58;
	[tilespmem:v3+s9+$0x0] =	vst.idx.add.f32.msk $0xffff, v2  }
0x8b: {  	v5 =	vnsel vm11, $0x0, v5;
	v2 =	vmul.f32 v14, v19;
	v61 =	vmul.f32 v16, v11;
	[tilespmem:v3+s10+$0x0] =	vst.idx.add.f32.msk $0xffff, v0  }
0x8c: {  	vm12 =	vgt.f32 v7, $0.0e+00;
	v62 =	vmul.f32 v60, v8;
	[tilespmem:v1+s9+$0x0] =	vst.idx.add.f32.msk $0xffff, v5  }
0x8d: {  	v3 =	vnsel vm12, $0x0, v59;
	v2 =	vmul.f32 v2, v33;
	v63 =	vsub.f32 $1.500000000e+00, v61;
	[tilespmem:v1+s10+$0x0] =	vst.idx.add.f32.msk $0xffff, v0  }
0x8e: {  	vm13 =	vgt.f32 v33, $0.0e+00;
	[tilespmem:v4+s9+$0x0] =	vst.idx.add.f32.msk $0xffff, v3  }
0x8f: {  	v1 =	vnsel vm13, $0x0, v2;
	v2 =	vmul.f32 v62, v10;
	v3 =	vmul.f32 v63, v11;
	[tilespmem:v4+s10+$0x0] =	vst.idx.add.f32.msk $0xffff, v0  }
0x90: {  	p0 =	sne.s32 s7, $0x63C0;
	vm14 =	vgt.f32 v10, $0.0e+00;
	[tilespmem:v6+s9+$0x0] =	vst.idx.add.f32.msk $0xffff, v1  }
.Ltmp1:
0x91: {  	v1 =	vnsel vm14, $0x0, v2;
	v2 =	vmul.f32 v3, v13;
	[tilespmem:v6+s10+$0x0] =	vst.idx.add.f32.msk $0xffff, v0;
	(pc) =	sbr.rel @p0 .LBB2_3-.Ltmp1, $4  }
0x92: {  	vm15 =	vgt.f32 v13, $0.0e+00;
	[tilespmem:v41+s9+$0x0] =	vst.idx.add.f32.msk $0xffff, v1  }
0x93: {  	v1 =	vnsel vm15, $0x0, v2;
	[tilespmem:v41+s10+$0x0] =	vst.idx.add.f32.msk $0xffff, v0  }
0x94: {  	[tilespmem:v34+s9+$0x0] =	vst.idx.add.f32.msk $0xffff, v1  }
0x95: {  	s7 =	sadd.s32 $0x400, s7;
	s8 =	sadd.s32 $0x400, s8;
	[tilespmem:v34+s10+$0x0] =	vst.idx.add.f32.msk $0xffff, v0  }
0x96: {  	s7 =	smul.u32 $0x2400, s0  }
0x97: {  	_ =	strace $0x9000004A;
	s10 =	simm.s32 $0x80  }
0x98: {  	s8 =	simm.s32 $0x100;
	s31 =	simm.s32 $0x7D00;
	s7 =	sshrl.u32 s7, $0x2  }
0x99: {  	_ =	strace $0x8000004B;
	s9 =	sadd.s32 s7, s6;
	s7 =	simm.s32 $0x1  }
0x9a: {  	[spmem:s9] =	stream.strided.scatter [tilespmem:s31], [sflag:$0x1], $0x480, s8, s10, $0x200038;
	[tilespmem:$0xA4C8] =	vst v63  }
0x9b: {  	_ =	swait.ge [sflag:s7], $0x480  }
0x9c: {  	s11 =	simm.s32 $0x8180;
	[sflag:s7] =	ssyncset.done $0x0  }
0x9d: {  	p0 =	sgt.u32 s0, $0x8;
	s9 =	sadd.s32 $0x80, s9;
	[sflag:s7] =	ssyncadd.s32 $0xFFFFFB80  }
0x9e: {  	[spmem:s9] =	stream.strided.scatter [tilespmem:s11], [sflag:$0x1], $0x480, s8, s10, $0x200038;
	[tilespmem:$0xA4C8] =	vst v63  }
.Ltmp2:
0x9f: {  	_ =	swait.ge [sflag:s7], $0x480;
	(pc) =	sbr.rel @p0 .LBB2_8-.Ltmp2, $3  }
0xa0: {  	[sflag:s7] =	ssyncset.done $0x0  }
0xa1: {  	[sflag:s7] =	ssyncadd.s32 $0xFFFFFB80  }
0xa2: {  	[bflag:$0x0] =	sbarrier.arrive $0xFFFF;
	_ =	sdelay $0x1  }
0xa3: {  	s9 =	sshll.u32 s0, $0x8  }
0xa4: {  	s31 =	simm.s32 $0x900;
	s10 =	simm.s32 $0x8B80;
	s6 =	sadd.s32 s9, s6  }
0xa5: {  	[tilespmem:s10], [sflag:$0x1] =	stream.strided.gather [spmem:s6], $0x1000, s31, s8, $0x200038;
	[tilespmem:$0xA4C8] =	vst v63  }
0xa6: {  	_ =	swait.ge [sflag:s7], $0x1000  }
0xa7: {  	[sflag:s7] =	ssyncset.done $0x0  }
0xa8: {  	s6 =	simm.s32 $0x0;
	[sflag:s7] =	ssyncadd.s32 $0xFFFFF000  }
0xa9: {  	v0 =	vld [tilespmem:s6+$0x8C00];
	_ =	sdelay $0x1  }
0xaa: {  	v1 =	vld [tilespmem:s6+$0x8D00];
	_ =	sdelay $0x1  }
0xab: {  	v2 =	vld [tilespmem:s6+$0x8E00]  }
0xac: {  	v0 =	vadd.f32 $0.0e+00, v0  }
0xad: {  	v3 =	vld [tilespmem:s6+$0x8F00]  }
0xae: {  	v0 =	vadd.f32 v1, v0  }
0xaf: {  	v1 =	vld [tilespmem:s6+$0x9000]  }
0xb0: {  	v0 =	vadd.f32 v2, v0  }
0xb1: {  	v2 =	vld [tilespmem:s6+$0x9100]  }
0xb2: {  	v4 =	vld [tilespmem:s6+$0x8B80];
	v0 =	vadd.f32 v3, v0  }
0xb3: {  	v3 =	vld [tilespmem:s6+$0x9200]  }
0xb4: {  	v5 =	vld [tilespmem:s6+$0x8C80];
	v0 =	vadd.f32 v1, v0  }
0xb5: {  	v1 =	vld [tilespmem:s6+$0x9300]  }
0xb6: {  	v6 =	vld [tilespmem:s6+$0x8D80];
	v0 =	vadd.f32 v2, v0  }
0xb7: {  	v2 =	vadd.f32 $0.0e+00, v4;
	v4 =	vld [tilespmem:s6+$0x9400]  }
0xb8: {  	v7 =	vld [tilespmem:s6+$0x8E80];
	v0 =	vadd.f32 v3, v0  }
0xb9: {  	v2 =	vadd.f32 v5, v2;
	v3 =	vld [tilespmem:s6+$0x9500]  }
0xba: {  	v5 =	vld [tilespmem:s6+$0x8F80];
	v0 =	vadd.f32 v1, v0  }
0xbb: {  	v1 =	vadd.f32 v6, v2;
	v2 =	vld [tilespmem:s6+$0x9600]  }
0xbc: {  	v6 =	vld [tilespmem:s6+$0x9080];
	v0 =	vadd.f32 v4, v0  }
0xbd: {  	v1 =	vadd.f32 v7, v1;
	v4 =	vld [tilespmem:s6+$0x9700]  }
0xbe: {  	v8 =	vld [tilespmem:s6+$0x9180];
	v0 =	vadd.f32 v3, v0  }
0xbf: {  	v1 =	vadd.f32 v5, v1;
	v3 =	vld [tilespmem:s6+$0x9800]  }
0xc0: {  	v5 =	vld [tilespmem:s6+$0x9280];
	v0 =	vadd.f32 v2, v0  }
0xc1: {  	v1 =	vadd.f32 v6, v1;
	v6 =	vld [tilespmem:s6+$0x9900]  }
0xc2: {  	v7 =	vld [tilespmem:s6+$0x9380];
	v2 =	vadd.f32 v4, v0  }
0xc3: {  	v4 =	vadd.f32 v8, v1;
	v0 =	vld [tilespmem:s6+$0x9A00]  }
0xc4: {  	v1 =	vld [tilespmem:s6+$0x9480];
	v8 =	vadd.f32 v3, v2  }
0xc5: {  	v4 =	vadd.f32 v5, v4;
	v2 =	vld [tilespmem:s6+$0x9B00]  }
0xc6: {  	v3 =	vld [tilespmem:s6+$0x9580];
	v5 =	vadd.f32 v6, v8  }
0xc7: {  	s5 =	sadd.s32 s5, s4;
	s9 =	simm.s32 $0x80;
	s8 =	simm.s32 $0x10;
	v6 =	vadd.f32 v7, v4;
	v4 =	vld [tilespmem:s6+$0x9680]  }
.LBB2_6:
0xc8: {  	p0 =	sne.s32 s9, $0x1C0;
	v7 =	vld [tilespmem:s8+$0x8C00];
	v0 =	vadd.f32 v0, v5  }
0xc9: {  	v1 =	vadd.f32 v1, v6;
	v5 =	vld [tilespmem:s6+$0x9780]  }
0xca: {  	v6 =	vld [tilespmem:s8+$0x8D00];
	v0 =	vadd.f32 v2, v0  }
0xcb: {  	v1 =	vadd.f32 v3, v1;
	v2 =	vld [tilespmem:s6+$0x9880]  }
0xcc: {  	v3 =	vld [tilespmem:s8+$0x8E00];
	v0 =	vmax.f32 v0, $1.000000000e+00  }
0xcd: {  	v7 =	vadd.f32 $0.0e+00, v7;
	v1 =	vadd.f32 v4, v1;
	v4 =	vld [tilespmem:s6+$0x9980];
	(erf) = vrcp.f32 v0  }
0xce: {  	v0 =	vld [tilespmem:s8+$0x8F00]  }
0xcf: {  	v6 =	vadd.f32 v6, v7;
	v1 =	vadd.f32 v5, v1;
	v5 =	vld [tilespmem:s6+$0x9A80]  }
0xd0: {  	v7 =	vld [tilespmem:s8+$0x9000]  }
0xd1: {  	v3 =	vadd.f32 v3, v6;
	v6 =	vld [tilespmem:s8+$0x9180];
	v1 =	vadd.f32 v2, v1  }
0xd2: {  	v2 =	vld [tilespmem:s8+$0x9100]  }
0xd3: {  	v8 =	vld [tilespmem:s8+$0x8B80];
	v0 =	vadd.f32 v0, v3;
	v1 =	vadd.f32 v4, v1  }
0xd4: {  	v3 =	vld [tilespmem:s8+$0x9200]  }
0xd5: {  	v4 =	vld [tilespmem:s8+$0x8C80];
	v0 =	vadd.f32 v7, v0;
	v1 =	vadd.f32 v5, v1  }
0xd6: {  	v5 =	vld [tilespmem:s8+$0x9300];
	v7 =	vpop (erf)  }
0xd7: {  	v9 =	vld [tilespmem:s8+$0x8D80];
	v0 =	vadd.f32 v2, v0;
	v1 =	vmul.f32 v7, v1  }
0xd8: {  	v2 =	vadd.f32 $0.0e+00, v8;
	v7 =	vld [tilespmem:s8+$0x9400]  }
0xd9: {  	v8 =	vld [tilespmem:s8+$0x8E80];
	v0 =	vadd.f32 v3, v0;
	v1 =	vmax.f32 v1, $9.999999930e-09  }
0xda: {  	v2 =	vadd.f32 v4, v2;
	v3 =	vld [tilespmem:s8+$0x9500];
	(erf) = vrcp.f32 v1  }
0xdb: {  	v1 =	vld [tilespmem:s8+$0x8F80];
	v0 =	vadd.f32 v5, v0  }
0xdc: {  	v2 =	vadd.f32 v9, v2;
	v4 =	vld [tilespmem:s8+$0x9600]  }
0xdd: {  	v5 =	vld [tilespmem:s8+$0x9080];
	v0 =	vadd.f32 v7, v0  }
0xde: {  	v2 =	vadd.f32 v8, v2;
	v7 =	vld [tilespmem:s8+$0x9700]  }
0xdf: {  	v0 =	vadd.f32 v3, v0;
	v3 =	vld [tilespmem:$0x8B00]  }
0xe0: {  	v1 =	vadd.f32 v1, v2;
	v2 =	vld [tilespmem:s8+$0x9800]  }
0xe1: {  	v8 =	vld [tilespmem:s8+$0x9280];
	v0 =	vadd.f32 v4, v0  }
0xe2: {  	v1 =	vadd.f32 v5, v1;
	v4 =	vld [tilespmem:s8+$0x9900]  }
0xe3: {  	v9 =	vld [tilespmem:s8+$0x9380];
	v5 =	vadd.f32 v7, v0;
	v7 =	vpop (erf)  }
.Ltmp3:
0xe4: {  	v6 =	vadd.f32 v6, v1;
	v0 =	vld [tilespmem:s8+$0x9A00];
	v3 =	vmul.f32 v7, v3;
	(pc) =	sbr.rel @p0 .LBB2_6-.Ltmp3, $4  }
0xe5: {  	v1 =	vld [tilespmem:s8+$0x9480];
	v5 =	vadd.f32 v2, v5  }
0xe6: {  	v6 =	vadd.f32 v8, v6;
	v2 =	vld [tilespmem:s8+$0x9B00];
	[tilespmem:s6+$0x8A80] =	vst v3;
	s6 =	smov.u32 s8  }
0xe7: {  	v3 =	vld [tilespmem:s6+$0x9580];
	v5 =	vadd.f32 v4, v5  }
0xe8: {  	s8 =	sshra.s32 s9, $0x2;
	s9 =	sadd.s32 $0x40, s9;
	v6 =	vadd.f32 v9, v6;
	v4 =	vld [tilespmem:s6+$0x9680]  }
0xe9: {  	v7 =	vld [tilespmem:s8+$0x8C00];
	v0 =	vadd.f32 v0, v5  }
0xea: {  	v25 =	vld [tilespmem:s6+$0x9780];
	v1 =	vadd.f32 v1, v6  }
0xeb: {  	v26 =	vld [tilespmem:s8+$0x8D00];
	v0 =	vadd.f32 v2, v0  }
0xec: {  	v27 =	vld [tilespmem:s6+$0x9880];
	v1 =	vadd.f32 v3, v1  }
0xed: {  	v28 =	vld [tilespmem:s8+$0x8E00];
	v0 =	vmax.f32 v0, $1.000000000e+00  }
0xee: {  	v8 =	vld [tilespmem:s6+$0x9980];
	v7 =	vadd.f32 $0.0e+00, v7;
	v1 =	vadd.f32 v4, v1;
	(erf) = vrcp.f32 v0  }
0xef: {  	v29 =	vld [tilespmem:s8+$0x8F00]  }
0xf0: {  	v30 =	vld [tilespmem:s6+$0x9A80];
	v6 =	vadd.f32 v26, v7;
	v1 =	vadd.f32 v25, v1  }
0xf1: {  	v31 =	vld [tilespmem:s8+$0x9000]  }
0xf2: {  	v32 =	vld [tilespmem:s8+$0x9180];
	v3 =	vadd.f32 v28, v6;
	v1 =	vadd.f32 v27, v1  }
0xf3: {  	v33 =	vld [tilespmem:s8+$0x9100]  }
0xf4: {  	v34 =	vld [tilespmem:s8+$0x8B80];
	v0 =	vadd.f32 v29, v3;
	v1 =	vadd.f32 v8, v1  }
0xf5: {  	v35 =	vld [tilespmem:s8+$0x9200]  }
0xf6: {  	v36 =	vld [tilespmem:s8+$0x8C80];
	v0 =	vadd.f32 v31, v0;
	v1 =	vadd.f32 v30, v1  }
0xf7: {  	v37 =	vld [tilespmem:s8+$0x9300];
	v38 =	vpop (erf)  }
0xf8: {  	v9 =	vld [tilespmem:s8+$0x8D80];
	v0 =	vadd.f32 v33, v0;
	v1 =	vmul.f32 v38, v1  }
0xf9: {  	v39 =	vld [tilespmem:s8+$0x9400];
	v40 =	vadd.f32 $0.0e+00, v34  }
0xfa: {  	v41 =	vld [tilespmem:s8+$0x8E80];
	v0 =	vadd.f32 v35, v0;
	v1 =	vmax.f32 v1, $9.999999930e-09  }
0xfb: {  	v42 =	vld [tilespmem:s8+$0x9500];
	v5 =	vadd.f32 v36, v40;
	(erf) = vrcp.f32 v1  }
0xfc: {  	v43 =	vld [tilespmem:s8+$0x8F80];
	v0 =	vadd.f32 v37, v0  }
0xfd: {  	v44 =	vld [tilespmem:s8+$0x9600];
	v5 =	vadd.f32 v9, v5  }
0xfe: {  	v45 =	vld [tilespmem:s8+$0x9080];
	v0 =	vadd.f32 v39, v0  }
0xff: {  	v46 =	vld [tilespmem:s8+$0x9700];
	v5 =	vadd.f32 v41, v5  }
0x100: {  	v47 =	vld [tilespmem:$0x8B00];
	v0 =	vadd.f32 v42, v0  }
0x101: {  	v48 =	vld [tilespmem:s8+$0x9800];
	v1 =	vadd.f32 v43, v5  }
0x102: {  	v49 =	vld [tilespmem:s8+$0x9280];
	v0 =	vadd.f32 v44, v0  }
0x103: {  	v50 =	vld [tilespmem:s8+$0x9900];
	v1 =	vadd.f32 v45, v1  }
0x104: {  	v51 =	vld [tilespmem:s8+$0x9380];
	v0 =	vadd.f32 v46, v0;
	v52 =	vpop (erf)  }
0x105: {  	v53 =	vld [tilespmem:s8+$0x9A00];
	v1 =	vadd.f32 v32, v1;
	v2 =	vmul.f32 v52, v47  }
0x106: {  	v54 =	vld [tilespmem:s8+$0x9480];
	v0 =	vadd.f32 v48, v0  }
0x107: {  	v55 =	vld [tilespmem:s8+$0x9B00];
	v1 =	vadd.f32 v49, v1;
	[tilespmem:s6+$0x8A80] =	vst v2  }
0x108: {  	v2 =	vld [tilespmem:s8+$0x9580];
	v0 =	vadd.f32 v50, v0  }
0x109: {  	v1 =	vadd.f32 v51, v1  }
0x10a: {  	v56 =	vld [tilespmem:s8+$0x9680];
	v0 =	vadd.f32 v53, v0  }
0x10b: {  	v1 =	vadd.f32 v54, v1  }
0x10c: {  	v57 =	vld [tilespmem:s8+$0x9780];
	v0 =	vadd.f32 v55, v0  }
0x10d: {  	v1 =	vadd.f32 v2, v1  }
0x10e: {  	v58 =	vld [tilespmem:s8+$0x9880];
	v0 =	vmax.f32 v0, $1.000000000e+00  }
0x10f: {  	v1 =	vadd.f32 v56, v1;
	(erf) = vrcp.f32 v0  }
0x110: {  	v59 =	vld [tilespmem:s8+$0x9980]  }
0x111: {  	v1 =	vadd.f32 v57, v1  }
0x112: {  	v60 =	vld [tilespmem:s8+$0x9A80]  }
0x113: {  	v1 =	vadd.f32 v58, v1;
	_ =	sdelay $0x1  }
0x114: {  	v0 =	vadd.f32 v59, v1;
	_ =	sdelay $0x1  }
0x115: {  	v0 =	vadd.f32 v60, v0  }
0x116: {  	v61 =	vpop (erf)  }
0x117: {  	v0 =	vmul.f32 v61, v0;
	_ =	sdelay $0x1  }
0x118: {  	v0 =	vmax.f32 v0, $9.999999930e-09  }
0x119: {  	(erf) = vrcp.f32 v0;
	_ =	sdelay $0x4  }
0x11a: {  	v62 =	vld [tilespmem:$0x8B00];
	_ =	sdelay $0x3  }
0x11b: {  	v63 =	vpop (erf)  }
0x11c: {  	v0 =	vmul.f32 v63, v62;
	_ =	sdelay $0x1  }
0x11d: {  	s30 =	simm.s32 $0x8A80;
	s31 =	simm.s32 $0x1;
	[tilespmem:s8+$0x8A80] =	vst v0  }
0x11e: {  	[spmem:s5] =	stream.linear.scatter [tilespmem:s30], [sflag:$0x1], $0x80, $0x200038;
	[tilespmem:$0xA4C8] =	vst v63  }
0x11f: {  	_ =	swait.ge [sflag:s31], $0x80  }
0x120: {  	[sflag:s31] =	ssyncset.done $0x0  }
0x121: {  	[sflag:s31] =	ssyncadd.s32 $0xFFFFFF80  }
.LBB2_8:
0x122: {  	[bflag:$0x0] =	sbarrier.arrive $0xFFFF;
	s5 =	simm.s32 $0x8600  }
0x123: {  	[tilespmem:s5], [sflag:$0x1] =	stream.linear.gather [spmem:s4], $0x480, $0x200038;
	[tilespmem:$0xA4C8] =	vst v63  }
0x124: {  	_ =	swait.ge [sflag:s7], $0x480  }
0x125: {  	[sflag:s7] =	ssyncset.done $0x0  }
0x126: {  	[sflag:s7] =	ssyncadd.s32 $0xFFFFFB80  }
0x127: {  	_ =	strace $0x9000004B  }
0x128: {  	s4 =	simm.s32 $0x200;
	_ =	strace $0x8000004C  }
0x129: {  	v3 =	vld [tilespmem:s4+$0x160]  }
0x12a: {  	v4 =	vld [tilespmem:s4+$0x30]  }
0x12b: {  	v5 =	vld [tilespmem:s4+$0x170]  }
0x12c: {  	v6 =	vld [tilespmem:s4+$0xF0]  }
0x12d: {  	v7 =	vld [tilespmem:s4+$0xB0]  }
0x12e: {  	v8 =	vld [tilespmem:s4+$0x130]  }
0x12f: {  	v9 =	vld [tilespmem:s4+$0x40]  }
0x130: {  	v10 =	vld [tilespmem:s4+$0xC0]  }
0x131: {  	v11 =	vld [tilespmem:s4+$0x150]  }
0x132: {  	v12 =	vld [tilespmem:s4+$0x60]  }
0x133: {  	s6 =	simm.s32 $0x0;
	v13 =	vld [tilespmem:s4+$0xE0]  }
0x134: {  	v0 =	vld [tilespmem:s6+$0x64F0]  }
0x135: {  	v2 =	vld [tilespmem:s6+$0x64E0]  }
0x136: {  	v14 =	vld [tilespmem:s6+$0x64D0]  }
0x137: {  	v15 =	vld [tilespmem:s6+$0x64B0]  }
0x138: {  	v16 =	vld [tilespmem:s6+$0x6480]  }
0x139: {  	v17 =	vld [tilespmem:s6+$0x6470]  }
0x13a: {  	v18 =	vld [tilespmem:s6+$0x6460]  }
0x13b: {  	v19 =	vld [tilespmem:s6+$0x64C0]  }
0x13c: {  	v20 =	vld [tilespmem:s6+$0x6420]  }
0x13d: {  	v22 =	vld [tilespmem:s6+$0x64A0]  }
0x13e: {  	v45 =	vld [tilespmem:s6+$0x6490]  }
0x13f: {  	v46 =	vld [tilespmem:s6+$0x6400]  }
0x140: {  	v23 =	vld [tilespmem:s6+$0x6450]  }
0x141: {  	v24 =	vld [tilespmem:s6+$0x6440]  }
0x142: {  	v25 =	vld [tilespmem:s6+$0x6430]  }
0x143: {  	v26 =	vld [tilespmem:s6+$0x6410]  }
0x144: {  	v27 =	vld [tilespmem:s4+$0x120]  }
0x145: {  	v47 =	vld [tilespmem:s4+$0xA0]  }
0x146: {  	v1 =	vld.idx.msk [tilespmem:v0+s5+$0x0], $0xffff  }
0x147: {  	v21 =	vld.idx.msk [tilespmem:v2+s5+$0x0], $0xffff  }
0x148: {  	v0 =	vld.idx.msk [tilespmem:v14+s5+$0x0], $0xffff  }
0x149: {  	v44 =	vld.idx.msk [tilespmem:v15+s5+$0x0], $0xffff  }
0x14a: {  	v16 =	vld.idx.msk [tilespmem:v16+s5+$0x0], $0xffff  }
0x14b: {  	v17 =	vld.idx.msk [tilespmem:v17+s5+$0x0], $0xffff  }
0x14c: {  	v2 =	vld.idx.msk [tilespmem:v19+s5+$0x0], $0xffff  }
0x14d: {  	v20 =	vld.idx.msk [tilespmem:v20+s5+$0x0], $0xffff  }
0x14e: {  	v22 =	vld.idx.msk [tilespmem:v22+s5+$0x0], $0xffff  }
0x14f: {  	v18 =	vld.idx.msk [tilespmem:v18+s5+$0x0], $0xffff  }
0x150: {  	v19 =	vld.idx.msk [tilespmem:v46+s5+$0x0], $0xffff  }
0x151: {  	v23 =	vld.idx.msk [tilespmem:v23+s5+$0x0], $0xffff  }
0x152: {  	v24 =	vld.idx.msk [tilespmem:v24+s5+$0x0], $0xffff  }
0x153: {  	v25 =	vld.idx.msk [tilespmem:v25+s5+$0x0], $0xffff;
	v11 =	vmul.f32 v11, v0  }
0x154: {  	v15 =	vld.idx.msk [tilespmem:v45+s5+$0x0], $0xffff;
	v13 =	vmul.f32 v13, v21  }
0x155: {  	v26 =	vld.idx.msk [tilespmem:v26+s5+$0x0], $0xffff;
	v12 =	vmul.f32 v12, v21;
	[tilespmem:s4+$0x150] =	vst v11  }
0x156: {  	v48 =	vld [tilespmem:s4+$0x20];
	v5 =	vmul.f32 v5, v1;
	[tilespmem:s4+$0xE0] =	vst v13  }
0x157: {  	v49 =	vld [tilespmem:s4+$0x90];
	v6 =	vmul.f32 v6, v1;
	[tilespmem:s4+$0x60] =	vst v12  }
0x158: {  	v50 =	vld [tilespmem:s4+$0xFFFFFF70];
	v10 =	vmul.f32 v10, v2;
	[tilespmem:s4+$0x170] =	vst v5  }
0x159: {  	v51 =	vld [tilespmem:s4+$0xFFFFFEF0];
	v3 =	vmul.f32 v3, v21;
	[tilespmem:s4+$0xF0] =	vst v6  }
0x15a: {  	v52 =	vld [tilespmem:s4+$0xFFFFFE70];
	v8 =	vmul.f32 v8, v44;
	[tilespmem:s4+$0xC0] =	vst v10  }
0x15b: {  	v53 =	vld [tilespmem:s4+$0xFFFFFEE0];
	v4 =	vmul.f32 v4, v44;
	[tilespmem:s4+$0x160] =	vst v3  }
0x15c: {  	v58 =	vld [tilespmem:s4+$0xFFFFFF10];
	v6 =	vmul.f32 v9, v2;
	[tilespmem:s4+$0x130] =	vst v8  }
0x15d: {  	v5 =	vld [tilespmem:s4+$0x110];
	v3 =	vmul.f32 v7, v44;
	[tilespmem:s4+$0x30] =	vst v4  }
0x15e: {  	v9 =	vld [tilespmem:s4+$0x10];
	v8 =	vmul.f32 v27, v22;
	[tilespmem:s4+$0x40] =	vst v6  }
0x15f: {  	v11 =	vld [tilespmem:s4+$0x70];
	[tilespmem:s4+$0xB0] =	vst v3;
	v3 =	vmul.f32 v47, v22  }
0x160: {  	v7 =	vld [tilespmem:s4+$0x80];
	v4 =	vmul.f32 v48, v22;
	[tilespmem:s4+$0x120] =	vst v8  }
0x161: {  	v10 =	vld [tilespmem:s4+$0x100];
	[tilespmem:s4+$0xA0] =	vst v3;
	v3 =	vmul.f32 v49, v15  }
0x162: {  	v6 =	vld [tilespmem:s4+$0x0];
	[tilespmem:s4+$0x20] =	vst v4;
	v5 =	vmul.f32 v5, v15  }
0x163: {  	v54 =	vld [tilespmem:s4+$0xFFFFFF40];
	v4 =	vmul.f32 v9, v15;
	[tilespmem:s4+$0x90] =	vst v3  }
0x164: {  	v55 =	vld [tilespmem:s4+$0xFFFFFEC0];
	v1 =	vmul.f32 v11, v1;
	v11 =	vmul.f32 v58, v26;
	[tilespmem:s4+$0x110] =	vst v5  }
0x165: {  	v56 =	vld [tilespmem:s4+$0xFFFFFE40];
	v3 =	vmul.f32 v7, v16;
	[tilespmem:s4+$0x10] =	vst v4  }
0x166: {  	v57 =	vld [tilespmem:s4+$0xFFFFFEB0];
	v5 =	vmul.f32 v10, v16;
	[tilespmem:s4+$0xFFFFFF10] =	vst v11  }
0x167: {  	v8 =	vld [tilespmem:s4+$0xFFFFFF60];
	v4 =	vmul.f32 v6, v16;
	[tilespmem:s4+$0x80] =	vst v3  }
0x168: {  	v9 =	vld [tilespmem:s4+$0xFFFFFE60];
	v3 =	vmul.f32 v51, v17;
	[tilespmem:s4+$0x100] =	vst v5  }
0x169: {  	v7 =	vld [tilespmem:s4+$0xFFFFFED0];
	v5 =	vmul.f32 v50, v17;
	[tilespmem:s4+$0x0] =	vst v4  }
0x16a: {  	v10 =	vld [tilespmem:s4+$0xFFFFFF50];
	v4 =	vmul.f32 v52, v17;
	[tilespmem:s4+$0xFFFFFEF0] =	vst v3  }
0x16b: {  	v6 =	vld [tilespmem:s4+$0xFFFFFE50];
	v3 =	vmul.f32 v53, v18;
	[tilespmem:s4+$0xFFFFFF70] =	vst v5  }
0x16c: {  	v59 =	vld [tilespmem:s4+$0xFFFFFE90];
	v5 =	vmul.f32 v8, v18;
	[tilespmem:s4+$0xFFFFFE70] =	vst v4  }
0x16d: {  	v60 =	vld [tilespmem:s4+$0xFFFFFE10];
	v4 =	vmul.f32 v9, v18;
	[tilespmem:s4+$0xFFFFFEE0] =	vst v3  }
0x16e: {  	v8 =	vld [tilespmem:s4+$0xFFFFFF30];
	v3 =	vmul.f32 v7, v23;
	[tilespmem:s4+$0xFFFFFF60] =	vst v5  }
0x16f: {  	v9 =	vld [tilespmem:s4+$0xFFFFFE30];
	v5 =	vmul.f32 v10, v23;
	[tilespmem:s4+$0xFFFFFE60] =	vst v4  }
0x170: {  	v10 =	vld [tilespmem:s4+$0xFFFFFF20];
	v4 =	vmul.f32 v6, v23;
	[tilespmem:s4+$0xFFFFFED0] =	vst v3  }
0x171: {  	v6 =	vld [tilespmem:s4+$0xFFFFFE20];
	v3 =	vmul.f32 v55, v24;
	[tilespmem:s4+$0xFFFFFF50] =	vst v5  }
0x172: {  	v61 =	vld [tilespmem:s4+$0xFFFFFF00];
	v5 =	vmul.f32 v54, v24;
	[tilespmem:s4+$0xFFFFFE50] =	vst v4  }
0x173: {  	v7 =	vld [tilespmem:s4+$0xFFFFFEA0];
	v4 =	vmul.f32 v56, v24;
	[tilespmem:s4+$0xFFFFFEC0] =	vst v3  }
0x174: {  	v62 =	vld [tilespmem:s4+$0xFFFFFE80];
	[tilespmem:s4+$0xFFFFFF40] =	vst v5;
	v5 =	vmul.f32 v8, v25  }
0x175: {  	v63 =	vld [tilespmem:s4+$0xFFFFFE00];
	v3 =	vmul.f32 v57, v25;
	[tilespmem:s4+$0xFFFFFE40] =	vst v4;
	v4 =	vmul.f32 v9, v25  }
0x176: {  	v9 =	vmul.f32 v6, v20;
	[tilespmem:s4+$0xFFFFFF30] =	vst v5;
	v5 =	vmul.f32 v10, v20;
	v10 =	vld [tilespmem:s4+$0x140]  }
0x177: {  	v8 =	vld [tilespmem:s4+$0x50];
	[tilespmem:s4+$0xFFFFFEB0] =	vst v3  }
0x178: {  	v3 =	vmul.f32 v7, v20;
	[tilespmem:s4+$0xFFFFFE20] =	vst v9;
	v9 =	vld [tilespmem:s4+$0xD0]  }
0x179: {  	v6 =	vmul.f32 v61, v19;
	v7 =	vmul.f32 v62, v19;
	[tilespmem:s4+$0xFFFFFE30] =	vst v4  }
0x17a: {  	v4 =	vmul.f32 v59, v26;
	[tilespmem:s4+$0xFFFFFEA0] =	vst v3;
	v3 =	vmul.f32 v63, v19  }
0x17b: {  	s2 =	sadd.s32 s3, s2;
	s3 =	simm.s32 $0x400;
	s6 =	simm.s32 $0x600;
	[tilespmem:s4+$0xFFFFFF20] =	vst v5;
	v5 =	vmul.f32 v60, v26;
	v2 =	vmul.f32 v10, v2  }
.LBB2_9:
0x17c: {  	s7 =	sshra.s32 s3, $0x2;
	v10 =	vld [tilespmem:s6+$0x160];
	p0 =	sne.s32 s3, $0x6000;
	s3 =	sadd.s32 $0x400, s3;
	[tilespmem:s4+$0xFFFFFE90] =	vst v4;
	v4 =	vmul.f32 v8, v0  }
0x17d: {  	v8 =	vld [tilespmem:s6+$0x30];
	[tilespmem:s4+$0xFFFFFE10] =	vst v5;
	v0 =	vmul.f32 v9, v0  }
0x17e: {  	v5 =	vld [tilespmem:s6+$0x170];
	[tilespmem:s4+$0xFFFFFF00] =	vst v6  }
0x17f: {  	v6 =	vld [tilespmem:s6+$0xF0];
	[tilespmem:s4+$0xFFFFFE80] =	vst v7  }
0x180: {  	v7 =	vld [tilespmem:s6+$0xB0];
	[tilespmem:s4+$0xFFFFFE00] =	vst v3  }
0x181: {  	v9 =	vld [tilespmem:s6+$0x130];
	[tilespmem:s4+$0x140] =	vst v2  }
0x182: {  	v11 =	vld [tilespmem:s6+$0x40];
	[tilespmem:s4+$0x50] =	vst v4  }
0x183: {  	v12 =	vld [tilespmem:s6+$0xC0];
	[tilespmem:s4+$0xD0] =	vst v0  }
0x184: {  	v3 =	vld [tilespmem:s6+$0x150];
	[tilespmem:s4+$0x70] =	vst v1;
	s4 =	smov.u32 s6  }
0x185: {  	v1 =	vld [tilespmem:s6+$0x60]  }
0x186: {  	v4 =	vld [tilespmem:s6+$0xE0]  }
0x187: {  	v0 =	vld [tilespmem:s7+$0x64F0]  }
0x188: {  	v2 =	vld [tilespmem:s7+$0x64E0]  }
0x189: {  	v13 =	vld [tilespmem:s7+$0x64D0]  }
0x18a: {  	v14 =	vld [tilespmem:s7+$0x64B0]  }
0x18b: {  	v15 =	vld [tilespmem:s7+$0x6480]  }
0x18c: {  	v16 =	vld [tilespmem:s7+$0x6470]  }
0x18d: {  	v17 =	vld [tilespmem:s7+$0x6460]  }
0x18e: {  	v18 =	vld [tilespmem:s7+$0x64C0]  }
0x18f: {  	v19 =	vld.idx.msk [tilespmem:v0+s5+$0x0], $0xffff  }
0x190: {  	v20 =	vld [tilespmem:s7+$0x6420]  }
0x191: {  	v21 =	vld.idx.msk [tilespmem:v2+s5+$0x0], $0xffff  }
0x192: {  	v22 =	vld [tilespmem:s7+$0x64A0]  }
0x193: {  	v0 =	vld.idx.msk [tilespmem:v13+s5+$0x0], $0xffff  }
0x194: {  	v13 =	vld.idx.msk [tilespmem:v14+s5+$0x0], $0xffff  }
0x195: {  	v6 =	vmul.f32 v6, v19;
	v23 =	vmul.f32 v5, v19;
	v14 =	vld [tilespmem:s7+$0x6490]  }
0x196: {  	v15 =	vld.idx.msk [tilespmem:v15+s5+$0x0], $0xffff  }
0x197: {  	v24 =	vmul.f32 v1, v21;
	v10 =	vmul.f32 v10, v21;
	v16 =	vld.idx.msk [tilespmem:v16+s5+$0x0], $0xffff  }
0x198: {  	v1 =	vmul.f32 v4, v21;
	v2 =	vld.idx.msk [tilespmem:v18+s5+$0x0], $0xffff  }
0x199: {  	v18 =	vmul.f32 v3, v0;
	v5 =	vld [tilespmem:s7+$0x6400]  }
0x19a: {  	v21 =	vld [tilespmem:s7+$0x6450]  }
0x19b: {  	v25 =	vld [tilespmem:s7+$0x6440]  }
0x19c: {  	v26 =	vld [tilespmem:s7+$0x6430]  }
0x19d: {  	v27 =	vld [tilespmem:s7+$0x6410]  }
0x19e: {  	v4 =	vld.idx.msk [tilespmem:v20+s5+$0x0], $0xffff  }
0x19f: {  	v20 =	vld.idx.msk [tilespmem:v22+s5+$0x0], $0xffff  }
0x1a0: {  	v17 =	vld.idx.msk [tilespmem:v17+s5+$0x0], $0xffff  }
0x1a1: {  	v3 =	vld.idx.msk [tilespmem:v5+s5+$0x0], $0xffff  }
0x1a2: {  	v21 =	vld.idx.msk [tilespmem:v21+s5+$0x0], $0xffff  }
0x1a3: {  	v22 =	vld.idx.msk [tilespmem:v25+s5+$0x0], $0xffff  }
0x1a4: {  	v25 =	vld [tilespmem:s6+$0x70]  }
0x1a5: {  	v26 =	vld.idx.msk [tilespmem:v26+s5+$0x0], $0xffff  }
0x1a6: {  	v14 =	vld.idx.msk [tilespmem:v14+s5+$0x0], $0xffff  }
0x1a7: {  	v5 =	vld.idx.msk [tilespmem:v27+s5+$0x0], $0xffff  }
0x1a8: {  	v12 =	vmul.f32 v12, v2;
	v27 =	vld [tilespmem:s6+$0x120];
	[tilespmem:s6+$0x150] =	vst v18  }
0x1a9: {  	v11 =	vmul.f32 v11, v2;
	v18 =	vld [tilespmem:s6+$0xA0];
	[tilespmem:s6+$0xE0] =	vst v1;
	v1 =	vmul.f32 v25, v19  }
0x1aa: {  	v9 =	vmul.f32 v9, v13;
	v19 =	vld [tilespmem:s6+$0x20];
	[tilespmem:s6+$0x60] =	vst v24  }
0x1ab: {  	v7 =	vmul.f32 v7, v13;
	v24 =	vld [tilespmem:s6+$0x110];
	[tilespmem:s6+$0x170] =	vst v23  }
0x1ac: {  	v8 =	vmul.f32 v8, v13;
	v23 =	vld [tilespmem:s6+$0x90];
	[tilespmem:s6+$0xF0] =	vst v6  }
0x1ad: {  	v6 =	vld [tilespmem:s6+$0x10];
	v13 =	vmul.f32 v27, v20;
	[tilespmem:s6+$0xC0] =	vst v12  }
0x1ae: {  	v12 =	vld [tilespmem:s6+$0x100];
	v18 =	vmul.f32 v18, v20;
	[tilespmem:s6+$0x160] =	vst v10  }
0x1af: {  	v10 =	vld [tilespmem:s6+$0x80];
	v19 =	vmul.f32 v19, v20;
	[tilespmem:s6+$0x40] =	vst v11  }
0x1b0: {  	v11 =	vld [tilespmem:s6+$0x0];
	v20 =	vmul.f32 v24, v14;
	[tilespmem:s6+$0x130] =	vst v9  }
0x1b1: {  	v9 =	vld [tilespmem:s6+$0xFFFFFF70];
	v23 =	vmul.f32 v23, v14;
	[tilespmem:s6+$0xB0] =	vst v7  }
0x1b2: {  	v7 =	vld [tilespmem:s6+$0xFFFFFEF0];
	v6 =	vmul.f32 v6, v14;
	[tilespmem:s6+$0x30] =	vst v8  }
0x1b3: {  	v8 =	vld [tilespmem:s6+$0xFFFFFE70];
	v12 =	vmul.f32 v12, v15;
	[tilespmem:s6+$0x120] =	vst v13  }
0x1b4: {  	v13 =	vld [tilespmem:s6+$0xFFFFFF60];
	v10 =	vmul.f32 v10, v15;
	[tilespmem:s6+$0xA0] =	vst v18  }
0x1b5: {  	v14 =	vld [tilespmem:s6+$0xFFFFFEE0];
	v11 =	vmul.f32 v11, v15;
	[tilespmem:s6+$0x20] =	vst v19  }
0x1b6: {  	v15 =	vld [tilespmem:s6+$0xFFFFFE60];
	v9 =	vmul.f32 v9, v16;
	[tilespmem:s6+$0x110] =	vst v20  }
0x1b7: {  	v18 =	vld [tilespmem:s6+$0xFFFFFF50];
	v7 =	vmul.f32 v7, v16;
	[tilespmem:s6+$0x90] =	vst v23  }
0x1b8: {  	v19 =	vld [tilespmem:s6+$0xFFFFFED0];
	v8 =	vmul.f32 v8, v16;
	[tilespmem:s6+$0x10] =	vst v6  }
0x1b9: {  	v6 =	vld [tilespmem:s6+$0xFFFFFE50];
	v13 =	vmul.f32 v13, v17;
	[tilespmem:s6+$0x100] =	vst v12  }
0x1ba: {  	v12 =	vld [tilespmem:s6+$0xFFFFFF40];
	v14 =	vmul.f32 v14, v17;
	[tilespmem:s6+$0x80] =	vst v10  }
0x1bb: {  	v10 =	vld [tilespmem:s6+$0xFFFFFEC0];
	v15 =	vmul.f32 v15, v17;
	[tilespmem:s6+$0x0] =	vst v11  }
0x1bc: {  	v11 =	vld [tilespmem:s6+$0xFFFFFE40];
	v16 =	vmul.f32 v18, v21;
	[tilespmem:s6+$0xFFFFFF70] =	vst v9  }
0x1bd: {  	v9 =	vld [tilespmem:s6+$0xFFFFFF30];
	v17 =	vmul.f32 v19, v21;
	[tilespmem:s6+$0xFFFFFEF0] =	vst v7  }
0x1be: {  	v7 =	vld [tilespmem:s6+$0xFFFFFEB0];
	v6 =	vmul.f32 v6, v21;
	[tilespmem:s6+$0xFFFFFE70] =	vst v8  }
0x1bf: {  	v8 =	vld [tilespmem:s6+$0xFFFFFE30];
	v12 =	vmul.f32 v12, v22;
	[tilespmem:s6+$0xFFFFFF60] =	vst v13  }
0x1c0: {  	v13 =	vld [tilespmem:s6+$0xFFFFFF20];
	v10 =	vmul.f32 v10, v22;
	[tilespmem:s6+$0xFFFFFEE0] =	vst v14  }
0x1c1: {  	v14 =	vld [tilespmem:s6+$0xFFFFFEA0];
	v11 =	vmul.f32 v11, v22;
	[tilespmem:s6+$0xFFFFFE60] =	vst v15  }
0x1c2: {  	v15 =	vld [tilespmem:s6+$0xFFFFFE20];
	v9 =	vmul.f32 v9, v26;
	[tilespmem:s6+$0xFFFFFF50] =	vst v16  }
0x1c3: {  	v16 =	vld [tilespmem:s6+$0xFFFFFF10];
	v7 =	vmul.f32 v7, v26;
	[tilespmem:s6+$0xFFFFFED0] =	vst v17  }
0x1c4: {  	v17 =	vld [tilespmem:s6+$0xFFFFFE90];
	v8 =	vmul.f32 v8, v26;
	[tilespmem:s6+$0xFFFFFE50] =	vst v6  }
0x1c5: {  	v6 =	vld [tilespmem:s6+$0xFFFFFE10];
	v13 =	vmul.f32 v13, v4;
	[tilespmem:s6+$0xFFFFFF40] =	vst v12  }
0x1c6: {  	v12 =	vld [tilespmem:s6+$0xFFFFFF00];
	v14 =	vmul.f32 v14, v4;
	[tilespmem:s6+$0xFFFFFEC0] =	vst v10  }
0x1c7: {  	v10 =	vld [tilespmem:s6+$0xFFFFFE80];
	v15 =	vmul.f32 v15, v4;
	[tilespmem:s6+$0xFFFFFE40] =	vst v11  }
0x1c8: {  	v11 =	vld [tilespmem:s6+$0xFFFFFE00];
	v16 =	vmul.f32 v16, v5;
	[tilespmem:s6+$0xFFFFFF30] =	vst v9  }
0x1c9: {  	v4 =	vmul.f32 v17, v5;
	[tilespmem:s6+$0xFFFFFEB0] =	vst v7;
	v17 =	vld [tilespmem:s6+$0x140]  }
.Ltmp4:
0x1ca: {  	v5 =	vmul.f32 v6, v5;
	[tilespmem:s6+$0xFFFFFE30] =	vst v8;
	v8 =	vld [tilespmem:s6+$0x50];
	(pc) =	sbr.rel @p0 .LBB2_9-.Ltmp4, $4  }
0x1cb: {  	v6 =	vmul.f32 v12, v3;
	[tilespmem:s6+$0xFFFFFF20] =	vst v13;
	v9 =	vld [tilespmem:s6+$0xD0]  }
0x1cc: {  	v7 =	vmul.f32 v10, v3;
	[tilespmem:s6+$0xFFFFFEA0] =	vst v14  }
0x1cd: {  	v3 =	vmul.f32 v11, v3;
	[tilespmem:s6+$0xFFFFFE20] =	vst v15  }
0x1ce: {  	s6 =	sadd.s32 $0x400, s6;
	[tilespmem:s4+$0xFFFFFF10] =	vst v16;
	v2 =	vmul.f32 v17, v2  }
0x1cf: {  	[tilespmem:s4+$0xFFFFFE90] =	vst v4  }
0x1d0: {  	[tilespmem:s4+$0xFFFFFE10] =	vst v5  }
0x1d1: {  	[tilespmem:s4+$0xFFFFFF00] =	vst v6  }
0x1d2: {  	[tilespmem:s4+$0xFFFFFE80] =	vst v7  }
0x1d3: {  	[tilespmem:s4+$0xFFFFFE00] =	vst v3  }
0x1d4: {  	v62 =	vmul.f32 v8, v0;
	[tilespmem:s4+$0x70] =	vst v1  }
0x1d5: {  	v63 =	vmul.f32 v9, v0;
	[tilespmem:s4+$0x140] =	vst v2  }
0x1d6: {  	[tilespmem:s4+$0x50] =	vst v62  }
0x1d7: {  	[tilespmem:s4+$0xD0] =	vst v63  }
0x1d8: {  	_ =	strace $0x9000004C  }
0x1d9: {  	s3 =	simm.s32 $0x0;
	s31 =	simm.s32 $0x1;
	_ =	strace $0x8000004D  }
0x1da: {  	[hbm4b:s2+s3] =	stream.linear.scatter [tilespmem:s3], [sflag:$0x1], $0x6400, $0x200038;
	[tilespmem:$0xA4C8] =	vst v63  }
0x1db: {  	_ =	swait.ge [sflag:s31], $0x6400  }
0x1dc: {  	[sflag:s31] =	ssyncset.done $0x0  }
0x1dd: {  	[sflag:s31] =	ssyncadd.s32 $0xFFFF9C00  }
0x1de: {  	_ =	strace $0x9000004D  }
0x1df: {  	_ =	sfence.sel $0x180000  }
0x1e0: {  	[bflag:$0x0] =	sbarrier.arrive $0xFFFF  }
0x1e1: {  	p0 =	sne.s32 s0, $0x0;
	_ =	strace $0x90000047  }
0x1e2: {  	s0 =	sadd.s32 @!p0 $0x100000, s1;
	[bflag:$0x2] =	sbarrier.arrive $0xFFFF  }
0x1e3: {  	[sflag:s0] =	ssyncadd.tile.s32 @!p0 $0x1;
	_ =	shalt  }
.Lfunc_end2:
_tile_overlayer_lowered:
.L_overlay_start_2:
0x1e4: {  	(tag) =	ssettag $0x2  }
0x1e5: {  	s0 =	rddreg [dreg:$0x0];
	s2 =	stileid.u32  }
0x1e6: {  	s1 =	rddreg [dreg:$0x1];
	p0 =	sne.s32 s2, $0x0  }
0x1e7: {  	s3 =	rddreg [dreg:$0x2];
	[bflag:$0x3] =	sbarrier.arrive $0xFFFF;
	s2 =	simm.s32 @!p0 $0x1C01  }
0x1e8: {  	[timem:s3], [sflag:s2] =	dma.local @!p0 [hbm:s0], s1  }
0x1e9: {  	s0 =	simm.s32 @!p0 $0x1  }
0x1ea: {  	_ =	swait.ge @!p0 [sflag:s0], s1  }
0x1eb: {  	s1 =	ssub.s32 @!p0 $0x0, s1;
	[sflag:s0] =	ssyncset.done @!p0 $0x0  }
0x1ec: {  	[sflag:s0] =	ssyncadd.s32 @!p0 s1  }
0x1ed: {  	[bflag:$0x3] =	sbarrier.arrive $0xFFFF  }
0x1ee: {  	_ =	shalt  }

</sc_bundles>
